<compile_context>
chip_gen: v7x
topology: tpu7x:2x2x1
jax: 0.10.2.dev20260603
libtpu: 0.0.44.dev20260713+nightly
codegen_flags: <defaults>
</compile_context>

<pallas_src>
import functools

import jax
import jax.numpy as jnp
from jax import lax
from jax.experimental import pallas as pl
from jax.experimental.pallas import tpu as pltpu
from jax.experimental.pallas import tpu_sc as plsc

N = 100000
F = 16
NC, NS, CB = 2, 16, 512
NW = NC * NS
NP = 100224
RPT = NP // NS
TRASH = N
EP = 3276800
SPF = 320
SPS = 80
BN = 2000


def _make_segsum():
    mesh = plsc.VectorSubcoreMesh(
        core_axis_name="c", subcore_axis_name="s", num_cores=NC, num_subcores=NS
    )

    @functools.partial(
        pl.kernel,
        out_type=jax.ShapeDtypeStruct((NC, NP, F), jnp.float32),
        mesh=mesh,
        scratch_types=[
            pltpu.VMEM((3, CB), jnp.int32),
            pltpu.VMEM((3, CB), jnp.int32),
            pltpu.VMEM((2, CB, F), jnp.float32),
            pltpu.VMEM_SHARED((NP, F), jnp.float32),
            pltpu.SemaphoreType.DMA,
            pltpu.SemaphoreType.DMA,
            pltpu.SemaphoreType.DMA,
        ],
        compiler_params=pltpu.CompilerParams(use_tc_tiling_on_sc=False),
    )
    def segsum(h_hbm, src_hbm, dst_hbm, zero_hbm, out_hbm, sidx, didx, rows,
               agg, gsem, ssem, isem):
        c = lax.axis_index("c")
        s = lax.axis_index("s")

        pltpu.sync_copy(zero_hbm.at[pl.ds(s * RPT, RPT)],
                        agg.at[pl.ds(s * RPT, RPT)])
        plsc.subcore_barrier()

        steps = jnp.where(c == 0, SPF, SPS)
        base = jnp.where(c == 0, s * SPF, NS * SPF + s * SPS)

        pltpu.async_copy(src_hbm.at[base], sidx.at[0], isem)
        pltpu.async_copy(dst_hbm.at[base], didx.at[0], isem)

        def _iter(g, carry):
            i0 = g % 3
            i1 = (g + 1) % 3
            im = (g - 1) % 3
            p = g % 2
            q = (g + 1) % 2

            @pl.when(g >= 2)
            def _():
                pltpu.make_async_copy(
                    rows.at[p], agg.at[didx.at[i1]], ssem
                ).wait()

            @pl.when(g < steps)
            def _():
                pltpu.make_async_copy(src_hbm.at[base + g], sidx.at[i0], isem).wait()
                pltpu.make_async_copy(dst_hbm.at[base + g], didx.at[i0], isem).wait()
                pltpu.async_copy(h_hbm.at[sidx.at[i0]], rows.at[p], gsem)

            @pl.when(g + 1 < steps)
            def _():
                pltpu.async_copy(src_hbm.at[base + g + 1], sidx.at[i1], isem)
                pltpu.async_copy(dst_hbm.at[base + g + 1], didx.at[i1], isem)

            @pl.when(jnp.logical_and(g >= 1, g - 1 < steps))
            def _():
                pltpu.make_async_copy(
                    h_hbm.at[sidx.at[im]], rows.at[q], gsem
                ).wait()
                pltpu.async_copy(rows.at[q], agg.at[didx.at[im]], ssem, add=True)

            return carry

        lax.fori_loop(0, steps + 2, _iter, 0)
        plsc.subcore_barrier()
        pltpu.sync_copy(
            agg.at[pl.ds(s * RPT, RPT)], out_hbm.at[c, pl.ds(s * RPT, RPT)]
        )

    return segsum


_SEGSUM = _make_segsum()

_ROW = lambda i: (i, 0)
_FIX = lambda i: (0, 0)

NR = NP // 8
BNP = NR // 6


def _tc1_body(x_ref, w_ref, b_ref, h_ref):
    h_ref[...] = jax.nn.relu(
        jnp.dot(x_ref[...], w_ref[...], preferred_element_type=jnp.float32, precision=lax.Precision.HIGHEST)
        + b_ref[...]
    )


def _tc1(xp, w, b):
    return pl.pallas_call(
        _tc1_body,
        grid=(NR // BNP,),
        in_specs=[
            pl.BlockSpec((BNP, 128), _ROW),
            pl.BlockSpec((128, 128), _FIX),
            pl.BlockSpec((1, 128), _FIX),
        ],
        out_specs=pl.BlockSpec((BNP, 128), _ROW),
        out_shape=jax.ShapeDtypeStruct((NR, 128), jnp.float32),
    )(xp, w, b)


def _tc2_body(a0, a1, xr, wl, bl, wr, wp, bp, x2_ref, h2_ref):
    agg = a0[...] + a1[...]
    x2 = jax.nn.relu(
        jnp.dot(agg, wl[...], preferred_element_type=jnp.float32, precision=lax.Precision.HIGHEST)
        + bl[...]
        + jnp.dot(xr[...], wr[...], preferred_element_type=jnp.float32, precision=lax.Precision.HIGHEST)
    )
    x2_ref[...] = x2
    h2_ref[...] = jax.nn.relu(
        jnp.dot(x2, wp[...], preferred_element_type=jnp.float32, precision=lax.Precision.HIGHEST) + bp[...]
    )


def _tc2(a0, a1, xr, wl, bl, wr, wp, bp):
    return pl.pallas_call(
        _tc2_body,
        grid=(NR // BNP,),
        in_specs=[
            pl.BlockSpec((BNP, 128), _ROW),
            pl.BlockSpec((BNP, 128), _ROW),
            pl.BlockSpec((BNP, 128), _ROW),
            pl.BlockSpec((128, 128), _FIX),
            pl.BlockSpec((1, 128), _FIX),
            pl.BlockSpec((128, 128), _FIX),
            pl.BlockSpec((128, 128), _FIX),
            pl.BlockSpec((1, 128), _FIX),
        ],
        out_specs=[pl.BlockSpec((BNP, 128), _ROW), pl.BlockSpec((BNP, 128), _ROW)],
        out_shape=[
            jax.ShapeDtypeStruct((NR, 128), jnp.float32),
            jax.ShapeDtypeStruct((NR, 128), jnp.float32),
        ],
    )(a0, a1, xr, wl, bl, wr, wp, bp)


def _tc4_body(a0, a1, xr, wl, bl, wr, out_ref):
    agg = a0[...] + a1[...]
    out_ref[...] = jax.nn.sigmoid(
        jnp.dot(agg, wl[...], preferred_element_type=jnp.float32, precision=lax.Precision.HIGHEST)
        + bl[...]
        + jnp.dot(xr[...], wr[...], preferred_element_type=jnp.float32, precision=lax.Precision.HIGHEST)
    )


def _tc4(a0, a1, xr, wl, bl, wr):
    return pl.pallas_call(
        _tc4_body,
        grid=(NR // BNP,),
        in_specs=[
            pl.BlockSpec((BNP, 128), _ROW),
            pl.BlockSpec((BNP, 128), _ROW),
            pl.BlockSpec((BNP, 128), _ROW),
            pl.BlockSpec((128, 8), _FIX),
            pl.BlockSpec((1, 8), _FIX),
            pl.BlockSpec((128, 8), _FIX),
        ],
        out_specs=pl.BlockSpec((BNP, 8), _ROW),
        out_shape=jax.ShapeDtypeStruct((NR, 8), jnp.float32),
    )(a0, a1, xr, wl, bl, wr)


def kernel(x, edge_index, Wp1, bp1, Wl1, bl1, Wr1, Wp2, bp2, Wl2, bl2, Wr2,
           Wp3, bp3, Wl3, bl3, Wr3):
    f32 = jnp.float32
    eye8 = jnp.eye(8, dtype=f32)

    def kr(w):
        return jnp.kron(eye8, w)

    def b8(b):
        return jnp.tile(b.reshape(1, -1), (1, 8))

    xp = jnp.zeros((NP, F), f32).at[:N, :3].set(x).reshape(NR, 128)
    wp1 = kr(jnp.zeros((F, F), f32).at[:3, :3].set(Wp1.T))
    bp1p = b8(jnp.zeros((F,), f32).at[:3].set(bp1))
    wl1 = kr(jnp.zeros((F, F), f32).at[:3, :].set(Wl1.T))
    bl1p = b8(bl1)
    wr1 = kr(jnp.zeros((F, F), f32).at[:3, :].set(Wr1.T))
    wp2, bp2p, wl2, bl2p, wr2 = kr(Wp2.T), b8(bp2), kr(Wl2.T), b8(bl2), kr(Wr2.T)
    wp3, bp3p = kr(Wp3.T), b8(bp3)
    wl3, bl3p, wr3 = kr(Wl3.T), b8(bl3), kr(Wr3.T)

    src_ = edge_index[0]
    dst = edge_index[1]
    padn = EP - src_.shape[0]
    src2 = jnp.concatenate([src_, jnp.zeros((padn,), jnp.int32)]).reshape(EP // CB, CB)
    dst2 = jnp.concatenate([dst, jnp.full((padn,), TRASH, jnp.int32)]).reshape(EP // CB, CB)
    zf = jnp.zeros((NP, F), f32)

    def seg(h):
        a = _SEGSUM(h.reshape(NP, F), src2, dst2, zf)
        return a[0].reshape(NR, 128), a[1].reshape(NR, 128)

    h1 = _tc1(xp, wp1, bp1p)
    a0, a1 = seg(h1)
    x2, h2 = _tc2(a0, a1, xp, wl1, bl1p, wr1, wp2, bp2p)
    a0, a1 = seg(h2)
    x3, h3 = _tc2(a0, a1, x2, wl2, bl2p, wr2, wp3, bp3p)
    a0, a1 = seg(h3)
    out = _tc4(a0, a1, x3, wl3, bl3p, wr3)
    return out.reshape(NP, 1)[:N]

# --- scband reference (transcript-rebuilt; emitter-appended) ---
"""Pipeline reference for scband-my-model-22153441312925 (READ-ONLY COPY).

The authoritative reference and input builder live on the scoring server;
editing this copy changes nothing except your own understanding.
"""

import jax, jax.numpy as jnp
import numpy as np

N = 100000
E = 3200000


def _lin_params(key, fan_in, fan_out, bias=True):
    k1, k2 = jax.random.split(key)
    bound = 1.0 / np.sqrt(fan_in)
    W = jax.random.uniform(k1, (fan_out, fan_in), minval=-bound, maxval=bound, dtype=jnp.float32)
    if bias:
        b = jax.random.uniform(k2, (fan_out,), minval=-bound, maxval=bound, dtype=jnp.float32)
        return W, b
    return W, None


def setup_inputs(seed: int = 0) -> dict:
    key = jax.random.key(seed)
    ks = jax.random.split(key, 16)
    x = jax.random.normal(ks[0], (N, 3), dtype=jnp.float32)
    edge_index = jax.random.randint(ks[1], (2, E), 0, N, dtype=jnp.int32)
    # SAGEConv(3, 16, project=True, aggr='add')
    Wp1, bp1 = _lin_params(ks[2], 3, 3)
    Wl1, bl1 = _lin_params(ks[3], 3, 16)
    Wr1, _ = _lin_params(ks[4], 3, 16, bias=False)
    # SAGEConv(16, 16, project=True, aggr='add')
    Wp2, bp2 = _lin_params(ks[5], 16, 16)
    Wl2, bl2 = _lin_params(ks[6], 16, 16)
    Wr2, _ = _lin_params(ks[7], 16, 16, bias=False)
    # SAGEConv(16, 1, project=True, aggr='add')
    Wp3, bp3 = _lin_params(ks[8], 16, 16)
    Wl3, bl3 = _lin_params(ks[9], 16, 1)
    Wr3, _ = _lin_params(ks[10], 16, 1, bias=False)
    return {
        'x': x, 'edge_index': edge_index,
        'Wp1': Wp1, 'bp1': bp1, 'Wl1': Wl1, 'bl1': bl1, 'Wr1': Wr1,
        'Wp2': Wp2, 'bp2': bp2, 'Wl2': Wl2, 'bl2': bl2, 'Wr2': Wr2,
        'Wp3': Wp3, 'bp3': bp3, 'Wl3': Wl3, 'bl3': bl3, 'Wr3': Wr3,
    }


def _sage_conv(x, edge_index, Wp, bp, Wl, bl, Wr):
    # project=True: project source features, relu; root features stay unprojected
    h = jax.nn.relu(x @ Wp.T + bp)
    src = edge_index[0]
    dst = edge_index[1]
    # aggr='add': scatter-add messages h[src] into dst nodes
    agg = jax.ops.segment_sum(h[src], dst, num_segments=x.shape[0])
    out = agg @ Wl.T + bl
    out = out + x @ Wr.T  # root_weight (lin_r has no bias)
    return out


def reference(x, edge_index, Wp1, bp1, Wl1, bl1, Wr1, Wp2, bp2, Wl2, bl2, Wr2, Wp3, bp3, Wl3, bl3, Wr3):
    h = jax.nn.relu(_sage_conv(x, edge_index, Wp1, bp1, Wl1, bl1, Wr1))
    h = jax.nn.relu(_sage_conv(h, edge_index, Wp2, bp2, Wl2, bl2, Wr2))
    out = jax.nn.sigmoid(_sage_conv(h, edge_index, Wp3, bp3, Wl3, bl3, Wr3))
    return out

if __name__ == "__main__":
    import jax
    _d = setup_inputs()
    print(jax.jit(kernel)(*tuple(_d.values())))

</pallas_src>

<mosaic_0001>
#map = affine_map<(d0, d1) -> (0, 0)>
#map1 = affine_map<(d0, d1) -> (0, 0, 0)>
module attributes {stable_mosaic.version = 14 : i64} {
  func.func @segsum(%arg0: i32, %arg1: i32, %arg2: memref<100224x16xf32, #tpu.memory_space<hbm>>, %arg3: memref<6400x512xi32, #tpu.memory_space<hbm>>, %arg4: memref<6400x512xi32, #tpu.memory_space<hbm>>, %arg5: memref<100224x16xf32, #tpu.memory_space<hbm>>, %arg6: memref<2x100224x16xf32, #tpu.memory_space<hbm>>, %arg7: memref<3x512xi32, #tpu.memory_space<vmem>>, %arg8: memref<3x512xi32, #tpu.memory_space<vmem>>, %arg9: memref<2x512x16xf32, #tpu.memory_space<vmem>>, %arg10: memref<100224x16xf32, #tpu.memory_space<vmem_shared>>, %arg11: memref<!tpu.dma_semaphore, #tpu.memory_space<semaphore_mem>>, %arg12: memref<!tpu.dma_semaphore, #tpu.memory_space<semaphore_mem>>, %arg13: memref<!tpu.dma_semaphore, #tpu.memory_space<semaphore_mem>>) attributes {dimension_semantics = [#tpu.dimension_semantics<core_parallel>, #tpu.dimension_semantics<subcore_parallel>], iteration_bounds = array<i64: 2, 16>, scalar_prefetch = 0 : i64, scratch_operands = 7 : i64, tpu.core_type = #tpu.core_type<sc_vector_subcore>, window_params = [{transform_indices = #map}, {transform_indices = #map}, {transform_indices = #map}, {transform_indices = #map}, {transform_indices = #map1}]} {
    %mul3A = arith.constant 6264 : i32
    %mul3A_0 = arith.muli %arg1, %mul3A : i32
    %mul3A_1 = arith.constant 6264 : i32
    %mul3A_2 = arith.muli %arg1, %mul3A_1 : i32
    "tpu.region"() ({
      %run_scoped3A = tpu.sem_alloc : memref<!tpu.dma_semaphore, #tpu.memory_space<semaphore_mem>>
      %dma_start3A_54 = arith.constant 0 : i32
      %dma_start3A_55 = tpu.memref_slice %arg10[%mul3A_2, %dma_start3A_54] : memref<100224x16xf32, #tpu.memory_space<vmem_shared>> -> memref<6264x16xf32, #tpu.memory_space<vmem_shared>>
      %dma_start3A_56 = arith.constant 0 : i32
      %dma_start3A_57 = tpu.memref_slice %arg5[%mul3A_0, %dma_start3A_56] : memref<100224x16xf32, #tpu.memory_space<hbm>> -> memref<6264x16xf32, #tpu.memory_space<hbm>>
      tpu.enqueue_dma source(%dma_start3A_57 : memref<6264x16xf32, #tpu.memory_space<hbm>>) target(%dma_start3A_55 : memref<6264x16xf32, #tpu.memory_space<vmem_shared>>) target_semaphore(%run_scoped3A : memref<!tpu.dma_semaphore, #tpu.memory_space<semaphore_mem>>)
      %dma_wait3A = arith.constant 0 : i32
      %dma_wait3A_58 = tpu.memref_slice %arg10[%mul3A_2, %dma_wait3A] : memref<100224x16xf32, #tpu.memory_space<vmem_shared>> -> memref<6264x16xf32, #tpu.memory_space<vmem_shared>>
      %dma_wait3A_59 = arith.constant 0 : i32
      %dma_wait3A_60 = tpu.memref_slice %arg5[%mul3A_0, %dma_wait3A_59] : memref<100224x16xf32, #tpu.memory_space<hbm>> -> memref<6264x16xf32, #tpu.memory_space<hbm>>
      tpu.wait_dma2 semaphore(%run_scoped3A : memref<!tpu.dma_semaphore, #tpu.memory_space<semaphore_mem>>) src(%dma_wait3A_60 : memref<6264x16xf32, #tpu.memory_space<hbm>>) dst(%dma_wait3A_58 : memref<6264x16xf32, #tpu.memory_space<vmem_shared>>)
      tpu.yield
    }) : () -> ()
    %barrier3A = arith.constant 0 : index
    tpu.barrier barrier_id(%barrier3A)
    %eq3A = arith.constant 0 : i32
    %eq3A_3 = arith.cmpi eq, %arg0, %eq3A : i32
    %jit3A = arith.constant 320 : i32
    %jit3A_4 = arith.constant 80 : i32
    %select_n3A = arith.select %eq3A_3, %jit3A, %jit3A_4 : i32
    %eq3A_5 = arith.constant 0 : i32
    %eq3A_6 = arith.cmpi eq, %arg0, %eq3A_5 : i32
    %mul3A_7 = arith.constant 320 : i32
    %mul3A_8 = arith.muli %arg1, %mul3A_7 : i32
    %mul3A_9 = arith.constant 80 : i32
    %mul3A_10 = arith.muli %arg1, %mul3A_9 : i32
    %add3A = arith.constant 5120 : i32
    %add3A_11 = arith.addi %add3A, %mul3A_10 : i32
    %select_n3A_12 = arith.select %eq3A_6, %mul3A_8, %add3A_11 : i32
    %dma_start3A = arith.constant 0 : i32
    %dma_start3A_13 = arith.constant 0 : i32
    %dma_start3A_14 = tpu.memref_slice %arg7[%dma_start3A, %dma_start3A_13] : memref<3x512xi32, #tpu.memory_space<vmem>> -> memref<1x512xi32, #tpu.memory_space<vmem>>
    %dma_start3A_15 = tpu.memref_squeeze %dma_start3A_14 : memref<1x512xi32, #tpu.memory_space<vmem>> -> memref<512xi32, #tpu.memory_space<vmem>>
    %dma_start3A_16 = arith.constant 0 : i32
    %dma_start3A_17 = tpu.memref_slice %arg3[%select_n3A_12, %dma_start3A_16] : memref<6400x512xi32, #tpu.memory_space<hbm>> -> memref<1x512xi32, #tpu.memory_space<hbm>>
    %dma_start3A_18 = tpu.memref_squeeze %dma_start3A_17 : memref<1x512xi32, #tpu.memory_space<hbm>> -> memref<512xi32, #tpu.memory_space<hbm>>
    %dma_start3A_19 = arith.constant 0 : i32
    %dma_start3A_20 = tpu.memref_slice %arg7[%dma_start3A, %dma_start3A_19] : memref<3x512xi32, #tpu.memory_space<vmem>> -> memref<1x512xi32, #tpu.memory_space<vmem>>
    %dma_start3A_21 = tpu.memref_squeeze %dma_start3A_20 : memref<1x512xi32, #tpu.memory_space<vmem>> -> memref<512xi32, #tpu.memory_space<vmem>>
    %dma_start3A_22 = arith.constant 0 : i32
    %dma_start3A_23 = tpu.memref_slice %arg3[%select_n3A_12, %dma_start3A_22] : memref<6400x512xi32, #tpu.memory_space<hbm>> -> memref<1x512xi32, #tpu.memory_space<hbm>>
    %dma_start3A_24 = tpu.memref_squeeze %dma_start3A_23 : memref<1x512xi32, #tpu.memory_space<hbm>> -> memref<512xi32, #tpu.memory_space<hbm>>
    tpu.enqueue_dma source(%dma_start3A_24 : memref<512xi32, #tpu.memory_space<hbm>>) target(%dma_start3A_21 : memref<512xi32, #tpu.memory_space<vmem>>) target_semaphore(%arg13 : memref<!tpu.dma_semaphore, #tpu.memory_space<semaphore_mem>>)
    %dma_start3A_25 = arith.constant 0 : i32
    %dma_start3A_26 = arith.constant 0 : i32
    %dma_start3A_27 = tpu.memref_slice %arg8[%dma_start3A_25, %dma_start3A_26] : memref<3x512xi32, #tpu.memory_space<vmem>> -> memref<1x512xi32, #tpu.memory_space<vmem>>
    %dma_start3A_28 = tpu.memref_squeeze %dma_start3A_27 : memref<1x512xi32, #tpu.memory_space<vmem>> -> memref<512xi32, #tpu.memory_space<vmem>>
    %dma_start3A_29 = arith.constant 0 : i32
    %dma_start3A_30 = tpu.memref_slice %arg4[%select_n3A_12, %dma_start3A_29] : memref<6400x512xi32, #tpu.memory_space<hbm>> -> memref<1x512xi32, #tpu.memory_space<hbm>>
    %dma_start3A_31 = tpu.memref_squeeze %dma_start3A_30 : memref<1x512xi32, #tpu.memory_space<hbm>> -> memref<512xi32, #tpu.memory_space<hbm>>
    %dma_start3A_32 = arith.constant 0 : i32
    %dma_start3A_33 = tpu.memref_slice %arg8[%dma_start3A_25, %dma_start3A_32] : memref<3x512xi32, #tpu.memory_space<vmem>> -> memref<1x512xi32, #tpu.memory_space<vmem>>
    %dma_start3A_34 = tpu.memref_squeeze %dma_start3A_33 : memref<1x512xi32, #tpu.memory_space<vmem>> -> memref<512xi32, #tpu.memory_space<vmem>>
    %dma_start3A_35 = arith.constant 0 : i32
    %dma_start3A_36 = tpu.memref_slice %arg4[%select_n3A_12, %dma_start3A_35] : memref<6400x512xi32, #tpu.memory_space<hbm>> -> memref<1x512xi32, #tpu.memory_space<hbm>>
    %dma_start3A_37 = tpu.memref_squeeze %dma_start3A_36 : memref<1x512xi32, #tpu.memory_space<hbm>> -> memref<512xi32, #tpu.memory_space<hbm>>
    tpu.enqueue_dma source(%dma_start3A_37 : memref<512xi32, #tpu.memory_space<hbm>>) target(%dma_start3A_34 : memref<512xi32, #tpu.memory_space<vmem>>) target_semaphore(%arg13 : memref<!tpu.dma_semaphore, #tpu.memory_space<semaphore_mem>>)
    %add3A_38 = arith.constant 2 : i32
    %add3A_39 = arith.addi %select_n3A, %add3A_38 : i32
    %while3A = arith.constant 0 : i32
    %while3A_40 = arith.constant 0 : i32
    %while3A_41 = arith.subi %add3A_39, %while3A_40 : i32
    %while3A_42 = arith.addi %while3A_40, %while3A_41 : i32
    %while3A_43 = arith.constant 1 : i32
    %while3A_44 = arith.divsi %while3A_41, %while3A_43 : i32
    %while3A_45 = arith.muli %while3A_44, %while3A_43 : i32
    %while3A_46 = arith.addi %while3A_40, %while3A_45 : i32
    %while3A_47 = arith.constant 1 : i32
    scf.for %while3A_54 = %while3A_40 to %while3A_46 step %while3A_47  : i32 {
      %jit3A_55 = arith.constant 3 : i32
      %eq3A_56 = arith.constant 0 : i32
      %eq3A_57 = arith.cmpi eq, %jit3A_55, %eq3A_56 : i32
      %jit3A_58 = arith.constant 1 : i32
      %select_n3A_59 = arith.select %eq3A_57, %jit3A_58, %jit3A_55 : i32
      %rem3A = arith.remsi %while3A_54, %select_n3A_59 : i32
      %ne3A = arith.constant 0 : i32
      %ne3A_60 = arith.cmpi ne, %rem3A, %ne3A : i32
      %lt3A = arith.constant 0 : i32
      %lt3A_61 = arith.cmpi slt, %rem3A, %lt3A : i32
      %lt3A_62 = arith.constant 0 : i32
      %lt3A_63 = arith.cmpi slt, %select_n3A_59, %lt3A_62 : i32
      %ne3A_64 = arith.xori %lt3A_61, %lt3A_63 : i1
      %and3A = arith.andi %ne3A_64, %ne3A_60 : i1
      %add3A_65 = arith.addi %rem3A, %select_n3A_59 : i32
      %select_n3A_66 = arith.select %and3A, %add3A_65, %rem3A : i32
      %add3A_67 = arith.constant 1 : i32
      %add3A_68 = arith.addi %while3A_54, %add3A_67 : i32
      %jit3A_69 = arith.constant 3 : i32
      %eq3A_70 = arith.constant 0 : i32
      %eq3A_71 = arith.cmpi eq, %jit3A_69, %eq3A_70 : i32
      %jit3A_72 = arith.constant 1 : i32
      %select_n3A_73 = arith.select %eq3A_71, %jit3A_72, %jit3A_69 : i32
      %rem3A_74 = arith.remsi %add3A_68, %select_n3A_73 : i32
      %ne3A_75 = arith.constant 0 : i32
      %ne3A_76 = arith.cmpi ne, %rem3A_74, %ne3A_75 : i32
      %lt3A_77 = arith.constant 0 : i32
      %lt3A_78 = arith.cmpi slt, %rem3A_74, %lt3A_77 : i32
      %lt3A_79 = arith.constant 0 : i32
      %lt3A_80 = arith.cmpi slt, %select_n3A_73, %lt3A_79 : i32
      %ne3A_81 = arith.xori %lt3A_78, %lt3A_80 : i1
      %and3A_82 = arith.andi %ne3A_81, %ne3A_76 : i1
      %add3A_83 = arith.addi %rem3A_74, %select_n3A_73 : i32
      %select_n3A_84 = arith.select %and3A_82, %add3A_83, %rem3A_74 : i32
      %sub3A = arith.constant 1 : i32
      %sub3A_85 = arith.subi %while3A_54, %sub3A : i32
      %jit3A_86 = arith.constant 3 : i32
      %eq3A_87 = arith.constant 0 : i32
      %eq3A_88 = arith.cmpi eq, %jit3A_86, %eq3A_87 : i32
      %jit3A_89 = arith.constant 1 : i32
      %select_n3A_90 = arith.select %eq3A_88, %jit3A_89, %jit3A_86 : i32
      %rem3A_91 = arith.remsi %sub3A_85, %select_n3A_90 : i32
      %ne3A_92 = arith.constant 0 : i32
      %ne3A_93 = arith.cmpi ne, %rem3A_91, %ne3A_92 : i32
      %lt3A_94 = arith.constant 0 : i32
      %lt3A_95 = arith.cmpi slt, %rem3A_91, %lt3A_94 : i32
      %lt3A_96 = arith.constant 0 : i32
      %lt3A_97 = arith.cmpi slt, %select_n3A_90, %lt3A_96 : i32
      %ne3A_98 = arith.xori %lt3A_95, %lt3A_97 : i1
      %and3A_99 = arith.andi %ne3A_98, %ne3A_93 : i1
      %add3A_100 = arith.addi %rem3A_91, %select_n3A_90 : i32
      %select_n3A_101 = arith.select %and3A_99, %add3A_100, %rem3A_91 : i32
      %jit3A_102 = arith.constant 2 : i32
      %eq3A_103 = arith.constant 0 : i32
      %eq3A_104 = arith.cmpi eq, %jit3A_102, %eq3A_103 : i32
      %jit3A_105 = arith.constant 1 : i32
      %select_n3A_106 = arith.select %eq3A_104, %jit3A_105, %jit3A_102 : i32
      %rem3A_107 = arith.remsi %while3A_54, %select_n3A_106 : i32
      %ne3A_108 = arith.constant 0 : i32
      %ne3A_109 = arith.cmpi ne, %rem3A_107, %ne3A_108 : i32
      %lt3A_110 = arith.constant 0 : i32
      %lt3A_111 = arith.cmpi slt, %rem3A_107, %lt3A_110 : i32
      %lt3A_112 = arith.constant 0 : i32
      %lt3A_113 = arith.cmpi slt, %select_n3A_106, %lt3A_112 : i32
      %ne3A_114 = arith.xori %lt3A_111, %lt3A_113 : i1
      %and3A_115 = arith.andi %ne3A_114, %ne3A_109 : i1
      %add3A_116 = arith.addi %rem3A_107, %select_n3A_106 : i32
      %select_n3A_117 = arith.select %and3A_115, %add3A_116, %rem3A_107 : i32
      %add3A_118 = arith.constant 1 : i32
      %add3A_119 = arith.addi %while3A_54, %add3A_118 : i32
      %jit3A_120 = arith.constant 2 : i32
      %eq3A_121 = arith.constant 0 : i32
      %eq3A_122 = arith.cmpi eq, %jit3A_120, %eq3A_121 : i32
      %jit3A_123 = arith.constant 1 : i32
      %select_n3A_124 = arith.select %eq3A_122, %jit3A_123, %jit3A_120 : i32
      %rem3A_125 = arith.remsi %add3A_119, %select_n3A_124 : i32
      %ne3A_126 = arith.constant 0 : i32
      %ne3A_127 = arith.cmpi ne, %rem3A_125, %ne3A_126 : i32
      %lt3A_128 = arith.constant 0 : i32
      %lt3A_129 = arith.cmpi slt, %rem3A_125, %lt3A_128 : i32
      %lt3A_130 = arith.constant 0 : i32
      %lt3A_131 = arith.cmpi slt, %select_n3A_124, %lt3A_130 : i32
      %ne3A_132 = arith.xori %lt3A_129, %lt3A_131 : i1
      %and3A_133 = arith.andi %ne3A_132, %ne3A_127 : i1
      %add3A_134 = arith.addi %rem3A_125, %select_n3A_124 : i32
      %select_n3A_135 = arith.select %and3A_133, %add3A_134, %rem3A_125 : i32
      %ge3A = arith.constant 2 : i32
      %ge3A_136 = arith.cmpi sge, %while3A_54, %ge3A : i32
      %convert_element_type3A = arith.extui %ge3A_136 : i1 to i32
      %cond3A = arith.constant 0 : i32
      %cond3A_137 = arith.cmpi ne, %convert_element_type3A, %cond3A : i32
      scf.if %cond3A_137 {
        %dma_wait3A = arith.constant 0 : i32
        %dma_wait3A_157 = arith.constant 0 : i32
        %dma_wait3A_158 = tpu.memref_slice %arg9[%select_n3A_117, %dma_wait3A, %dma_wait3A_157] : memref<2x512x16xf32, #tpu.memory_space<vmem>> -> memref<1x512x16xf32, #tpu.memory_space<vmem>>
        %dma_wait3A_159 = tpu.memref_squeeze %dma_wait3A_158 : memref<1x512x16xf32, #tpu.memory_space<vmem>> -> memref<512x16xf32, #tpu.memory_space<vmem>>
        %dma_wait3A_160 = arith.constant 0 : i32
        %dma_wait3A_161 = tpu.memref_slice %arg8[%select_n3A_84, %dma_wait3A_160] : memref<3x512xi32, #tpu.memory_space<vmem>> -> memref<1x512xi32, #tpu.memory_space<vmem>>
        %dma_wait3A_162 = tpu.memref_squeeze %dma_wait3A_161 : memref<1x512xi32, #tpu.memory_space<vmem>> -> memref<512xi32, #tpu.memory_space<vmem>>
        %dma_wait3A_163 = arith.constant 0 : i32
        %dma_wait3A_164 = arith.constant 0 : i32
        %dma_wait3A_165 = tpu.memref_slice %arg10[%dma_wait3A_163, %dma_wait3A_164] : memref<100224x16xf32, #tpu.memory_space<vmem_shared>> -> memref<100224x16xf32, #tpu.memory_space<vmem_shared>>
        tpu.wait_indirect_dma semaphore(%arg12 : memref<!tpu.dma_semaphore, #tpu.memory_space<semaphore_mem>>) src(%dma_wait3A_159 : memref<512x16xf32, #tpu.memory_space<vmem>>) dst(%dma_wait3A_165 : memref<100224x16xf32, #tpu.memory_space<vmem_shared>>)
      } else {
      }
      %lt3A_138 = arith.cmpi slt, %while3A_54, %select_n3A : i32
      %convert_element_type3A_139 = arith.extui %lt3A_138 : i1 to i32
      %cond3A_140 = arith.constant 0 : i32
      %cond3A_141 = arith.cmpi ne, %convert_element_type3A_139, %cond3A_140 : i32
      scf.if %cond3A_141 {
        %add3A_157 = arith.addi %select_n3A_12, %while3A_54 : i32
        %dma_wait3A = arith.constant 0 : i32
        %dma_wait3A_158 = tpu.memref_slice %arg7[%select_n3A_66, %dma_wait3A] : memref<3x512xi32, #tpu.memory_space<vmem>> -> memref<1x512xi32, #tpu.memory_space<vmem>>
        %dma_wait3A_159 = tpu.memref_squeeze %dma_wait3A_158 : memref<1x512xi32, #tpu.memory_space<vmem>> -> memref<512xi32, #tpu.memory_space<vmem>>
        %dma_wait3A_160 = arith.constant 0 : i32
        %dma_wait3A_161 = tpu.memref_slice %arg3[%add3A_157, %dma_wait3A_160] : memref<6400x512xi32, #tpu.memory_space<hbm>> -> memref<1x512xi32, #tpu.memory_space<hbm>>
        %dma_wait3A_162 = tpu.memref_squeeze %dma_wait3A_161 : memref<1x512xi32, #tpu.memory_space<hbm>> -> memref<512xi32, #tpu.memory_space<hbm>>
        %dma_wait3A_163 = arith.constant 0 : i32
        %dma_wait3A_164 = tpu.memref_slice %arg7[%select_n3A_66, %dma_wait3A_163] : memref<3x512xi32, #tpu.memory_space<vmem>> -> memref<1x512xi32, #tpu.memory_space<vmem>>
        %dma_wait3A_165 = tpu.memref_squeeze %dma_wait3A_164 : memref<1x512xi32, #tpu.memory_space<vmem>> -> memref<512xi32, #tpu.memory_space<vmem>>
        %dma_wait3A_166 = arith.constant 0 : i32
        %dma_wait3A_167 = tpu.memref_slice %arg3[%add3A_157, %dma_wait3A_166] : memref<6400x512xi32, #tpu.memory_space<hbm>> -> memref<1x512xi32, #tpu.memory_space<hbm>>
        %dma_wait3A_168 = tpu.memref_squeeze %dma_wait3A_167 : memref<1x512xi32, #tpu.memory_space<hbm>> -> memref<512xi32, #tpu.memory_space<hbm>>
        tpu.wait_dma2 semaphore(%arg13 : memref<!tpu.dma_semaphore, #tpu.memory_space<semaphore_mem>>) src(%dma_wait3A_168 : memref<512xi32, #tpu.memory_space<hbm>>) dst(%dma_wait3A_165 : memref<512xi32, #tpu.memory_space<vmem>>)
        %add3A_169 = arith.addi %select_n3A_12, %while3A_54 : i32
        %dma_wait3A_170 = arith.constant 0 : i32
        %dma_wait3A_171 = tpu.memref_slice %arg8[%select_n3A_66, %dma_wait3A_170] : memref<3x512xi32, #tpu.memory_space<vmem>> -> memref<1x512xi32, #tpu.memory_space<vmem>>
        %dma_wait3A_172 = tpu.memref_squeeze %dma_wait3A_171 : memref<1x512xi32, #tpu.memory_space<vmem>> -> memref<512xi32, #tpu.memory_space<vmem>>
        %dma_wait3A_173 = arith.constant 0 : i32
        %dma_wait3A_174 = tpu.memref_slice %arg4[%add3A_169, %dma_wait3A_173] : memref<6400x512xi32, #tpu.memory_space<hbm>> -> memref<1x512xi32, #tpu.memory_space<hbm>>
        %dma_wait3A_175 = tpu.memref_squeeze %dma_wait3A_174 : memref<1x512xi32, #tpu.memory_space<hbm>> -> memref<512xi32, #tpu.memory_space<hbm>>
        %dma_wait3A_176 = arith.constant 0 : i32
        %dma_wait3A_177 = tpu.memref_slice %arg8[%select_n3A_66, %dma_wait3A_176] : memref<3x512xi32, #tpu.memory_space<vmem>> -> memref<1x512xi32, #tpu.memory_space<vmem>>
        %dma_wait3A_178 = tpu.memref_squeeze %dma_wait3A_177 : memref<1x512xi32, #tpu.memory_space<vmem>> -> memref<512xi32, #tpu.memory_space<vmem>>
        %dma_wait3A_179 = arith.constant 0 : i32
        %dma_wait3A_180 = tpu.memref_slice %arg4[%add3A_169, %dma_wait3A_179] : memref<6400x512xi32, #tpu.memory_space<hbm>> -> memref<1x512xi32, #tpu.memory_space<hbm>>
        %dma_wait3A_181 = tpu.memref_squeeze %dma_wait3A_180 : memref<1x512xi32, #tpu.memory_space<hbm>> -> memref<512xi32, #tpu.memory_space<hbm>>
        tpu.wait_dma2 semaphore(%arg13 : memref<!tpu.dma_semaphore, #tpu.memory_space<semaphore_mem>>) src(%dma_wait3A_181 : memref<512xi32, #tpu.memory_space<hbm>>) dst(%dma_wait3A_178 : memref<512xi32, #tpu.memory_space<vmem>>)
        %dma_start3A_182 = arith.constant 0 : i32
        %dma_start3A_183 = arith.constant 0 : i32
        %dma_start3A_184 = tpu.memref_slice %arg9[%select_n3A_117, %dma_start3A_182, %dma_start3A_183] : memref<2x512x16xf32, #tpu.memory_space<vmem>> -> memref<1x512x16xf32, #tpu.memory_space<vmem>>
        %dma_start3A_185 = tpu.memref_squeeze %dma_start3A_184 : memref<1x512x16xf32, #tpu.memory_space<vmem>> -> memref<512x16xf32, #tpu.memory_space<vmem>>
        %dma_start3A_186 = arith.constant 0 : i32
        %dma_start3A_187 = tpu.memref_slice %arg7[%select_n3A_66, %dma_start3A_186] : memref<3x512xi32, #tpu.memory_space<vmem>> -> memref<1x512xi32, #tpu.memory_space<vmem>>
        %dma_start3A_188 = tpu.memref_squeeze %dma_start3A_187 : memref<1x512xi32, #tpu.memory_space<vmem>> -> memref<512xi32, #tpu.memory_space<vmem>>
        %dma_start3A_189 = arith.constant 0 : i32
        %dma_start3A_190 = arith.constant 0 : i32
        %dma_start3A_191 = tpu.memref_slice %arg2[%dma_start3A_189, %dma_start3A_190] : memref<100224x16xf32, #tpu.memory_space<hbm>> -> memref<100224x16xf32, #tpu.memory_space<hbm>>
        tpu.enqueue_indirect_dma source(%dma_start3A_191 : memref<100224x16xf32, #tpu.memory_space<hbm>>) target(%dma_start3A_185 : memref<512x16xf32, #tpu.memory_space<vmem>>) offsets(%dma_start3A_188 : memref<512xi32, #tpu.memory_space<vmem>>) semaphore(%arg11 : memref<!tpu.dma_semaphore, #tpu.memory_space<semaphore_mem>>)
      } else {
      }
      %add3A_142 = arith.constant 1 : i32
      %add3A_143 = arith.addi %while3A_54, %add3A_142 : i32
      %lt3A_144 = arith.cmpi slt, %add3A_143, %select_n3A : i32
      %convert_element_type3A_145 = arith.extui %lt3A_144 : i1 to i32
      %cond3A_146 = arith.constant 0 : i32
      %cond3A_147 = arith.cmpi ne, %convert_element_type3A_145, %cond3A_146 : i32
      scf.if %cond3A_147 {
        %add3A_157 = arith.addi %select_n3A_12, %while3A_54 : i32
        %add3A_158 = arith.constant 1 : i32
        %add3A_159 = arith.addi %add3A_157, %add3A_158 : i32
        %dma_start3A_160 = arith.constant 0 : i32
        %dma_start3A_161 = tpu.memref_slice %arg7[%select_n3A_84, %dma_start3A_160] : memref<3x512xi32, #tpu.memory_space<vmem>> -> memref<1x512xi32, #tpu.memory_space<vmem>>
        %dma_start3A_162 = tpu.memref_squeeze %dma_start3A_161 : memref<1x512xi32, #tpu.memory_space<vmem>> -> memref<512xi32, #tpu.memory_space<vmem>>
        %dma_start3A_163 = arith.constant 0 : i32
        %dma_start3A_164 = tpu.memref_slice %arg3[%add3A_159, %dma_start3A_163] : memref<6400x512xi32, #tpu.memory_space<hbm>> -> memref<1x512xi32, #tpu.memory_space<hbm>>
        %dma_start3A_165 = tpu.memref_squeeze %dma_start3A_164 : memref<1x512xi32, #tpu.memory_space<hbm>> -> memref<512xi32, #tpu.memory_space<hbm>>
        %dma_start3A_166 = arith.constant 0 : i32
        %dma_start3A_167 = tpu.memref_slice %arg7[%select_n3A_84, %dma_start3A_166] : memref<3x512xi32, #tpu.memory_space<vmem>> -> memref<1x512xi32, #tpu.memory_space<vmem>>
        %dma_start3A_168 = tpu.memref_squeeze %dma_start3A_167 : memref<1x512xi32, #tpu.memory_space<vmem>> -> memref<512xi32, #tpu.memory_space<vmem>>
        %dma_start3A_169 = arith.constant 0 : i32
        %dma_start3A_170 = tpu.memref_slice %arg3[%add3A_159, %dma_start3A_169] : memref<6400x512xi32, #tpu.memory_space<hbm>> -> memref<1x512xi32, #tpu.memory_space<hbm>>
        %dma_start3A_171 = tpu.memref_squeeze %dma_start3A_170 : memref<1x512xi32, #tpu.memory_space<hbm>> -> memref<512xi32, #tpu.memory_space<hbm>>
        tpu.enqueue_dma source(%dma_start3A_171 : memref<512xi32, #tpu.memory_space<hbm>>) target(%dma_start3A_168 : memref<512xi32, #tpu.memory_space<vmem>>) target_semaphore(%arg13 : memref<!tpu.dma_semaphore, #tpu.memory_space<semaphore_mem>>)
        %add3A_172 = arith.addi %select_n3A_12, %while3A_54 : i32
        %add3A_173 = arith.constant 1 : i32
        %add3A_174 = arith.addi %add3A_172, %add3A_173 : i32
        %dma_start3A_175 = arith.constant 0 : i32
        %dma_start3A_176 = tpu.memref_slice %arg8[%select_n3A_84, %dma_start3A_175] : memref<3x512xi32, #tpu.memory_space<vmem>> -> memref<1x512xi32, #tpu.memory_space<vmem>>
        %dma_start3A_177 = tpu.memref_squeeze %dma_start3A_176 : memref<1x512xi32, #tpu.memory_space<vmem>> -> memref<512xi32, #tpu.memory_space<vmem>>
        %dma_start3A_178 = arith.constant 0 : i32
        %dma_start3A_179 = tpu.memref_slice %arg4[%add3A_174, %dma_start3A_178] : memref<6400x512xi32, #tpu.memory_space<hbm>> -> memref<1x512xi32, #tpu.memory_space<hbm>>
        %dma_start3A_180 = tpu.memref_squeeze %dma_start3A_179 : memref<1x512xi32, #tpu.memory_space<hbm>> -> memref<512xi32, #tpu.memory_space<hbm>>
        %dma_start3A_181 = arith.constant 0 : i32
        %dma_start3A_182 = tpu.memref_slice %arg8[%select_n3A_84, %dma_start3A_181] : memref<3x512xi32, #tpu.memory_space<vmem>> -> memref<1x512xi32, #tpu.memory_space<vmem>>
        %dma_start3A_183 = tpu.memref_squeeze %dma_start3A_182 : memref<1x512xi32, #tpu.memory_space<vmem>> -> memref<512xi32, #tpu.memory_space<vmem>>
        %dma_start3A_184 = arith.constant 0 : i32
        %dma_start3A_185 = tpu.memref_slice %arg4[%add3A_174, %dma_start3A_184] : memref<6400x512xi32, #tpu.memory_space<hbm>> -> memref<1x512xi32, #tpu.memory_space<hbm>>
        %dma_start3A_186 = tpu.memref_squeeze %dma_start3A_185 : memref<1x512xi32, #tpu.memory_space<hbm>> -> memref<512xi32, #tpu.memory_space<hbm>>
        tpu.enqueue_dma source(%dma_start3A_186 : memref<512xi32, #tpu.memory_space<hbm>>) target(%dma_start3A_183 : memref<512xi32, #tpu.memory_space<vmem>>) target_semaphore(%arg13 : memref<!tpu.dma_semaphore, #tpu.memory_space<semaphore_mem>>)
      } else {
      }
      %ge3A_148 = arith.constant 1 : i32
      %ge3A_149 = arith.cmpi sge, %while3A_54, %ge3A_148 : i32
      %sub3A_150 = arith.constant 1 : i32
      %sub3A_151 = arith.subi %while3A_54, %sub3A_150 : i32
      %lt3A_152 = arith.cmpi slt, %sub3A_151, %select_n3A : i32
      %and3A_153 = arith.andi %ge3A_149, %lt3A_152 : i1
      %convert_element_type3A_154 = arith.extui %and3A_153 : i1 to i32
      %cond3A_155 = arith.constant 0 : i32
      %cond3A_156 = arith.cmpi ne, %convert_element_type3A_154, %cond3A_155 : i32
      scf.if %cond3A_156 {
        %dma_wait3A = arith.constant 0 : i32
        %dma_wait3A_157 = arith.constant 0 : i32
        %dma_wait3A_158 = tpu.memref_slice %arg9[%select_n3A_135, %dma_wait3A, %dma_wait3A_157] : memref<2x512x16xf32, #tpu.memory_space<vmem>> -> memref<1x512x16xf32, #tpu.memory_space<vmem>>
        %dma_wait3A_159 = tpu.memref_squeeze %dma_wait3A_158 : memref<1x512x16xf32, #tpu.memory_space<vmem>> -> memref<512x16xf32, #tpu.memory_space<vmem>>
        %dma_wait3A_160 = arith.constant 0 : i32
        %dma_wait3A_161 = tpu.memref_slice %arg7[%select_n3A_101, %dma_wait3A_160] : memref<3x512xi32, #tpu.memory_space<vmem>> -> memref<1x512xi32, #tpu.memory_space<vmem>>
        %dma_wait3A_162 = tpu.memref_squeeze %dma_wait3A_161 : memref<1x512xi32, #tpu.memory_space<vmem>> -> memref<512xi32, #tpu.memory_space<vmem>>
        %dma_wait3A_163 = arith.constant 0 : i32
        %dma_wait3A_164 = arith.constant 0 : i32
        %dma_wait3A_165 = tpu.memref_slice %arg2[%dma_wait3A_163, %dma_wait3A_164] : memref<100224x16xf32, #tpu.memory_space<hbm>> -> memref<100224x16xf32, #tpu.memory_space<hbm>>
        tpu.wait_indirect_dma semaphore(%arg11 : memref<!tpu.dma_semaphore, #tpu.memory_space<semaphore_mem>>) src(%dma_wait3A_165 : memref<100224x16xf32, #tpu.memory_space<hbm>>) dst(%dma_wait3A_159 : memref<512x16xf32, #tpu.memory_space<vmem>>)
        %dma_start3A_166 = arith.constant 0 : i32
        %dma_start3A_167 = arith.constant 0 : i32
        %dma_start3A_168 = tpu.memref_slice %arg9[%select_n3A_135, %dma_start3A_166, %dma_start3A_167] : memref<2x512x16xf32, #tpu.memory_space<vmem>> -> memref<1x512x16xf32, #tpu.memory_space<vmem>>
        %dma_start3A_169 = tpu.memref_squeeze %dma_start3A_168 : memref<1x512x16xf32, #tpu.memory_space<vmem>> -> memref<512x16xf32, #tpu.memory_space<vmem>>
        %dma_start3A_170 = arith.constant 0 : i32
        %dma_start3A_171 = tpu.memref_slice %arg8[%select_n3A_101, %dma_start3A_170] : memref<3x512xi32, #tpu.memory_space<vmem>> -> memref<1x512xi32, #tpu.memory_space<vmem>>
        %dma_start3A_172 = tpu.memref_squeeze %dma_start3A_171 : memref<1x512xi32, #tpu.memory_space<vmem>> -> memref<512xi32, #tpu.memory_space<vmem>>
        %dma_start3A_173 = arith.constant 0 : i32
        %dma_start3A_174 = arith.constant 0 : i32
        %dma_start3A_175 = tpu.memref_slice %arg10[%dma_start3A_173, %dma_start3A_174] : memref<100224x16xf32, #tpu.memory_space<vmem_shared>> -> memref<100224x16xf32, #tpu.memory_space<vmem_shared>>
        tpu.enqueue_indirect_dma source(%dma_start3A_169 : memref<512x16xf32, #tpu.memory_space<vmem>>) target(%dma_start3A_175 : memref<100224x16xf32, #tpu.memory_space<vmem_shared>>) offsets(%dma_start3A_172 : memref<512xi32, #tpu.memory_space<vmem>>) semaphore(%arg12 : memref<!tpu.dma_semaphore, #tpu.memory_space<semaphore_mem>>) {add = true}
      } else {
      }
    }
    %while3A_48 = arith.constant 1 : i32
    scf.for %while3A_54 = %while3A_46 to %while3A_42 step %while3A_48  : i32 {
      %jit3A_55 = arith.constant 3 : i32
      %eq3A_56 = arith.constant 0 : i32
      %eq3A_57 = arith.cmpi eq, %jit3A_55, %eq3A_56 : i32
      %jit3A_58 = arith.constant 1 : i32
      %select_n3A_59 = arith.select %eq3A_57, %jit3A_58, %jit3A_55 : i32
      %rem3A = arith.remsi %while3A_54, %select_n3A_59 : i32
      %ne3A = arith.constant 0 : i32
      %ne3A_60 = arith.cmpi ne, %rem3A, %ne3A : i32
      %lt3A = arith.constant 0 : i32
      %lt3A_61 = arith.cmpi slt, %rem3A, %lt3A : i32
      %lt3A_62 = arith.constant 0 : i32
      %lt3A_63 = arith.cmpi slt, %select_n3A_59, %lt3A_62 : i32
      %ne3A_64 = arith.xori %lt3A_61, %lt3A_63 : i1
      %and3A = arith.andi %ne3A_64, %ne3A_60 : i1
      %add3A_65 = arith.addi %rem3A, %select_n3A_59 : i32
      %select_n3A_66 = arith.select %and3A, %add3A_65, %rem3A : i32
      %add3A_67 = arith.constant 1 : i32
      %add3A_68 = arith.addi %while3A_54, %add3A_67 : i32
      %jit3A_69 = arith.constant 3 : i32
      %eq3A_70 = arith.constant 0 : i32
      %eq3A_71 = arith.cmpi eq, %jit3A_69, %eq3A_70 : i32
      %jit3A_72 = arith.constant 1 : i32
      %select_n3A_73 = arith.select %eq3A_71, %jit3A_72, %jit3A_69 : i32
      %rem3A_74 = arith.remsi %add3A_68, %select_n3A_73 : i32
      %ne3A_75 = arith.constant 0 : i32
      %ne3A_76 = arith.cmpi ne, %rem3A_74, %ne3A_75 : i32
      %lt3A_77 = arith.constant 0 : i32
      %lt3A_78 = arith.cmpi slt, %rem3A_74, %lt3A_77 : i32
      %lt3A_79 = arith.constant 0 : i32
      %lt3A_80 = arith.cmpi slt, %select_n3A_73, %lt3A_79 : i32
      %ne3A_81 = arith.xori %lt3A_78, %lt3A_80 : i1
      %and3A_82 = arith.andi %ne3A_81, %ne3A_76 : i1
      %add3A_83 = arith.addi %rem3A_74, %select_n3A_73 : i32
      %select_n3A_84 = arith.select %and3A_82, %add3A_83, %rem3A_74 : i32
      %sub3A = arith.constant 1 : i32
      %sub3A_85 = arith.subi %while3A_54, %sub3A : i32
      %jit3A_86 = arith.constant 3 : i32
      %eq3A_87 = arith.constant 0 : i32
      %eq3A_88 = arith.cmpi eq, %jit3A_86, %eq3A_87 : i32
      %jit3A_89 = arith.constant 1 : i32
      %select_n3A_90 = arith.select %eq3A_88, %jit3A_89, %jit3A_86 : i32
      %rem3A_91 = arith.remsi %sub3A_85, %select_n3A_90 : i32
      %ne3A_92 = arith.constant 0 : i32
      %ne3A_93 = arith.cmpi ne, %rem3A_91, %ne3A_92 : i32
      %lt3A_94 = arith.constant 0 : i32
      %lt3A_95 = arith.cmpi slt, %rem3A_91, %lt3A_94 : i32
      %lt3A_96 = arith.constant 0 : i32
      %lt3A_97 = arith.cmpi slt, %select_n3A_90, %lt3A_96 : i32
      %ne3A_98 = arith.xori %lt3A_95, %lt3A_97 : i1
      %and3A_99 = arith.andi %ne3A_98, %ne3A_93 : i1
      %add3A_100 = arith.addi %rem3A_91, %select_n3A_90 : i32
      %select_n3A_101 = arith.select %and3A_99, %add3A_100, %rem3A_91 : i32
      %jit3A_102 = arith.constant 2 : i32
      %eq3A_103 = arith.constant 0 : i32
      %eq3A_104 = arith.cmpi eq, %jit3A_102, %eq3A_103 : i32
      %jit3A_105 = arith.constant 1 : i32
      %select_n3A_106 = arith.select %eq3A_104, %jit3A_105, %jit3A_102 : i32
      %rem3A_107 = arith.remsi %while3A_54, %select_n3A_106 : i32
      %ne3A_108 = arith.constant 0 : i32
      %ne3A_109 = arith.cmpi ne, %rem3A_107, %ne3A_108 : i32
      %lt3A_110 = arith.constant 0 : i32
      %lt3A_111 = arith.cmpi slt, %rem3A_107, %lt3A_110 : i32
      %lt3A_112 = arith.constant 0 : i32
      %lt3A_113 = arith.cmpi slt, %select_n3A_106, %lt3A_112 : i32
      %ne3A_114 = arith.xori %lt3A_111, %lt3A_113 : i1
      %and3A_115 = arith.andi %ne3A_114, %ne3A_109 : i1
      %add3A_116 = arith.addi %rem3A_107, %select_n3A_106 : i32
      %select_n3A_117 = arith.select %and3A_115, %add3A_116, %rem3A_107 : i32
      %add3A_118 = arith.constant 1 : i32
      %add3A_119 = arith.addi %while3A_54, %add3A_118 : i32
      %jit3A_120 = arith.constant 2 : i32
      %eq3A_121 = arith.constant 0 : i32
      %eq3A_122 = arith.cmpi eq, %jit3A_120, %eq3A_121 : i32
      %jit3A_123 = arith.constant 1 : i32
      %select_n3A_124 = arith.select %eq3A_122, %jit3A_123, %jit3A_120 : i32
      %rem3A_125 = arith.remsi %add3A_119, %select_n3A_124 : i32
      %ne3A_126 = arith.constant 0 : i32
      %ne3A_127 = arith.cmpi ne, %rem3A_125, %ne3A_126 : i32
      %lt3A_128 = arith.constant 0 : i32
      %lt3A_129 = arith.cmpi slt, %rem3A_125, %lt3A_128 : i32
      %lt3A_130 = arith.constant 0 : i32
      %lt3A_131 = arith.cmpi slt, %select_n3A_124, %lt3A_130 : i32
      %ne3A_132 = arith.xori %lt3A_129, %lt3A_131 : i1
      %and3A_133 = arith.andi %ne3A_132, %ne3A_127 : i1
      %add3A_134 = arith.addi %rem3A_125, %select_n3A_124 : i32
      %select_n3A_135 = arith.select %and3A_133, %add3A_134, %rem3A_125 : i32
      %ge3A = arith.constant 2 : i32
      %ge3A_136 = arith.cmpi sge, %while3A_54, %ge3A : i32
      %convert_element_type3A = arith.extui %ge3A_136 : i1 to i32
      %cond3A = arith.constant 0 : i32
      %cond3A_137 = arith.cmpi ne, %convert_element_type3A, %cond3A : i32
      scf.if %cond3A_137 {
        %dma_wait3A = arith.constant 0 : i32
        %dma_wait3A_157 = arith.constant 0 : i32
        %dma_wait3A_158 = tpu.memref_slice %arg9[%select_n3A_117, %dma_wait3A, %dma_wait3A_157] : memref<2x512x16xf32, #tpu.memory_space<vmem>> -> memref<1x512x16xf32, #tpu.memory_space<vmem>>
        %dma_wait3A_159 = tpu.memref_squeeze %dma_wait3A_158 : memref<1x512x16xf32, #tpu.memory_space<vmem>> -> memref<512x16xf32, #tpu.memory_space<vmem>>
        %dma_wait3A_160 = arith.constant 0 : i32
        %dma_wait3A_161 = tpu.memref_slice %arg8[%select_n3A_84, %dma_wait3A_160] : memref<3x512xi32, #tpu.memory_space<vmem>> -> memref<1x512xi32, #tpu.memory_space<vmem>>
        %dma_wait3A_162 = tpu.memref_squeeze %dma_wait3A_161 : memref<1x512xi32, #tpu.memory_space<vmem>> -> memref<512xi32, #tpu.memory_space<vmem>>
        %dma_wait3A_163 = arith.constant 0 : i32
        %dma_wait3A_164 = arith.constant 0 : i32
        %dma_wait3A_165 = tpu.memref_slice %arg10[%dma_wait3A_163, %dma_wait3A_164] : memref<100224x16xf32, #tpu.memory_space<vmem_shared>> -> memref<100224x16xf32, #tpu.memory_space<vmem_shared>>
        tpu.wait_indirect_dma semaphore(%arg12 : memref<!tpu.dma_semaphore, #tpu.memory_space<semaphore_mem>>) src(%dma_wait3A_159 : memref<512x16xf32, #tpu.memory_space<vmem>>) dst(%dma_wait3A_165 : memref<100224x16xf32, #tpu.memory_space<vmem_shared>>)
      } else {
      }
      %lt3A_138 = arith.cmpi slt, %while3A_54, %select_n3A : i32
      %convert_element_type3A_139 = arith.extui %lt3A_138 : i1 to i32
      %cond3A_140 = arith.constant 0 : i32
      %cond3A_141 = arith.cmpi ne, %convert_element_type3A_139, %cond3A_140 : i32
      scf.if %cond3A_141 {
        %add3A_157 = arith.addi %select_n3A_12, %while3A_54 : i32
        %dma_wait3A = arith.constant 0 : i32
        %dma_wait3A_158 = tpu.memref_slice %arg7[%select_n3A_66, %dma_wait3A] : memref<3x512xi32, #tpu.memory_space<vmem>> -> memref<1x512xi32, #tpu.memory_space<vmem>>
        %dma_wait3A_159 = tpu.memref_squeeze %dma_wait3A_158 : memref<1x512xi32, #tpu.memory_space<vmem>> -> memref<512xi32, #tpu.memory_space<vmem>>
        %dma_wait3A_160 = arith.constant 0 : i32
        %dma_wait3A_161 = tpu.memref_slice %arg3[%add3A_157, %dma_wait3A_160] : memref<6400x512xi32, #tpu.memory_space<hbm>> -> memref<1x512xi32, #tpu.memory_space<hbm>>
        %dma_wait3A_162 = tpu.memref_squeeze %dma_wait3A_161 : memref<1x512xi32, #tpu.memory_space<hbm>> -> memref<512xi32, #tpu.memory_space<hbm>>
        %dma_wait3A_163 = arith.constant 0 : i32
        %dma_wait3A_164 = tpu.memref_slice %arg7[%select_n3A_66, %dma_wait3A_163] : memref<3x512xi32, #tpu.memory_space<vmem>> -> memref<1x512xi32, #tpu.memory_space<vmem>>
        %dma_wait3A_165 = tpu.memref_squeeze %dma_wait3A_164 : memref<1x512xi32, #tpu.memory_space<vmem>> -> memref<512xi32, #tpu.memory_space<vmem>>
        %dma_wait3A_166 = arith.constant 0 : i32
        %dma_wait3A_167 = tpu.memref_slice %arg3[%add3A_157, %dma_wait3A_166] : memref<6400x512xi32, #tpu.memory_space<hbm>> -> memref<1x512xi32, #tpu.memory_space<hbm>>
        %dma_wait3A_168 = tpu.memref_squeeze %dma_wait3A_167 : memref<1x512xi32, #tpu.memory_space<hbm>> -> memref<512xi32, #tpu.memory_space<hbm>>
        tpu.wait_dma2 semaphore(%arg13 : memref<!tpu.dma_semaphore, #tpu.memory_space<semaphore_mem>>) src(%dma_wait3A_168 : memref<512xi32, #tpu.memory_space<hbm>>) dst(%dma_wait3A_165 : memref<512xi32, #tpu.memory_space<vmem>>)
        %add3A_169 = arith.addi %select_n3A_12, %while3A_54 : i32
        %dma_wait3A_170 = arith.constant 0 : i32
        %dma_wait3A_171 = tpu.memref_slice %arg8[%select_n3A_66, %dma_wait3A_170] : memref<3x512xi32, #tpu.memory_space<vmem>> -> memref<1x512xi32, #tpu.memory_space<vmem>>
        %dma_wait3A_172 = tpu.memref_squeeze %dma_wait3A_171 : memref<1x512xi32, #tpu.memory_space<vmem>> -> memref<512xi32, #tpu.memory_space<vmem>>
        %dma_wait3A_173 = arith.constant 0 : i32
        %dma_wait3A_174 = tpu.memref_slice %arg4[%add3A_169, %dma_wait3A_173] : memref<6400x512xi32, #tpu.memory_space<hbm>> -> memref<1x512xi32, #tpu.memory_space<hbm>>
        %dma_wait3A_175 = tpu.memref_squeeze %dma_wait3A_174 : memref<1x512xi32, #tpu.memory_space<hbm>> -> memref<512xi32, #tpu.memory_space<hbm>>
        %dma_wait3A_176 = arith.constant 0 : i32
        %dma_wait3A_177 = tpu.memref_slice %arg8[%select_n3A_66, %dma_wait3A_176] : memref<3x512xi32, #tpu.memory_space<vmem>> -> memref<1x512xi32, #tpu.memory_space<vmem>>
        %dma_wait3A_178 = tpu.memref_squeeze %dma_wait3A_177 : memref<1x512xi32, #tpu.memory_space<vmem>> -> memref<512xi32, #tpu.memory_space<vmem>>
        %dma_wait3A_179 = arith.constant 0 : i32
        %dma_wait3A_180 = tpu.memref_slice %arg4[%add3A_169, %dma_wait3A_179] : memref<6400x512xi32, #tpu.memory_space<hbm>> -> memref<1x512xi32, #tpu.memory_space<hbm>>
        %dma_wait3A_181 = tpu.memref_squeeze %dma_wait3A_180 : memref<1x512xi32, #tpu.memory_space<hbm>> -> memref<512xi32, #tpu.memory_space<hbm>>
        tpu.wait_dma2 semaphore(%arg13 : memref<!tpu.dma_semaphore, #tpu.memory_space<semaphore_mem>>) src(%dma_wait3A_181 : memref<512xi32, #tpu.memory_space<hbm>>) dst(%dma_wait3A_178 : memref<512xi32, #tpu.memory_space<vmem>>)
        %dma_start3A_182 = arith.constant 0 : i32
        %dma_start3A_183 = arith.constant 0 : i32
        %dma_start3A_184 = tpu.memref_slice %arg9[%select_n3A_117, %dma_start3A_182, %dma_start3A_183] : memref<2x512x16xf32, #tpu.memory_space<vmem>> -> memref<1x512x16xf32, #tpu.memory_space<vmem>>
        %dma_start3A_185 = tpu.memref_squeeze %dma_start3A_184 : memref<1x512x16xf32, #tpu.memory_space<vmem>> -> memref<512x16xf32, #tpu.memory_space<vmem>>
        %dma_start3A_186 = arith.constant 0 : i32
        %dma_start3A_187 = tpu.memref_slice %arg7[%select_n3A_66, %dma_start3A_186] : memref<3x512xi32, #tpu.memory_space<vmem>> -> memref<1x512xi32, #tpu.memory_space<vmem>>
        %dma_start3A_188 = tpu.memref_squeeze %dma_start3A_187 : memref<1x512xi32, #tpu.memory_space<vmem>> -> memref<512xi32, #tpu.memory_space<vmem>>
        %dma_start3A_189 = arith.constant 0 : i32
        %dma_start3A_190 = arith.constant 0 : i32
        %dma_start3A_191 = tpu.memref_slice %arg2[%dma_start3A_189, %dma_start3A_190] : memref<100224x16xf32, #tpu.memory_space<hbm>> -> memref<100224x16xf32, #tpu.memory_space<hbm>>
        tpu.enqueue_indirect_dma source(%dma_start3A_191 : memref<100224x16xf32, #tpu.memory_space<hbm>>) target(%dma_start3A_185 : memref<512x16xf32, #tpu.memory_space<vmem>>) offsets(%dma_start3A_188 : memref<512xi32, #tpu.memory_space<vmem>>) semaphore(%arg11 : memref<!tpu.dma_semaphore, #tpu.memory_space<semaphore_mem>>)
      } else {
      }
      %add3A_142 = arith.constant 1 : i32
      %add3A_143 = arith.addi %while3A_54, %add3A_142 : i32
      %lt3A_144 = arith.cmpi slt, %add3A_143, %select_n3A : i32
      %convert_element_type3A_145 = arith.extui %lt3A_144 : i1 to i32
      %cond3A_146 = arith.constant 0 : i32
      %cond3A_147 = arith.cmpi ne, %convert_element_type3A_145, %cond3A_146 : i32
      scf.if %cond3A_147 {
        %add3A_157 = arith.addi %select_n3A_12, %while3A_54 : i32
        %add3A_158 = arith.constant 1 : i32
        %add3A_159 = arith.addi %add3A_157, %add3A_158 : i32
        %dma_start3A_160 = arith.constant 0 : i32
        %dma_start3A_161 = tpu.memref_slice %arg7[%select_n3A_84, %dma_start3A_160] : memref<3x512xi32, #tpu.memory_space<vmem>> -> memref<1x512xi32, #tpu.memory_space<vmem>>
        %dma_start3A_162 = tpu.memref_squeeze %dma_start3A_161 : memref<1x512xi32, #tpu.memory_space<vmem>> -> memref<512xi32, #tpu.memory_space<vmem>>
        %dma_start3A_163 = arith.constant 0 : i32
        %dma_start3A_164 = tpu.memref_slice %arg3[%add3A_159, %dma_start3A_163] : memref<6400x512xi32, #tpu.memory_space<hbm>> -> memref<1x512xi32, #tpu.memory_space<hbm>>
        %dma_start3A_165 = tpu.memref_squeeze %dma_start3A_164 : memref<1x512xi32, #tpu.memory_space<hbm>> -> memref<512xi32, #tpu.memory_space<hbm>>
        %dma_start3A_166 = arith.constant 0 : i32
        %dma_start3A_167 = tpu.memref_slice %arg7[%select_n3A_84, %dma_start3A_166] : memref<3x512xi32, #tpu.memory_space<vmem>> -> memref<1x512xi32, #tpu.memory_space<vmem>>
        %dma_start3A_168 = tpu.memref_squeeze %dma_start3A_167 : memref<1x512xi32, #tpu.memory_space<vmem>> -> memref<512xi32, #tpu.memory_space<vmem>>
        %dma_start3A_169 = arith.constant 0 : i32
        %dma_start3A_170 = tpu.memref_slice %arg3[%add3A_159, %dma_start3A_169] : memref<6400x512xi32, #tpu.memory_space<hbm>> -> memref<1x512xi32, #tpu.memory_space<hbm>>
        %dma_start3A_171 = tpu.memref_squeeze %dma_start3A_170 : memref<1x512xi32, #tpu.memory_space<hbm>> -> memref<512xi32, #tpu.memory_space<hbm>>
        tpu.enqueue_dma source(%dma_start3A_171 : memref<512xi32, #tpu.memory_space<hbm>>) target(%dma_start3A_168 : memref<512xi32, #tpu.memory_space<vmem>>) target_semaphore(%arg13 : memref<!tpu.dma_semaphore, #tpu.memory_space<semaphore_mem>>)
        %add3A_172 = arith.addi %select_n3A_12, %while3A_54 : i32
        %add3A_173 = arith.constant 1 : i32
        %add3A_174 = arith.addi %add3A_172, %add3A_173 : i32
        %dma_start3A_175 = arith.constant 0 : i32
        %dma_start3A_176 = tpu.memref_slice %arg8[%select_n3A_84, %dma_start3A_175] : memref<3x512xi32, #tpu.memory_space<vmem>> -> memref<1x512xi32, #tpu.memory_space<vmem>>
        %dma_start3A_177 = tpu.memref_squeeze %dma_start3A_176 : memref<1x512xi32, #tpu.memory_space<vmem>> -> memref<512xi32, #tpu.memory_space<vmem>>
        %dma_start3A_178 = arith.constant 0 : i32
        %dma_start3A_179 = tpu.memref_slice %arg4[%add3A_174, %dma_start3A_178] : memref<6400x512xi32, #tpu.memory_space<hbm>> -> memref<1x512xi32, #tpu.memory_space<hbm>>
        %dma_start3A_180 = tpu.memref_squeeze %dma_start3A_179 : memref<1x512xi32, #tpu.memory_space<hbm>> -> memref<512xi32, #tpu.memory_space<hbm>>
        %dma_start3A_181 = arith.constant 0 : i32
        %dma_start3A_182 = tpu.memref_slice %arg8[%select_n3A_84, %dma_start3A_181] : memref<3x512xi32, #tpu.memory_space<vmem>> -> memref<1x512xi32, #tpu.memory_space<vmem>>
        %dma_start3A_183 = tpu.memref_squeeze %dma_start3A_182 : memref<1x512xi32, #tpu.memory_space<vmem>> -> memref<512xi32, #tpu.memory_space<vmem>>
        %dma_start3A_184 = arith.constant 0 : i32
        %dma_start3A_185 = tpu.memref_slice %arg4[%add3A_174, %dma_start3A_184] : memref<6400x512xi32, #tpu.memory_space<hbm>> -> memref<1x512xi32, #tpu.memory_space<hbm>>
        %dma_start3A_186 = tpu.memref_squeeze %dma_start3A_185 : memref<1x512xi32, #tpu.memory_space<hbm>> -> memref<512xi32, #tpu.memory_space<hbm>>
        tpu.enqueue_dma source(%dma_start3A_186 : memref<512xi32, #tpu.memory_space<hbm>>) target(%dma_start3A_183 : memref<512xi32, #tpu.memory_space<vmem>>) target_semaphore(%arg13 : memref<!tpu.dma_semaphore, #tpu.memory_space<semaphore_mem>>)
      } else {
      }
      %ge3A_148 = arith.constant 1 : i32
      %ge3A_149 = arith.cmpi sge, %while3A_54, %ge3A_148 : i32
      %sub3A_150 = arith.constant 1 : i32
      %sub3A_151 = arith.subi %while3A_54, %sub3A_150 : i32
      %lt3A_152 = arith.cmpi slt, %sub3A_151, %select_n3A : i32
      %and3A_153 = arith.andi %ge3A_149, %lt3A_152 : i1
      %convert_element_type3A_154 = arith.extui %and3A_153 : i1 to i32
      %cond3A_155 = arith.constant 0 : i32
      %cond3A_156 = arith.cmpi ne, %convert_element_type3A_154, %cond3A_155 : i32
      scf.if %cond3A_156 {
        %dma_wait3A = arith.constant 0 : i32
        %dma_wait3A_157 = arith.constant 0 : i32
        %dma_wait3A_158 = tpu.memref_slice %arg9[%select_n3A_135, %dma_wait3A, %dma_wait3A_157] : memref<2x512x16xf32, #tpu.memory_space<vmem>> -> memref<1x512x16xf32, #tpu.memory_space<vmem>>
        %dma_wait3A_159 = tpu.memref_squeeze %dma_wait3A_158 : memref<1x512x16xf32, #tpu.memory_space<vmem>> -> memref<512x16xf32, #tpu.memory_space<vmem>>
        %dma_wait3A_160 = arith.constant 0 : i32
        %dma_wait3A_161 = tpu.memref_slice %arg7[%select_n3A_101, %dma_wait3A_160] : memref<3x512xi32, #tpu.memory_space<vmem>> -> memref<1x512xi32, #tpu.memory_space<vmem>>
        %dma_wait3A_162 = tpu.memref_squeeze %dma_wait3A_161 : memref<1x512xi32, #tpu.memory_space<vmem>> -> memref<512xi32, #tpu.memory_space<vmem>>
        %dma_wait3A_163 = arith.constant 0 : i32
        %dma_wait3A_164 = arith.constant 0 : i32
        %dma_wait3A_165 = tpu.memref_slice %arg2[%dma_wait3A_163, %dma_wait3A_164] : memref<100224x16xf32, #tpu.memory_space<hbm>> -> memref<100224x16xf32, #tpu.memory_space<hbm>>
        tpu.wait_indirect_dma semaphore(%arg11 : memref<!tpu.dma_semaphore, #tpu.memory_space<semaphore_mem>>) src(%dma_wait3A_165 : memref<100224x16xf32, #tpu.memory_space<hbm>>) dst(%dma_wait3A_159 : memref<512x16xf32, #tpu.memory_space<vmem>>)
        %dma_start3A_166 = arith.constant 0 : i32
        %dma_start3A_167 = arith.constant 0 : i32
        %dma_start3A_168 = tpu.memref_slice %arg9[%select_n3A_135, %dma_start3A_166, %dma_start3A_167] : memref<2x512x16xf32, #tpu.memory_space<vmem>> -> memref<1x512x16xf32, #tpu.memory_space<vmem>>
        %dma_start3A_169 = tpu.memref_squeeze %dma_start3A_168 : memref<1x512x16xf32, #tpu.memory_space<vmem>> -> memref<512x16xf32, #tpu.memory_space<vmem>>
        %dma_start3A_170 = arith.constant 0 : i32
        %dma_start3A_171 = tpu.memref_slice %arg8[%select_n3A_101, %dma_start3A_170] : memref<3x512xi32, #tpu.memory_space<vmem>> -> memref<1x512xi32, #tpu.memory_space<vmem>>
        %dma_start3A_172 = tpu.memref_squeeze %dma_start3A_171 : memref<1x512xi32, #tpu.memory_space<vmem>> -> memref<512xi32, #tpu.memory_space<vmem>>
        %dma_start3A_173 = arith.constant 0 : i32
        %dma_start3A_174 = arith.constant 0 : i32
        %dma_start3A_175 = tpu.memref_slice %arg10[%dma_start3A_173, %dma_start3A_174] : memref<100224x16xf32, #tpu.memory_space<vmem_shared>> -> memref<100224x16xf32, #tpu.memory_space<vmem_shared>>
        tpu.enqueue_indirect_dma source(%dma_start3A_169 : memref<512x16xf32, #tpu.memory_space<vmem>>) target(%dma_start3A_175 : memref<100224x16xf32, #tpu.memory_space<vmem_shared>>) offsets(%dma_start3A_172 : memref<512xi32, #tpu.memory_space<vmem>>) semaphore(%arg12 : memref<!tpu.dma_semaphore, #tpu.memory_space<semaphore_mem>>) {add = true}
      } else {
      }
    }
    %barrier3A_49 = arith.constant 0 : index
    tpu.barrier barrier_id(%barrier3A_49)
    %mul3A_50 = arith.constant 6264 : i32
    %mul3A_51 = arith.muli %arg1, %mul3A_50 : i32
    %mul3A_52 = arith.constant 6264 : i32
    %mul3A_53 = arith.muli %arg1, %mul3A_52 : i32
    "tpu.region"() ({
      %run_scoped3A = tpu.sem_alloc : memref<!tpu.dma_semaphore, #tpu.memory_space<semaphore_mem>>
      %dma_start3A_54 = arith.constant 0 : i32
      %dma_start3A_55 = tpu.memref_slice %arg6[%arg0, %mul3A_53, %dma_start3A_54] : memref<2x100224x16xf32, #tpu.memory_space<hbm>> -> memref<1x6264x16xf32, #tpu.memory_space<hbm>>
      %dma_start3A_56 = tpu.memref_squeeze %dma_start3A_55 : memref<1x6264x16xf32, #tpu.memory_space<hbm>> -> memref<6264x16xf32, #tpu.memory_space<hbm>>
      %dma_start3A_57 = arith.constant 0 : i32
      %dma_start3A_58 = tpu.memref_slice %arg10[%mul3A_51, %dma_start3A_57] : memref<100224x16xf32, #tpu.memory_space<vmem_shared>> -> memref<6264x16xf32, #tpu.memory_space<vmem_shared>>
      tpu.enqueue_dma source(%dma_start3A_58 : memref<6264x16xf32, #tpu.memory_space<vmem_shared>>) target(%dma_start3A_56 : memref<6264x16xf32, #tpu.memory_space<hbm>>) target_semaphore(%run_scoped3A : memref<!tpu.dma_semaphore, #tpu.memory_space<semaphore_mem>>)
      %dma_wait3A = arith.constant 0 : i32
      %dma_wait3A_59 = tpu.memref_slice %arg6[%arg0, %mul3A_53, %dma_wait3A] : memref<2x100224x16xf32, #tpu.memory_space<hbm>> -> memref<1x6264x16xf32, #tpu.memory_space<hbm>>
      %dma_wait3A_60 = tpu.memref_squeeze %dma_wait3A_59 : memref<1x6264x16xf32, #tpu.memory_space<hbm>> -> memref<6264x16xf32, #tpu.memory_space<hbm>>
      %dma_wait3A_61 = arith.constant 0 : i32
      %dma_wait3A_62 = tpu.memref_slice %arg10[%mul3A_51, %dma_wait3A_61] : memref<100224x16xf32, #tpu.memory_space<vmem_shared>> -> memref<6264x16xf32, #tpu.memory_space<vmem_shared>>
      tpu.wait_dma2 semaphore(%run_scoped3A : memref<!tpu.dma_semaphore, #tpu.memory_space<semaphore_mem>>) src(%dma_wait3A_62 : memref<6264x16xf32, #tpu.memory_space<vmem_shared>>) dst(%dma_wait3A_60 : memref<6264x16xf32, #tpu.memory_space<hbm>>)
      tpu.yield
    }) : () -> ()
    return
  }
}

#map = affine_map<(d0, d1) -> (0, 0)>
#map1 = affine_map<(d0, d1) -> (0, 0, 0)>
module attributes {stable_mosaic.version = 14 : i64} {
  func.func @segsum(%arg0: i32, %arg1: i32, %arg2: memref<100224x16xf32, #tpu.memory_space<hbm>>, %arg3: memref<6400x512xi32, #tpu.memory_space<hbm>>, %arg4: memref<6400x512xi32, #tpu.memory_space<hbm>>, %arg5: memref<100224x16xf32, #tpu.memory_space<hbm>>, %arg6: memref<2x100224x16xf32, #tpu.memory_space<hbm>>, %arg7: memref<3x512xi32, #tpu.memory_space<vmem>>, %arg8: memref<3x512xi32, #tpu.memory_space<vmem>>, %arg9: memref<2x512x16xf32, #tpu.memory_space<vmem>>, %arg10: memref<100224x16xf32, #tpu.memory_space<vmem_shared>>, %arg11: memref<!tpu.dma_semaphore, #tpu.memory_space<semaphore_mem>>, %arg12: memref<!tpu.dma_semaphore, #tpu.memory_space<semaphore_mem>>, %arg13: memref<!tpu.dma_semaphore, #tpu.memory_space<semaphore_mem>>) attributes {dimension_semantics = [#tpu.dimension_semantics<core_parallel>, #tpu.dimension_semantics<subcore_parallel>], iteration_bounds = array<i64: 2, 16>, scalar_prefetch = 0 : i64, scratch_operands = 7 : i64, tpu.core_type = #tpu.core_type<sc_vector_subcore>, window_params = [{transform_indices = #map}, {transform_indices = #map}, {transform_indices = #map}, {transform_indices = #map}, {transform_indices = #map1}]} {
    %mul3A = arith.constant 6264 : i32
    %mul3A_0 = arith.muli %arg1, %mul3A : i32
    %mul3A_1 = arith.constant 6264 : i32
    %mul3A_2 = arith.muli %arg1, %mul3A_1 : i32
    "tpu.region"() ({
      %run_scoped3A = tpu.sem_alloc : memref<!tpu.dma_semaphore, #tpu.memory_space<semaphore_mem>>
      %dma_start3A_54 = arith.constant 0 : i32
      %dma_start3A_55 = tpu.memref_slice %arg10[%mul3A_2, %dma_start3A_54] : memref<100224x16xf32, #tpu.memory_space<vmem_shared>> -> memref<6264x16xf32, #tpu.memory_space<vmem_shared>>
      %dma_start3A_56 = arith.constant 0 : i32
      %dma_start3A_57 = tpu.memref_slice %arg5[%mul3A_0, %dma_start3A_56] : memref<100224x16xf32, #tpu.memory_space<hbm>> -> memref<6264x16xf32, #tpu.memory_space<hbm>>
      tpu.enqueue_dma source(%dma_start3A_57 : memref<6264x16xf32, #tpu.memory_space<hbm>>) target(%dma_start3A_55 : memref<6264x16xf32, #tpu.memory_space<vmem_shared>>) target_semaphore(%run_scoped3A : memref<!tpu.dma_semaphore, #tpu.memory_space<semaphore_mem>>)
      %dma_wait3A = arith.constant 0 : i32
      %dma_wait3A_58 = tpu.memref_slice %arg10[%mul3A_2, %dma_wait3A] : memref<100224x16xf32, #tpu.memory_space<vmem_shared>> -> memref<6264x16xf32, #tpu.memory_space<vmem_shared>>
      %dma_wait3A_59 = arith.constant 0 : i32
      %dma_wait3A_60 = tpu.memref_slice %arg5[%mul3A_0, %dma_wait3A_59] : memref<100224x16xf32, #tpu.memory_space<hbm>> -> memref<6264x16xf32, #tpu.memory_space<hbm>>
      tpu.wait_dma2 semaphore(%run_scoped3A : memref<!tpu.dma_semaphore, #tpu.memory_space<semaphore_mem>>) src(%dma_wait3A_60 : memref<6264x16xf32, #tpu.memory_space<hbm>>) dst(%dma_wait3A_58 : memref<6264x16xf32, #tpu.memory_space<vmem_shared>>)
      tpu.yield
    }) : () -> ()
    %barrier3A = arith.constant 0 : index
    tpu.barrier barrier_id(%barrier3A)
    %eq3A = arith.constant 0 : i32
    %eq3A_3 = arith.cmpi eq, %arg0, %eq3A : i32
    %jit3A = arith.constant 320 : i32
    %jit3A_4 = arith.constant 80 : i32
    %select_n3A = arith.select %eq3A_3, %jit3A, %jit3A_4 : i32
    %eq3A_5 = arith.constant 0 : i32
    %eq3A_6 = arith.cmpi eq, %arg0, %eq3A_5 : i32
    %mul3A_7 = arith.constant 320 : i32
    %mul3A_8 = arith.muli %arg1, %mul3A_7 : i32
    %mul3A_9 = arith.constant 80 : i32
    %mul3A_10 = arith.muli %arg1, %mul3A_9 : i32
    %add3A = arith.constant 5120 : i32
    %add3A_11 = arith.addi %add3A, %mul3A_10 : i32
    %select_n3A_12 = arith.select %eq3A_6, %mul3A_8, %add3A_11 : i32
    %dma_start3A = arith.constant 0 : i32
    %dma_start3A_13 = arith.constant 0 : i32
    %dma_start3A_14 = tpu.memref_slice %arg7[%dma_start3A, %dma_start3A_13] : memref<3x512xi32, #tpu.memory_space<vmem>> -> memref<1x512xi32, #tpu.memory_space<vmem>>
    %dma_start3A_15 = tpu.memref_squeeze %dma_start3A_14 : memref<1x512xi32, #tpu.memory_space<vmem>> -> memref<512xi32, #tpu.memory_space<vmem>>
    %dma_start3A_16 = arith.constant 0 : i32
    %dma_start3A_17 = tpu.memref_slice %arg3[%select_n3A_12, %dma_start3A_16] : memref<6400x512xi32, #tpu.memory_space<hbm>> -> memref<1x512xi32, #tpu.memory_space<hbm>>
    %dma_start3A_18 = tpu.memref_squeeze %dma_start3A_17 : memref<1x512xi32, #tpu.memory_space<hbm>> -> memref<512xi32, #tpu.memory_space<hbm>>
    %dma_start3A_19 = arith.constant 0 : i32
    %dma_start3A_20 = tpu.memref_slice %arg7[%dma_start3A, %dma_start3A_19] : memref<3x512xi32, #tpu.memory_space<vmem>> -> memref<1x512xi32, #tpu.memory_space<vmem>>
    %dma_start3A_21 = tpu.memref_squeeze %dma_start3A_20 : memref<1x512xi32, #tpu.memory_space<vmem>> -> memref<512xi32, #tpu.memory_space<vmem>>
    %dma_start3A_22 = arith.constant 0 : i32
    %dma_start3A_23 = tpu.memref_slice %arg3[%select_n3A_12, %dma_start3A_22] : memref<6400x512xi32, #tpu.memory_space<hbm>> -> memref<1x512xi32, #tpu.memory_space<hbm>>
    %dma_start3A_24 = tpu.memref_squeeze %dma_start3A_23 : memref<1x512xi32, #tpu.memory_space<hbm>> -> memref<512xi32, #tpu.memory_space<hbm>>
    tpu.enqueue_dma source(%dma_start3A_24 : memref<512xi32, #tpu.memory_space<hbm>>) target(%dma_start3A_21 : memref<512xi32, #tpu.memory_space<vmem>>) target_semaphore(%arg13 : memref<!tpu.dma_semaphore, #tpu.memory_space<semaphore_mem>>)
    %dma_start3A_25 = arith.constant 0 : i32
    %dma_start3A_26 = arith.constant 0 : i32
    %dma_start3A_27 = tpu.memref_slice %arg8[%dma_start3A_25, %dma_start3A_26] : memref<3x512xi32, #tpu.memory_space<vmem>> -> memref<1x512xi32, #tpu.memory_space<vmem>>
    %dma_start3A_28 = tpu.memref_squeeze %dma_start3A_27 : memref<1x512xi32, #tpu.memory_space<vmem>> -> memref<512xi32, #tpu.memory_space<vmem>>
    %dma_start3A_29 = arith.constant 0 : i32
    %dma_start3A_30 = tpu.memref_slice %arg4[%select_n3A_12, %dma_start3A_29] : memref<6400x512xi32, #tpu.memory_space<hbm>> -> memref<1x512xi32, #tpu.memory_space<hbm>>
    %dma_start3A_31 = tpu.memref_squeeze %dma_start3A_30 : memref<1x512xi32, #tpu.memory_space<hbm>> -> memref<512xi32, #tpu.memory_space<hbm>>
    %dma_start3A_32 = arith.constant 0 : i32
    %dma_start3A_33 = tpu.memref_slice %arg8[%dma_start3A_25, %dma_start3A_32] : memref<3x512xi32, #tpu.memory_space<vmem>> -> memref<1x512xi32, #tpu.memory_space<vmem>>
    %dma_start3A_34 = tpu.memref_squeeze %dma_start3A_33 : memref<1x512xi32, #tpu.memory_space<vmem>> -> memref<512xi32, #tpu.memory_space<vmem>>
    %dma_start3A_35 = arith.constant 0 : i32
    %dma_start3A_36 = tpu.memref_slice %arg4[%select_n3A_12, %dma_start3A_35] : memref<6400x512xi32, #tpu.memory_space<hbm>> -> memref<1x512xi32, #tpu.memory_space<hbm>>
    %dma_start3A_37 = tpu.memref_squeeze %dma_start3A_36 : memref<1x512xi32, #tpu.memory_space<hbm>> -> memref<512xi32, #tpu.memory_space<hbm>>
    tpu.enqueue_dma source(%dma_start3A_37 : memref<512xi32, #tpu.memory_space<hbm>>) target(%dma_start3A_34 : memref<512xi32, #tpu.memory_space<vmem>>) target_semaphore(%arg13 : memref<!tpu.dma_semaphore, #tpu.memory_space<semaphore_mem>>)
    %add3A_38 = arith.constant 2 : i32
    %add3A_39 = arith.addi %select_n3A, %add3A_38 : i32
    %while3A = arith.constant 0 : i32
    %while3A_40 = arith.constant 0 : i32
    %while3A_41 = arith.subi %add3A_39, %while3A_40 : i32
    %while3A_42 = arith.addi %while3A_40, %while3A_41 : i32
    %while3A_43 = arith.constant 1 : i32
    %while3A_44 = arith.divsi %while3A_41, %while3A_43 : i32
    %while3A_45 = arith.muli %while3A_44, %while3A_43 : i32
    %while3A_46 = arith.addi %while3A_40, %while3A_45 : i32
    %while3A_47 = arith.constant 1 : i32
    scf.for %while3A_54 = %while3A_40 to %while3A_46 step %while3A_47  : i32 {
      %jit3A_55 = arith.constant 3 : i32
      %eq3A_56 = arith.constant 0 : i32
      %eq3A_57 = arith.cmpi eq, %jit3A_55, %eq3A_56 : i32
      %jit3A_58 = arith.constant 1 : i32
      %select_n3A_59 = arith.select %eq3A_57, %jit3A_58, %jit3A_55 : i32
      %rem3A = arith.remsi %while3A_54, %select_n3A_59 : i32
      %ne3A = arith.constant 0 : i32
      %ne3A_60 = arith.cmpi ne, %rem3A, %ne3A : i32
      %lt3A = arith.constant 0 : i32
      %lt3A_61 = arith.cmpi slt, %rem3A, %lt3A : i32
      %lt3A_62 = arith.constant 0 : i32
      %lt3A_63 = arith.cmpi slt, %select_n3A_59, %lt3A_62 : i32
      %ne3A_64 = arith.xori %lt3A_61, %lt3A_63 : i1
      %and3A = arith.andi %ne3A_64, %ne3A_60 : i1
      %add3A_65 = arith.addi %rem3A, %select_n3A_59 : i32
      %select_n3A_66 = arith.select %and3A, %add3A_65, %rem3A : i32
      %add3A_67 = arith.constant 1 : i32
      %add3A_68 = arith.addi %while3A_54, %add3A_67 : i32
      %jit3A_69 = arith.constant 3 : i32
      %eq3A_70 = arith.constant 0 : i32
      %eq3A_71 = arith.cmpi eq, %jit3A_69, %eq3A_70 : i32
      %jit3A_72 = arith.constant 1 : i32
      %select_n3A_73 = arith.select %eq3A_71, %jit3A_72, %jit3A_69 : i32
      %rem3A_74 = arith.remsi %add3A_68, %select_n3A_73 : i32
      %ne3A_75 = arith.constant 0 : i32
      %ne3A_76 = arith.cmpi ne, %rem3A_74, %ne3A_75 : i32
      %lt3A_77 = arith.constant 0 : i32
      %lt3A_78 = arith.cmpi slt, %rem3A_74, %lt3A_77 : i32
      %lt3A_79 = arith.constant 0 : i32
      %lt3A_80 = arith.cmpi slt, %select_n3A_73, %lt3A_79 : i32
      %ne3A_81 = arith.xori %lt3A_78, %lt3A_80 : i1
      %and3A_82 = arith.andi %ne3A_81, %ne3A_76 : i1
      %add3A_83 = arith.addi %rem3A_74, %select_n3A_73 : i32
      %select_n3A_84 = arith.select %and3A_82, %add3A_83, %rem3A_74 : i32
      %sub3A = arith.constant 1 : i32
      %sub3A_85 = arith.subi %while3A_54, %sub3A : i32
      %jit3A_86 = arith.constant 3 : i32
      %eq3A_87 = arith.constant 0 : i32
      %eq3A_88 = arith.cmpi eq, %jit3A_86, %eq3A_87 : i32
      %jit3A_89 = arith.constant 1 : i32
      %select_n3A_90 = arith.select %eq3A_88, %jit3A_89, %jit3A_86 : i32
      %rem3A_91 = arith.remsi %sub3A_85, %select_n3A_90 : i32
      %ne3A_92 = arith.constant 0 : i32
      %ne3A_93 = arith.cmpi ne, %rem3A_91, %ne3A_92 : i32
      %lt3A_94 = arith.constant 0 : i32
      %lt3A_95 = arith.cmpi slt, %rem3A_91, %lt3A_94 : i32
      %lt3A_96 = arith.constant 0 : i32
      %lt3A_97 = arith.cmpi slt, %select_n3A_90, %lt3A_96 : i32
      %ne3A_98 = arith.xori %lt3A_95, %lt3A_97 : i1
      %and3A_99 = arith.andi %ne3A_98, %ne3A_93 : i1
      %add3A_100 = arith.addi %rem3A_91, %select_n3A_90 : i32
      %select_n3A_101 = arith.select %and3A_99, %add3A_100, %rem3A_91 : i32
      %jit3A_102 = arith.constant 2 : i32
      %eq3A_103 = arith.constant 0 : i32
      %eq3A_104 = arith.cmpi eq, %jit3A_102, %eq3A_103 : i32
      %jit3A_105 = arith.constant 1 : i32
      %select_n3A_106 = arith.select %eq3A_104, %jit3A_105, %jit3A_102 : i32
      %rem3A_107 = arith.remsi %while3A_54, %select_n3A_106 : i32
      %ne3A_108 = arith.constant 0 : i32
      %ne3A_109 = arith.cmpi ne, %rem3A_107, %ne3A_108 : i32
      %lt3A_110 = arith.constant 0 : i32
      %lt3A_111 = arith.cmpi slt, %rem3A_107, %lt3A_110 : i32
      %lt3A_112 = arith.constant 0 : i32
      %lt3A_113 = arith.cmpi slt, %select_n3A_106, %lt3A_112 : i32
      %ne3A_114 = arith.xori %lt3A_111, %lt3A_113 : i1
      %and3A_115 = arith.andi %ne3A_114, %ne3A_109 : i1
      %add3A_116 = arith.addi %rem3A_107, %select_n3A_106 : i32
      %select_n3A_117 = arith.select %and3A_115, %add3A_116, %rem3A_107 : i32
      %add3A_118 = arith.constant 1 : i32
      %add3A_119 = arith.addi %while3A_54, %add3A_118 : i32
      %jit3A_120 = arith.constant 2 : i32
      %eq3A_121 = arith.constant 0 : i32
      %eq3A_122 = arith.cmpi eq, %jit3A_120, %eq3A_121 : i32
      %jit3A_123 = arith.constant 1 : i32
      %select_n3A_124 = arith.select %eq3A_122, %jit3A_123, %jit3A_120 : i32
      %rem3A_125 = arith.remsi %add3A_119, %select_n3A_124 : i32
      %ne3A_126 = arith.constant 0 : i32
      %ne3A_127 = arith.cmpi ne, %rem3A_125, %ne3A_126 : i32
      %lt3A_128 = arith.constant 0 : i32
      %lt3A_129 = arith.cmpi slt, %rem3A_125, %lt3A_128 : i32
      %lt3A_130 = arith.constant 0 : i32
      %lt3A_131 = arith.cmpi slt, %select_n3A_124, %lt3A_130 : i32
      %ne3A_132 = arith.xori %lt3A_129, %lt3A_131 : i1
      %and3A_133 = arith.andi %ne3A_132, %ne3A_127 : i1
      %add3A_134 = arith.addi %rem3A_125, %select_n3A_124 : i32
      %select_n3A_135 = arith.select %and3A_133, %add3A_134, %rem3A_125 : i32
      %ge3A = arith.constant 2 : i32
      %ge3A_136 = arith.cmpi sge, %while3A_54, %ge3A : i32
      %convert_element_type3A = arith.extui %ge3A_136 : i1 to i32
      %cond3A = arith.constant 0 : i32
      %cond3A_137 = arith.cmpi ne, %convert_element_type3A, %cond3A : i32
      scf.if %cond3A_137 {
        %dma_wait3A = arith.constant 0 : i32
        %dma_wait3A_157 = arith.constant 0 : i32
        %dma_wait3A_158 = tpu.memref_slice %arg9[%select_n3A_117, %dma_wait3A, %dma_wait3A_157] : memref<2x512x16xf32, #tpu.memory_space<vmem>> -> memref<1x512x16xf32, #tpu.memory_space<vmem>>
        %dma_wait3A_159 = tpu.memref_squeeze %dma_wait3A_158 : memref<1x512x16xf32, #tpu.memory_space<vmem>> -> memref<512x16xf32, #tpu.memory_space<vmem>>
        %dma_wait3A_160 = arith.constant 0 : i32
        %dma_wait3A_161 = tpu.memref_slice %arg8[%select_n3A_84, %dma_wait3A_160] : memref<3x512xi32, #tpu.memory_space<vmem>> -> memref<1x512xi32, #tpu.memory_space<vmem>>
        %dma_wait3A_162 = tpu.memref_squeeze %dma_wait3A_161 : memref<1x512xi32, #tpu.memory_space<vmem>> -> memref<512xi32, #tpu.memory_space<vmem>>
        %dma_wait3A_163 = arith.constant 0 : i32
        %dma_wait3A_164 = arith.constant 0 : i32
        %dma_wait3A_165 = tpu.memref_slice %arg10[%dma_wait3A_163, %dma_wait3A_164] : memref<100224x16xf32, #tpu.memory_space<vmem_shared>> -> memref<100224x16xf32, #tpu.memory_space<vmem_shared>>
        tpu.wait_indirect_dma semaphore(%arg12 : memref<!tpu.dma_semaphore, #tpu.memory_space<semaphore_mem>>) src(%dma_wait3A_159 : memref<512x16xf32, #tpu.memory_space<vmem>>) dst(%dma_wait3A_165 : memref<100224x16xf32, #tpu.memory_space<vmem_shared>>)
      } else {
      }
      %lt3A_138 = arith.cmpi slt, %while3A_54, %select_n3A : i32
      %convert_element_type3A_139 = arith.extui %lt3A_138 : i1 to i32
      %cond3A_140 = arith.constant 0 : i32
      %cond3A_141 = arith.cmpi ne, %convert_element_type3A_139, %cond3A_140 : i32
      scf.if %cond3A_141 {
        %add3A_157 = arith.addi %select_n3A_12, %while3A_54 : i32
        %dma_wait3A = arith.constant 0 : i32
        %dma_wait3A_158 = tpu.memref_slice %arg7[%select_n3A_66, %dma_wait3A] : memref<3x512xi32, #tpu.memory_space<vmem>> -> memref<1x512xi32, #tpu.memory_space<vmem>>
        %dma_wait3A_159 = tpu.memref_squeeze %dma_wait3A_158 : memref<1x512xi32, #tpu.memory_space<vmem>> -> memref<512xi32, #tpu.memory_space<vmem>>
        %dma_wait3A_160 = arith.constant 0 : i32
        %dma_wait3A_161 = tpu.memref_slice %arg3[%add3A_157, %dma_wait3A_160] : memref<6400x512xi32, #tpu.memory_space<hbm>> -> memref<1x512xi32, #tpu.memory_space<hbm>>
        %dma_wait3A_162 = tpu.memref_squeeze %dma_wait3A_161 : memref<1x512xi32, #tpu.memory_space<hbm>> -> memref<512xi32, #tpu.memory_space<hbm>>
        %dma_wait3A_163 = arith.constant 0 : i32
        %dma_wait3A_164 = tpu.memref_slice %arg7[%select_n3A_66, %dma_wait3A_163] : memref<3x512xi32, #tpu.memory_space<vmem>> -> memref<1x512xi32, #tpu.memory_space<vmem>>
        %dma_wait3A_165 = tpu.memref_squeeze %dma_wait3A_164 : memref<1x512xi32, #tpu.memory_space<vmem>> -> memref<512xi32, #tpu.memory_space<vmem>>
        %dma_wait3A_166 = arith.constant 0 : i32
        %dma_wait3A_167 = tpu.memref_slice %arg3[%add3A_157, %dma_wait3A_166] : memref<6400x512xi32, #tpu.memory_space<hbm>> -> memref<1x512xi32, #tpu.memory_space<hbm>>
        %dma_wait3A_168 = tpu.memref_squeeze %dma_wait3A_167 : memref<1x512xi32, #tpu.memory_space<hbm>> -> memref<512xi32, #tpu.memory_space<hbm>>
        tpu.wait_dma2 semaphore(%arg13 : memref<!tpu.dma_semaphore, #tpu.memory_space<semaphore_mem>>) src(%dma_wait3A_168 : memref<512xi32, #tpu.memory_space<hbm>>) dst(%dma_wait3A_165 : memref<512xi32, #tpu.memory_space<vmem>>)
        %add3A_169 = arith.addi %select_n3A_12, %while3A_54 : i32
        %dma_wait3A_170 = arith.constant 0 : i32
        %dma_wait3A_171 = tpu.memref_slice %arg8[%select_n3A_66, %dma_wait3A_170] : memref<3x512xi32, #tpu.memory_space<vmem>> -> memref<1x512xi32, #tpu.memory_space<vmem>>
        %dma_wait3A_172 = tpu.memref_squeeze %dma_wait3A_171 : memref<1x512xi32, #tpu.memory_space<vmem>> -> memref<512xi32, #tpu.memory_space<vmem>>
        %dma_wait3A_173 = arith.constant 0 : i32
        %dma_wait3A_174 = tpu.memref_slice %arg4[%add3A_169, %dma_wait3A_173] : memref<6400x512xi32, #tpu.memory_space<hbm>> -> memref<1x512xi32, #tpu.memory_space<hbm>>
        %dma_wait3A_175 = tpu.memref_squeeze %dma_wait3A_174 : memref<1x512xi32, #tpu.memory_space<hbm>> -> memref<512xi32, #tpu.memory_space<hbm>>
        %dma_wait3A_176 = arith.constant 0 : i32
        %dma_wait3A_177 = tpu.memref_slice %arg8[%select_n3A_66, %dma_wait3A_176] : memref<3x512xi32, #tpu.memory_space<vmem>> -> memref<1x512xi32, #tpu.memory_space<vmem>>
        %dma_wait3A_178 = tpu.memref_squeeze %dma_wait3A_177 : memref<1x512xi32, #tpu.memory_space<vmem>> -> memref<512xi32, #tpu.memory_space<vmem>>
        %dma_wait3A_179 = arith.constant 0 : i32
        %dma_wait3A_180 = tpu.memref_slice %arg4[%add3A_169, %dma_wait3A_179] : memref<6400x512xi32, #tpu.memory_space<hbm>> -> memref<1x512xi32, #tpu.memory_space<hbm>>
        %dma_wait3A_181 = tpu.memref_squeeze %dma_wait3A_180 : memref<1x512xi32, #tpu.memory_space<hbm>> -> memref<512xi32, #tpu.memory_space<hbm>>
        tpu.wait_dma2 semaphore(%arg13 : memref<!tpu.dma_semaphore, #tpu.memory_space<semaphore_mem>>) src(%dma_wait3A_181 : memref<512xi32, #tpu.memory_space<hbm>>) dst(%dma_wait3A_178 : memref<512xi32, #tpu.memory_space<vmem>>)
        %dma_start3A_182 = arith.constant 0 : i32
        %dma_start3A_183 = arith.constant 0 : i32
        %dma_start3A_184 = tpu.memref_slice %arg9[%select_n3A_117, %dma_start3A_182, %dma_start3A_183] : memref<2x512x16xf32, #tpu.memory_space<vmem>> -> memref<1x512x16xf32, #tpu.memory_space<vmem>>
        %dma_start3A_185 = tpu.memref_squeeze %dma_start3A_184 : memref<1x512x16xf32, #tpu.memory_space<vmem>> -> memref<512x16xf32, #tpu.memory_space<vmem>>
        %dma_start3A_186 = arith.constant 0 : i32
        %dma_start3A_187 = tpu.memref_slice %arg7[%select_n3A_66, %dma_start3A_186] : memref<3x512xi32, #tpu.memory_space<vmem>> -> memref<1x512xi32, #tpu.memory_space<vmem>>
        %dma_start3A_188 = tpu.memref_squeeze %dma_start3A_187 : memref<1x512xi32, #tpu.memory_space<vmem>> -> memref<512xi32, #tpu.memory_space<vmem>>
        %dma_start3A_189 = arith.constant 0 : i32
        %dma_start3A_190 = arith.constant 0 : i32
        %dma_start3A_191 = tpu.memref_slice %arg2[%dma_start3A_189, %dma_start3A_190] : memref<100224x16xf32, #tpu.memory_space<hbm>> -> memref<100224x16xf32, #tpu.memory_space<hbm>>
        tpu.enqueue_indirect_dma source(%dma_start3A_191 : memref<100224x16xf32, #tpu.memory_space<hbm>>) target(%dma_start3A_185 : memref<512x16xf32, #tpu.memory_space<vmem>>) offsets(%dma_start3A_188 : memref<512xi32, #tpu.memory_space<vmem>>) semaphore(%arg11 : memref<!tpu.dma_semaphore, #tpu.memory_space<semaphore_mem>>)
      } else {
      }
      %add3A_142 = arith.constant 1 : i32
      %add3A_143 = arith.addi %while3A_54, %add3A_142 : i32
      %lt3A_144 = arith.cmpi slt, %add3A_143, %select_n3A : i32
      %convert_element_type3A_145 = arith.extui %lt3A_144 : i1 to i32
      %cond3A_146 = arith.constant 0 : i32
      %cond3A_147 = arith.cmpi ne, %convert_element_type3A_145, %cond3A_146 : i32
      scf.if %cond3A_147 {
        %add3A_157 = arith.addi %select_n3A_12, %while3A_54 : i32
        %add3A_158 = arith.constant 1 : i32
        %add3A_159 = arith.addi %add3A_157, %add3A_158 : i32
        %dma_start3A_160 = arith.constant 0 : i32
        %dma_start3A_161 = tpu.memref_slice %arg7[%select_n3A_84, %dma_start3A_160] : memref<3x512xi32, #tpu.memory_space<vmem>> -> memref<1x512xi32, #tpu.memory_space<vmem>>
        %dma_start3A_162 = tpu.memref_squeeze %dma_start3A_161 : memref<1x512xi32, #tpu.memory_space<vmem>> -> memref<512xi32, #tpu.memory_space<vmem>>
        %dma_start3A_163 = arith.constant 0 : i32
        %dma_start3A_164 = tpu.memref_slice %arg3[%add3A_159, %dma_start3A_163] : memref<6400x512xi32, #tpu.memory_space<hbm>> -> memref<1x512xi32, #tpu.memory_space<hbm>>
        %dma_start3A_165 = tpu.memref_squeeze %dma_start3A_164 : memref<1x512xi32, #tpu.memory_space<hbm>> -> memref<512xi32, #tpu.memory_space<hbm>>
        %dma_start3A_166 = arith.constant 0 : i32
        %dma_start3A_167 = tpu.memref_slice %arg7[%select_n3A_84, %dma_start3A_166] : memref<3x512xi32, #tpu.memory_space<vmem>> -> memref<1x512xi32, #tpu.memory_space<vmem>>
        %dma_start3A_168 = tpu.memref_squeeze %dma_start3A_167 : memref<1x512xi32, #tpu.memory_space<vmem>> -> memref<512xi32, #tpu.memory_space<vmem>>
        %dma_start3A_169 = arith.constant 0 : i32
        %dma_start3A_170 = tpu.memref_slice %arg3[%add3A_159, %dma_start3A_169] : memref<6400x512xi32, #tpu.memory_space<hbm>> -> memref<1x512xi32, #tpu.memory_space<hbm>>
        %dma_start3A_171 = tpu.memref_squeeze %dma_start3A_170 : memref<1x512xi32, #tpu.memory_space<hbm>> -> memref<512xi32, #tpu.memory_space<hbm>>
        tpu.enqueue_dma source(%dma_start3A_171 : memref<512xi32, #tpu.memory_space<hbm>>) target(%dma_start3A_168 : memref<512xi32, #tpu.memory_space<vmem>>) target_semaphore(%arg13 : memref<!tpu.dma_semaphore, #tpu.memory_space<semaphore_mem>>)
        %add3A_172 = arith.addi %select_n3A_12, %while3A_54 : i32
        %add3A_173 = arith.constant 1 : i32
        %add3A_174 = arith.addi %add3A_172, %add3A_173 : i32
        %dma_start3A_175 = arith.constant 0 : i32
        %dma_start3A_176 = tpu.memref_slice %arg8[%select_n3A_84, %dma_start3A_175] : memref<3x512xi32, #tpu.memory_space<vmem>> -> memref<1x512xi32, #tpu.memory_space<vmem>>
        %dma_start3A_177 = tpu.memref_squeeze %dma_start3A_176 : memref<1x512xi32, #tpu.memory_space<vmem>> -> memref<512xi32, #tpu.memory_space<vmem>>
        %dma_start3A_178 = arith.constant 0 : i32
        %dma_start3A_179 = tpu.memref_slice %arg4[%add3A_174, %dma_start3A_178] : memref<6400x512xi32, #tpu.memory_space<hbm>> -> memref<1x512xi32, #tpu.memory_space<hbm>>
        %dma_start3A_180 = tpu.memref_squeeze %dma_start3A_179 : memref<1x512xi32, #tpu.memory_space<hbm>> -> memref<512xi32, #tpu.memory_space<hbm>>
        %dma_start3A_181 = arith.constant 0 : i32
        %dma_start3A_182 = tpu.memref_slice %arg8[%select_n3A_84, %dma_start3A_181] : memref<3x512xi32, #tpu.memory_space<vmem>> -> memref<1x512xi32, #tpu.memory_space<vmem>>
        %dma_start3A_183 = tpu.memref_squeeze %dma_start3A_182 : memref<1x512xi32, #tpu.memory_space<vmem>> -> memref<512xi32, #tpu.memory_space<vmem>>
        %dma_start3A_184 = arith.constant 0 : i32
        %dma_start3A_185 = tpu.memref_slice %arg4[%add3A_174, %dma_start3A_184] : memref<6400x512xi32, #tpu.memory_space<hbm>> -> memref<1x512xi32, #tpu.memory_space<hbm>>
        %dma_start3A_186 = tpu.memref_squeeze %dma_start3A_185 : memref<1x512xi32, #tpu.memory_space<hbm>> -> memref<512xi32, #tpu.memory_space<hbm>>
        tpu.enqueue_dma source(%dma_start3A_186 : memref<512xi32, #tpu.memory_space<hbm>>) target(%dma_start3A_183 : memref<512xi32, #tpu.memory_space<vmem>>) target_semaphore(%arg13 : memref<!tpu.dma_semaphore, #tpu.memory_space<semaphore_mem>>)
      } else {
      }
      %ge3A_148 = arith.constant 1 : i32
      %ge3A_149 = arith.cmpi sge, %while3A_54, %ge3A_148 : i32
      %sub3A_150 = arith.constant 1 : i32
      %sub3A_151 = arith.subi %while3A_54, %sub3A_150 : i32
      %lt3A_152 = arith.cmpi slt, %sub3A_151, %select_n3A : i32
      %and3A_153 = arith.andi %ge3A_149, %lt3A_152 : i1
      %convert_element_type3A_154 = arith.extui %and3A_153 : i1 to i32
      %cond3A_155 = arith.constant 0 : i32
      %cond3A_156 = arith.cmpi ne, %convert_element_type3A_154, %cond3A_155 : i32
      scf.if %cond3A_156 {
        %dma_wait3A = arith.constant 0 : i32
        %dma_wait3A_157 = arith.constant 0 : i32
        %dma_wait3A_158 = tpu.memref_slice %arg9[%select_n3A_135, %dma_wait3A, %dma_wait3A_157] : memref<2x512x16xf32, #tpu.memory_space<vmem>> -> memref<1x512x16xf32, #tpu.memory_space<vmem>>
        %dma_wait3A_159 = tpu.memref_squeeze %dma_wait3A_158 : memref<1x512x16xf32, #tpu.memory_space<vmem>> -> memref<512x16xf32, #tpu.memory_space<vmem>>
        %dma_wait3A_160 = arith.constant 0 : i32
        %dma_wait3A_161 = tpu.memref_slice %arg7[%select_n3A_101, %dma_wait3A_160] : memref<3x512xi32, #tpu.memory_space<vmem>> -> memref<1x512xi32, #tpu.memory_space<vmem>>
        %dma_wait3A_162 = tpu.memref_squeeze %dma_wait3A_161 : memref<1x512xi32, #tpu.memory_space<vmem>> -> memref<512xi32, #tpu.memory_space<vmem>>
        %dma_wait3A_163 = arith.constant 0 : i32
        %dma_wait3A_164 = arith.constant 0 : i32
        %dma_wait3A_165 = tpu.memref_slice %arg2[%dma_wait3A_163, %dma_wait3A_164] : memref<100224x16xf32, #tpu.memory_space<hbm>> -> memref<100224x16xf32, #tpu.memory_space<hbm>>
        tpu.wait_indirect_dma semaphore(%arg11 : memref<!tpu.dma_semaphore, #tpu.memory_space<semaphore_mem>>) src(%dma_wait3A_165 : memref<100224x16xf32, #tpu.memory_space<hbm>>) dst(%dma_wait3A_159 : memref<512x16xf32, #tpu.memory_space<vmem>>)
        %dma_start3A_166 = arith.constant 0 : i32
        %dma_start3A_167 = arith.constant 0 : i32
        %dma_start3A_168 = tpu.memref_slice %arg9[%select_n3A_135, %dma_start3A_166, %dma_start3A_167] : memref<2x512x16xf32, #tpu.memory_space<vmem>> -> memref<1x512x16xf32, #tpu.memory_space<vmem>>
        %dma_start3A_169 = tpu.memref_squeeze %dma_start3A_168 : memref<1x512x16xf32, #tpu.memory_space<vmem>> -> memref<512x16xf32, #tpu.memory_space<vmem>>
        %dma_start3A_170 = arith.constant 0 : i32
        %dma_start3A_171 = tpu.memref_slice %arg8[%select_n3A_101, %dma_start3A_170] : memref<3x512xi32, #tpu.memory_space<vmem>> -> memref<1x512xi32, #tpu.memory_space<vmem>>
        %dma_start3A_172 = tpu.memref_squeeze %dma_start3A_171 : memref<1x512xi32, #tpu.memory_space<vmem>> -> memref<512xi32, #tpu.memory_space<vmem>>
        %dma_start3A_173 = arith.constant 0 : i32
        %dma_start3A_174 = arith.constant 0 : i32
        %dma_start3A_175 = tpu.memref_slice %arg10[%dma_start3A_173, %dma_start3A_174] : memref<100224x16xf32, #tpu.memory_space<vmem_shared>> -> memref<100224x16xf32, #tpu.memory_space<vmem_shared>>
        tpu.enqueue_indirect_dma source(%dma_start3A_169 : memref<512x16xf32, #tpu.memory_space<vmem>>) target(%dma_start3A_175 : memref<100224x16xf32, #tpu.memory_space<vmem_shared>>) offsets(%dma_start3A_172 : memref<512xi32, #tpu.memory_space<vmem>>) semaphore(%arg12 : memref<!tpu.dma_semaphore, #tpu.memory_space<semaphore_mem>>) {add = true}
      } else {
      }
    }
    %while3A_48 = arith.constant 1 : i32
    scf.for %while3A_54 = %while3A_46 to %while3A_42 step %while3A_48  : i32 {
      %jit3A_55 = arith.constant 3 : i32
      %eq3A_56 = arith.constant 0 : i32
      %eq3A_57 = arith.cmpi eq, %jit3A_55, %eq3A_56 : i32
      %jit3A_58 = arith.constant 1 : i32
      %select_n3A_59 = arith.select %eq3A_57, %jit3A_58, %jit3A_55 : i32
      %rem3A = arith.remsi %while3A_54, %select_n3A_59 : i32
      %ne3A = arith.constant 0 : i32
      %ne3A_60 = arith.cmpi ne, %rem3A, %ne3A : i32
      %lt3A = arith.constant 0 : i32
      %lt3A_61 = arith.cmpi slt, %rem3A, %lt3A : i32
      %lt3A_62 = arith.constant 0 : i32
      %lt3A_63 = arith.cmpi slt, %select_n3A_59, %lt3A_62 : i32
      %ne3A_64 = arith.xori %lt3A_61, %lt3A_63 : i1
      %and3A = arith.andi %ne3A_64, %ne3A_60 : i1
      %add3A_65 = arith.addi %rem3A, %select_n3A_59 : i32
      %select_n3A_66 = arith.select %and3A, %add3A_65, %rem3A : i32
      %add3A_67 = arith.constant 1 : i32
      %add3A_68 = arith.addi %while3A_54, %add3A_67 : i32
      %jit3A_69 = arith.constant 3 : i32
      %eq3A_70 = arith.constant 0 : i32
      %eq3A_71 = arith.cmpi eq, %jit3A_69, %eq3A_70 : i32
      %jit3A_72 = arith.constant 1 : i32
      %select_n3A_73 = arith.select %eq3A_71, %jit3A_72, %jit3A_69 : i32
      %rem3A_74 = arith.remsi %add3A_68, %select_n3A_73 : i32
      %ne3A_75 = arith.constant 0 : i32
      %ne3A_76 = arith.cmpi ne, %rem3A_74, %ne3A_75 : i32
      %lt3A_77 = arith.constant 0 : i32
      %lt3A_78 = arith.cmpi slt, %rem3A_74, %lt3A_77 : i32
      %lt3A_79 = arith.constant 0 : i32
      %lt3A_80 = arith.cmpi slt, %select_n3A_73, %lt3A_79 : i32
      %ne3A_81 = arith.xori %lt3A_78, %lt3A_80 : i1
      %and3A_82 = arith.andi %ne3A_81, %ne3A_76 : i1
      %add3A_83 = arith.addi %rem3A_74, %select_n3A_73 : i32
      %select_n3A_84 = arith.select %and3A_82, %add3A_83, %rem3A_74 : i32
      %sub3A = arith.constant 1 : i32
      %sub3A_85 = arith.subi %while3A_54, %sub3A : i32
      %jit3A_86 = arith.constant 3 : i32
      %eq3A_87 = arith.constant 0 : i32
      %eq3A_88 = arith.cmpi eq, %jit3A_86, %eq3A_87 : i32
      %jit3A_89 = arith.constant 1 : i32
      %select_n3A_90 = arith.select %eq3A_88, %jit3A_89, %jit3A_86 : i32
      %rem3A_91 = arith.remsi %sub3A_85, %select_n3A_90 : i32
      %ne3A_92 = arith.constant 0 : i32
      %ne3A_93 = arith.cmpi ne, %rem3A_91, %ne3A_92 : i32
      %lt3A_94 = arith.constant 0 : i32
      %lt3A_95 = arith.cmpi slt, %rem3A_91, %lt3A_94 : i32
      %lt3A_96 = arith.constant 0 : i32
      %lt3A_97 = arith.cmpi slt, %select_n3A_90, %lt3A_96 : i32
      %ne3A_98 = arith.xori %lt3A_95, %lt3A_97 : i1
      %and3A_99 = arith.andi %ne3A_98, %ne3A_93 : i1
      %add3A_100 = arith.addi %rem3A_91, %select_n3A_90 : i32
      %select_n3A_101 = arith.select %and3A_99, %add3A_100, %rem3A_91 : i32
      %jit3A_102 = arith.constant 2 : i32
      %eq3A_103 = arith.constant 0 : i32
      %eq3A_104 = arith.cmpi eq, %jit3A_102, %eq3A_103 : i32
      %jit3A_105 = arith.constant 1 : i32
      %select_n3A_106 = arith.select %eq3A_104, %jit3A_105, %jit3A_102 : i32
      %rem3A_107 = arith.remsi %while3A_54, %select_n3A_106 : i32
      %ne3A_108 = arith.constant 0 : i32
      %ne3A_109 = arith.cmpi ne, %rem3A_107, %ne3A_108 : i32
      %lt3A_110 = arith.constant 0 : i32
      %lt3A_111 = arith.cmpi slt, %rem3A_107, %lt3A_110 : i32
      %lt3A_112 = arith.constant 0 : i32
      %lt3A_113 = arith.cmpi slt, %select_n3A_106, %lt3A_112 : i32
      %ne3A_114 = arith.xori %lt3A_111, %lt3A_113 : i1
      %and3A_115 = arith.andi %ne3A_114, %ne3A_109 : i1
      %add3A_116 = arith.addi %rem3A_107, %select_n3A_106 : i32
      %select_n3A_117 = arith.select %and3A_115, %add3A_116, %rem3A_107 : i32
      %add3A_118 = arith.constant 1 : i32
      %add3A_119 = arith.addi %while3A_54, %add3A_118 : i32
      %jit3A_120 = arith.constant 2 : i32
      %eq3A_121 = arith.constant 0 : i32
      %eq3A_122 = arith.cmpi eq, %jit3A_120, %eq3A_121 : i32
      %jit3A_123 = arith.constant 1 : i32
      %select_n3A_124 = arith.select %eq3A_122, %jit3A_123, %jit3A_120 : i32
      %rem3A_125 = arith.remsi %add3A_119, %select_n3A_124 : i32
      %ne3A_126 = arith.constant 0 : i32
      %ne3A_127 = arith.cmpi ne, %rem3A_125, %ne3A_126 : i32
      %lt3A_128 = arith.constant 0 : i32
      %lt3A_129 = arith.cmpi slt, %rem3A_125, %lt3A_128 : i32
      %lt3A_130 = arith.constant 0 : i32
      %lt3A_131 = arith.cmpi slt, %select_n3A_124, %lt3A_130 : i32
      %ne3A_132 = arith.xori %lt3A_129, %lt3A_131 : i1
      %and3A_133 = arith.andi %ne3A_132, %ne3A_127 : i1
      %add3A_134 = arith.addi %rem3A_125, %select_n3A_124 : i32
      %select_n3A_135 = arith.select %and3A_133, %add3A_134, %rem3A_125 : i32
      %ge3A = arith.constant 2 : i32
      %ge3A_136 = arith.cmpi sge, %while3A_54, %ge3A : i32
      %convert_element_type3A = arith.extui %ge3A_136 : i1 to i32
      %cond3A = arith.constant 0 : i32
      %cond3A_137 = arith.cmpi ne, %convert_element_type3A, %cond3A : i32
      scf.if %cond3A_137 {
        %dma_wait3A = arith.constant 0 : i32
        %dma_wait3A_157 = arith.constant 0 : i32
        %dma_wait3A_158 = tpu.memref_slice %arg9[%select_n3A_117, %dma_wait3A, %dma_wait3A_157] : memref<2x512x16xf32, #tpu.memory_space<vmem>> -> memref<1x512x16xf32, #tpu.memory_space<vmem>>
        %dma_wait3A_159 = tpu.memref_squeeze %dma_wait3A_158 : memref<1x512x16xf32, #tpu.memory_space<vmem>> -> memref<512x16xf32, #tpu.memory_space<vmem>>
        %dma_wait3A_160 = arith.constant 0 : i32
        %dma_wait3A_161 = tpu.memref_slice %arg8[%select_n3A_84, %dma_wait3A_160] : memref<3x512xi32, #tpu.memory_space<vmem>> -> memref<1x512xi32, #tpu.memory_space<vmem>>
        %dma_wait3A_162 = tpu.memref_squeeze %dma_wait3A_161 : memref<1x512xi32, #tpu.memory_space<vmem>> -> memref<512xi32, #tpu.memory_space<vmem>>
        %dma_wait3A_163 = arith.constant 0 : i32
        %dma_wait3A_164 = arith.constant 0 : i32
        %dma_wait3A_165 = tpu.memref_slice %arg10[%dma_wait3A_163, %dma_wait3A_164] : memref<100224x16xf32, #tpu.memory_space<vmem_shared>> -> memref<100224x16xf32, #tpu.memory_space<vmem_shared>>
        tpu.wait_indirect_dma semaphore(%arg12 : memref<!tpu.dma_semaphore, #tpu.memory_space<semaphore_mem>>) src(%dma_wait3A_159 : memref<512x16xf32, #tpu.memory_space<vmem>>) dst(%dma_wait3A_165 : memref<100224x16xf32, #tpu.memory_space<vmem_shared>>)
      } else {
      }
      %lt3A_138 = arith.cmpi slt, %while3A_54, %select_n3A : i32
      %convert_element_type3A_139 = arith.extui %lt3A_138 : i1 to i32
      %cond3A_140 = arith.constant 0 : i32
      %cond3A_141 = arith.cmpi ne, %convert_element_type3A_139, %cond3A_140 : i32
      scf.if %cond3A_141 {
        %add3A_157 = arith.addi %select_n3A_12, %while3A_54 : i32
        %dma_wait3A = arith.constant 0 : i32
        %dma_wait3A_158 = tpu.memref_slice %arg7[%select_n3A_66, %dma_wait3A] : memref<3x512xi32, #tpu.memory_space<vmem>> -> memref<1x512xi32, #tpu.memory_space<vmem>>
        %dma_wait3A_159 = tpu.memref_squeeze %dma_wait3A_158 : memref<1x512xi32, #tpu.memory_space<vmem>> -> memref<512xi32, #tpu.memory_space<vmem>>
        %dma_wait3A_160 = arith.constant 0 : i32
        %dma_wait3A_161 = tpu.memref_slice %arg3[%add3A_157, %dma_wait3A_160] : memref<6400x512xi32, #tpu.memory_space<hbm>> -> memref<1x512xi32, #tpu.memory_space<hbm>>
        %dma_wait3A_162 = tpu.memref_squeeze %dma_wait3A_161 : memref<1x512xi32, #tpu.memory_space<hbm>> -> memref<512xi32, #tpu.memory_space<hbm>>
        %dma_wait3A_163 = arith.constant 0 : i32
        %dma_wait3A_164 = tpu.memref_slice %arg7[%select_n3A_66, %dma_wait3A_163] : memref<3x512xi32, #tpu.memory_space<vmem>> -> memref<1x512xi32, #tpu.memory_space<vmem>>
        %dma_wait3A_165 = tpu.memref_squeeze %dma_wait3A_164 : memref<1x512xi32, #tpu.memory_space<vmem>> -> memref<512xi32, #tpu.memory_space<vmem>>
        %dma_wait3A_166 = arith.constant 0 : i32
        %dma_wait3A_167 = tpu.memref_slice %arg3[%add3A_157, %dma_wait3A_166] : memref<6400x512xi32, #tpu.memory_space<hbm>> -> memref<1x512xi32, #tpu.memory_space<hbm>>
        %dma_wait3A_168 = tpu.memref_squeeze %dma_wait3A_167 : memref<1x512xi32, #tpu.memory_space<hbm>> -> memref<512xi32, #tpu.memory_space<hbm>>
        tpu.wait_dma2 semaphore(%arg13 : memref<!tpu.dma_semaphore, #tpu.memory_space<semaphore_mem>>) src(%dma_wait3A_168 : memref<512xi32, #tpu.memory_space<hbm>>) dst(%dma_wait3A_165 : memref<512xi32, #tpu.memory_space<vmem>>)
        %add3A_169 = arith.addi %select_n3A_12, %while3A_54 : i32
        %dma_wait3A_170 = arith.constant 0 : i32
        %dma_wait3A_171 = tpu.memref_slice %arg8[%select_n3A_66, %dma_wait3A_170] : memref<3x512xi32, #tpu.memory_space<vmem>> -> memref<1x512xi32, #tpu.memory_space<vmem>>
        %dma_wait3A_172 = tpu.memref_squeeze %dma_wait3A_171 : memref<1x512xi32, #tpu.memory_space<vmem>> -> memref<512xi32, #tpu.memory_space<vmem>>
        %dma_wait3A_173 = arith.constant 0 : i32
        %dma_wait3A_174 = tpu.memref_slice %arg4[%add3A_169, %dma_wait3A_173] : memref<6400x512xi32, #tpu.memory_space<hbm>> -> memref<1x512xi32, #tpu.memory_space<hbm>>
        %dma_wait3A_175 = tpu.memref_squeeze %dma_wait3A_174 : memref<1x512xi32, #tpu.memory_space<hbm>> -> memref<512xi32, #tpu.memory_space<hbm>>
        %dma_wait3A_176 = arith.constant 0 : i32
        %dma_wait3A_177 = tpu.memref_slice %arg8[%select_n3A_66, %dma_wait3A_176] : memref<3x512xi32, #tpu.memory_space<vmem>> -> memref<1x512xi32, #tpu.memory_space<vmem>>
        %dma_wait3A_178 = tpu.memref_squeeze %dma_wait3A_177 : memref<1x512xi32, #tpu.memory_space<vmem>> -> memref<512xi32, #tpu.memory_space<vmem>>
        %dma_wait3A_179 = arith.constant 0 : i32
        %dma_wait3A_180 = tpu.memref_slice %arg4[%add3A_169, %dma_wait3A_179] : memref<6400x512xi32, #tpu.memory_space<hbm>> -> memref<1x512xi32, #tpu.memory_space<hbm>>
        %dma_wait3A_181 = tpu.memref_squeeze %dma_wait3A_180 : memref<1x512xi32, #tpu.memory_space<hbm>> -> memref<512xi32, #tpu.memory_space<hbm>>
        tpu.wait_dma2 semaphore(%arg13 : memref<!tpu.dma_semaphore, #tpu.memory_space<semaphore_mem>>) src(%dma_wait3A_181 : memref<512xi32, #tpu.memory_space<hbm>>) dst(%dma_wait3A_178 : memref<512xi32, #tpu.memory_space<vmem>>)
        %dma_start3A_182 = arith.constant 0 : i32
        %dma_start3A_183 = arith.constant 0 : i32
        %dma_start3A_184 = tpu.memref_slice %arg9[%select_n3A_117, %dma_start3A_182, %dma_start3A_183] : memref<2x512x16xf32, #tpu.memory_space<vmem>> -> memref<1x512x16xf32, #tpu.memory_space<vmem>>
        %dma_start3A_185 = tpu.memref_squeeze %dma_start3A_184 : memref<1x512x16xf32, #tpu.memory_space<vmem>> -> memref<512x16xf32, #tpu.memory_space<vmem>>
        %dma_start3A_186 = arith.constant 0 : i32
        %dma_start3A_187 = tpu.memref_slice %arg7[%select_n3A_66, %dma_start3A_186] : memref<3x512xi32, #tpu.memory_space<vmem>> -> memref<1x512xi32, #tpu.memory_space<vmem>>
        %dma_start3A_188 = tpu.memref_squeeze %dma_start3A_187 : memref<1x512xi32, #tpu.memory_space<vmem>> -> memref<512xi32, #tpu.memory_space<vmem>>
        %dma_start3A_189 = arith.constant 0 : i32
        %dma_start3A_190 = arith.constant 0 : i32
        %dma_start3A_191 = tpu.memref_slice %arg2[%dma_start3A_189, %dma_start3A_190] : memref<100224x16xf32, #tpu.memory_space<hbm>> -> memref<100224x16xf32, #tpu.memory_space<hbm>>
        tpu.enqueue_indirect_dma source(%dma_start3A_191 : memref<100224x16xf32, #tpu.memory_space<hbm>>) target(%dma_start3A_185 : memref<512x16xf32, #tpu.memory_space<vmem>>) offsets(%dma_start3A_188 : memref<512xi32, #tpu.memory_space<vmem>>) semaphore(%arg11 : memref<!tpu.dma_semaphore, #tpu.memory_space<semaphore_mem>>)
      } else {
      }
      %add3A_142 = arith.constant 1 : i32
      %add3A_143 = arith.addi %while3A_54, %add3A_142 : i32
      %lt3A_144 = arith.cmpi slt, %add3A_143, %select_n3A : i32
      %convert_element_type3A_145 = arith.extui %lt3A_144 : i1 to i32
      %cond3A_146 = arith.constant 0 : i32
      %cond3A_147 = arith.cmpi ne, %convert_element_type3A_145, %cond3A_146 : i32
      scf.if %cond3A_147 {
        %add3A_157 = arith.addi %select_n3A_12, %while3A_54 : i32
        %add3A_158 = arith.constant 1 : i32
        %add3A_159 = arith.addi %add3A_157, %add3A_158 : i32
        %dma_start3A_160 = arith.constant 0 : i32
        %dma_start3A_161 = tpu.memref_slice %arg7[%select_n3A_84, %dma_start3A_160] : memref<3x512xi32, #tpu.memory_space<vmem>> -> memref<1x512xi32, #tpu.memory_space<vmem>>
        %dma_start3A_162 = tpu.memref_squeeze %dma_start3A_161 : memref<1x512xi32, #tpu.memory_space<vmem>> -> memref<512xi32, #tpu.memory_space<vmem>>
        %dma_start3A_163 = arith.constant 0 : i32
        %dma_start3A_164 = tpu.memref_slice %arg3[%add3A_159, %dma_start3A_163] : memref<6400x512xi32, #tpu.memory_space<hbm>> -> memref<1x512xi32, #tpu.memory_space<hbm>>
        %dma_start3A_165 = tpu.memref_squeeze %dma_start3A_164 : memref<1x512xi32, #tpu.memory_space<hbm>> -> memref<512xi32, #tpu.memory_space<hbm>>
        %dma_start3A_166 = arith.constant 0 : i32
        %dma_start3A_167 = tpu.memref_slice %arg7[%select_n3A_84, %dma_start3A_166] : memref<3x512xi32, #tpu.memory_space<vmem>> -> memref<1x512xi32, #tpu.memory_space<vmem>>
        %dma_start3A_168 = tpu.memref_squeeze %dma_start3A_167 : memref<1x512xi32, #tpu.memory_space<vmem>> -> memref<512xi32, #tpu.memory_space<vmem>>
        %dma_start3A_169 = arith.constant 0 : i32
        %dma_start3A_170 = tpu.memref_slice %arg3[%add3A_159, %dma_start3A_169] : memref<6400x512xi32, #tpu.memory_space<hbm>> -> memref<1x512xi32, #tpu.memory_space<hbm>>
        %dma_start3A_171 = tpu.memref_squeeze %dma_start3A_170 : memref<1x512xi32, #tpu.memory_space<hbm>> -> memref<512xi32, #tpu.memory_space<hbm>>
        tpu.enqueue_dma source(%dma_start3A_171 : memref<512xi32, #tpu.memory_space<hbm>>) target(%dma_start3A_168 : memref<512xi32, #tpu.memory_space<vmem>>) target_semaphore(%arg13 : memref<!tpu.dma_semaphore, #tpu.memory_space<semaphore_mem>>)
        %add3A_172 = arith.addi %select_n3A_12, %while3A_54 : i32
        %add3A_173 = arith.constant 1 : i32
        %add3A_174 = arith.addi %add3A_172, %add3A_173 : i32
        %dma_start3A_175 = arith.constant 0 : i32
        %dma_start3A_176 = tpu.memref_slice %arg8[%select_n3A_84, %dma_start3A_175] : memref<3x512xi32, #tpu.memory_space<vmem>> -> memref<1x512xi32, #tpu.memory_space<vmem>>
        %dma_start3A_177 = tpu.memref_squeeze %dma_start3A_176 : memref<1x512xi32, #tpu.memory_space<vmem>> -> memref<512xi32, #tpu.memory_space<vmem>>
        %dma_start3A_178 = arith.constant 0 : i32
        %dma_start3A_179 = tpu.memref_slice %arg4[%add3A_174, %dma_start3A_178] : memref<6400x512xi32, #tpu.memory_space<hbm>> -> memref<1x512xi32, #tpu.memory_space<hbm>>
        %dma_start3A_180 = tpu.memref_squeeze %dma_start3A_179 : memref<1x512xi32, #tpu.memory_space<hbm>> -> memref<512xi32, #tpu.memory_space<hbm>>
        %dma_start3A_181 = arith.constant 0 : i32
        %dma_start3A_182 = tpu.memref_slice %arg8[%select_n3A_84, %dma_start3A_181] : memref<3x512xi32, #tpu.memory_space<vmem>> -> memref<1x512xi32, #tpu.memory_space<vmem>>
        %dma_start3A_183 = tpu.memref_squeeze %dma_start3A_182 : memref<1x512xi32, #tpu.memory_space<vmem>> -> memref<512xi32, #tpu.memory_space<vmem>>
        %dma_start3A_184 = arith.constant 0 : i32
        %dma_start3A_185 = tpu.memref_slice %arg4[%add3A_174, %dma_start3A_184] : memref<6400x512xi32, #tpu.memory_space<hbm>> -> memref<1x512xi32, #tpu.memory_space<hbm>>
        %dma_start3A_186 = tpu.memref_squeeze %dma_start3A_185 : memref<1x512xi32, #tpu.memory_space<hbm>> -> memref<512xi32, #tpu.memory_space<hbm>>
        tpu.enqueue_dma source(%dma_start3A_186 : memref<512xi32, #tpu.memory_space<hbm>>) target(%dma_start3A_183 : memref<512xi32, #tpu.memory_space<vmem>>) target_semaphore(%arg13 : memref<!tpu.dma_semaphore, #tpu.memory_space<semaphore_mem>>)
      } else {
      }
      %ge3A_148 = arith.constant 1 : i32
      %ge3A_149 = arith.cmpi sge, %while3A_54, %ge3A_148 : i32
      %sub3A_150 = arith.constant 1 : i32
      %sub3A_151 = arith.subi %while3A_54, %sub3A_150 : i32
      %lt3A_152 = arith.cmpi slt, %sub3A_151, %select_n3A : i32
      %and3A_153 = arith.andi %ge3A_149, %lt3A_152 : i1
      %convert_element_type3A_154 = arith.extui %and3A_153 : i1 to i32
      %cond3A_155 = arith.constant 0 : i32
      %cond3A_156 = arith.cmpi ne, %convert_element_type3A_154, %cond3A_155 : i32
      scf.if %cond3A_156 {
        %dma_wait3A = arith.constant 0 : i32
        %dma_wait3A_157 = arith.constant 0 : i32
        %dma_wait3A_158 = tpu.memref_slice %arg9[%select_n3A_135, %dma_wait3A, %dma_wait3A_157] : memref<2x512x16xf32, #tpu.memory_space<vmem>> -> memref<1x512x16xf32, #tpu.memory_space<vmem>>
        %dma_wait3A_159 = tpu.memref_squeeze %dma_wait3A_158 : memref<1x512x16xf32, #tpu.memory_space<vmem>> -> memref<512x16xf32, #tpu.memory_space<vmem>>
        %dma_wait3A_160 = arith.constant 0 : i32
        %dma_wait3A_161 = tpu.memref_slice %arg7[%select_n3A_101, %dma_wait3A_160] : memref<3x512xi32, #tpu.memory_space<vmem>> -> memref<1x512xi32, #tpu.memory_space<vmem>>
        %dma_wait3A_162 = tpu.memref_squeeze %dma_wait3A_161 : memref<1x512xi32, #tpu.memory_space<vmem>> -> memref<512xi32, #tpu.memory_space<vmem>>
        %dma_wait3A_163 = arith.constant 0 : i32
        %dma_wait3A_164 = arith.constant 0 : i32
        %dma_wait3A_165 = tpu.memref_slice %arg2[%dma_wait3A_163, %dma_wait3A_164] : memref<100224x16xf32, #tpu.memory_space<hbm>> -> memref<100224x16xf32, #tpu.memory_space<hbm>>
        tpu.wait_indirect_dma semaphore(%arg11 : memref<!tpu.dma_semaphore, #tpu.memory_space<semaphore_mem>>) src(%dma_wait3A_165 : memref<100224x16xf32, #tpu.memory_space<hbm>>) dst(%dma_wait3A_159 : memref<512x16xf32, #tpu.memory_space<vmem>>)
        %dma_start3A_166 = arith.constant 0 : i32
        %dma_start3A_167 = arith.constant 0 : i32
        %dma_start3A_168 = tpu.memref_slice %arg9[%select_n3A_135, %dma_start3A_166, %dma_start3A_167] : memref<2x512x16xf32, #tpu.memory_space<vmem>> -> memref<1x512x16xf32, #tpu.memory_space<vmem>>
        %dma_start3A_169 = tpu.memref_squeeze %dma_start3A_168 : memref<1x512x16xf32, #tpu.memory_space<vmem>> -> memref<512x16xf32, #tpu.memory_space<vmem>>
        %dma_start3A_170 = arith.constant 0 : i32
        %dma_start3A_171 = tpu.memref_slice %arg8[%select_n3A_101, %dma_start3A_170] : memref<3x512xi32, #tpu.memory_space<vmem>> -> memref<1x512xi32, #tpu.memory_space<vmem>>
        %dma_start3A_172 = tpu.memref_squeeze %dma_start3A_171 : memref<1x512xi32, #tpu.memory_space<vmem>> -> memref<512xi32, #tpu.memory_space<vmem>>
        %dma_start3A_173 = arith.constant 0 : i32
        %dma_start3A_174 = arith.constant 0 : i32
        %dma_start3A_175 = tpu.memref_slice %arg10[%dma_start3A_173, %dma_start3A_174] : memref<100224x16xf32, #tpu.memory_space<vmem_shared>> -> memref<100224x16xf32, #tpu.memory_space<vmem_shared>>
        tpu.enqueue_indirect_dma source(%dma_start3A_169 : memref<512x16xf32, #tpu.memory_space<vmem>>) target(%dma_start3A_175 : memref<100224x16xf32, #tpu.memory_space<vmem_shared>>) offsets(%dma_start3A_172 : memref<512xi32, #tpu.memory_space<vmem>>) semaphore(%arg12 : memref<!tpu.dma_semaphore, #tpu.memory_space<semaphore_mem>>) {add = true}
      } else {
      }
    }
    %barrier3A_49 = arith.constant 0 : index
    tpu.barrier barrier_id(%barrier3A_49)
    %mul3A_50 = arith.constant 6264 : i32
    %mul3A_51 = arith.muli %arg1, %mul3A_50 : i32
    %mul3A_52 = arith.constant 6264 : i32
    %mul3A_53 = arith.muli %arg1, %mul3A_52 : i32
    "tpu.region"() ({
      %run_scoped3A = tpu.sem_alloc : memref<!tpu.dma_semaphore, #tpu.memory_space<semaphore_mem>>
      %dma_start3A_54 = arith.constant 0 : i32
      %dma_start3A_55 = tpu.memref_slice %arg6[%arg0, %mul3A_53, %dma_start3A_54] : memref<2x100224x16xf32, #tpu.memory_space<hbm>> -> memref<1x6264x16xf32, #tpu.memory_space<hbm>>
      %dma_start3A_56 = tpu.memref_squeeze %dma_start3A_55 : memref<1x6264x16xf32, #tpu.memory_space<hbm>> -> memref<6264x16xf32, #tpu.memory_space<hbm>>
      %dma_start3A_57 = arith.constant 0 : i32
      %dma_start3A_58 = tpu.memref_slice %arg10[%mul3A_51, %dma_start3A_57] : memref<100224x16xf32, #tpu.memory_space<vmem_shared>> -> memref<6264x16xf32, #tpu.memory_space<vmem_shared>>
      tpu.enqueue_dma source(%dma_start3A_58 : memref<6264x16xf32, #tpu.memory_space<vmem_shared>>) target(%dma_start3A_56 : memref<6264x16xf32, #tpu.memory_space<hbm>>) target_semaphore(%run_scoped3A : memref<!tpu.dma_semaphore, #tpu.memory_space<semaphore_mem>>)
      %dma_wait3A = arith.constant 0 : i32
      %dma_wait3A_59 = tpu.memref_slice %arg6[%arg0, %mul3A_53, %dma_wait3A] : memref<2x100224x16xf32, #tpu.memory_space<hbm>> -> memref<1x6264x16xf32, #tpu.memory_space<hbm>>
      %dma_wait3A_60 = tpu.memref_squeeze %dma_wait3A_59 : memref<1x6264x16xf32, #tpu.memory_space<hbm>> -> memref<6264x16xf32, #tpu.memory_space<hbm>>
      %dma_wait3A_61 = arith.constant 0 : i32
      %dma_wait3A_62 = tpu.memref_slice %arg10[%mul3A_51, %dma_wait3A_61] : memref<100224x16xf32, #tpu.memory_space<vmem_shared>> -> memref<6264x16xf32, #tpu.memory_space<vmem_shared>>
      tpu.wait_dma2 semaphore(%run_scoped3A : memref<!tpu.dma_semaphore, #tpu.memory_space<semaphore_mem>>) src(%dma_wait3A_62 : memref<6264x16xf32, #tpu.memory_space<vmem_shared>>) dst(%dma_wait3A_60 : memref<6264x16xf32, #tpu.memory_space<hbm>>)
      tpu.yield
    }) : () -> ()
    return
  }
}

#map = affine_map<(d0, d1) -> (0, 0)>
#map1 = affine_map<(d0, d1) -> (0, 0, 0)>
module attributes {stable_mosaic.version = 14 : i64} {
  func.func @segsum(%arg0: i32, %arg1: i32, %arg2: memref<100224x16xf32, #tpu.memory_space<hbm>>, %arg3: memref<6400x512xi32, #tpu.memory_space<hbm>>, %arg4: memref<6400x512xi32, #tpu.memory_space<hbm>>, %arg5: memref<100224x16xf32, #tpu.memory_space<hbm>>, %arg6: memref<2x100224x16xf32, #tpu.memory_space<hbm>>, %arg7: memref<3x512xi32, #tpu.memory_space<vmem>>, %arg8: memref<3x512xi32, #tpu.memory_space<vmem>>, %arg9: memref<2x512x16xf32, #tpu.memory_space<vmem>>, %arg10: memref<100224x16xf32, #tpu.memory_space<vmem_shared>>, %arg11: memref<!tpu.dma_semaphore, #tpu.memory_space<semaphore_mem>>, %arg12: memref<!tpu.dma_semaphore, #tpu.memory_space<semaphore_mem>>, %arg13: memref<!tpu.dma_semaphore, #tpu.memory_space<semaphore_mem>>) attributes {dimension_semantics = [#tpu.dimension_semantics<core_parallel>, #tpu.dimension_semantics<subcore_parallel>], iteration_bounds = array<i64: 2, 16>, scalar_prefetch = 0 : i64, scratch_operands = 7 : i64, tpu.core_type = #tpu.core_type<sc_vector_subcore>, window_params = [{transform_indices = #map}, {transform_indices = #map}, {transform_indices = #map}, {transform_indices = #map}, {transform_indices = #map1}]} {
    %mul3A = arith.constant 6264 : i32
    %mul3A_0 = arith.muli %arg1, %mul3A : i32
    %mul3A_1 = arith.constant 6264 : i32
    %mul3A_2 = arith.muli %arg1, %mul3A_1 : i32
    "tpu.region"() ({
      %run_scoped3A = tpu.sem_alloc : memref<!tpu.dma_semaphore, #tpu.memory_space<semaphore_mem>>
      %dma_start3A_54 = arith.constant 0 : i32
      %dma_start3A_55 = tpu.memref_slice %arg10[%mul3A_2, %dma_start3A_54] : memref<100224x16xf32, #tpu.memory_space<vmem_shared>> -> memref<6264x16xf32, #tpu.memory_space<vmem_shared>>
      %dma_start3A_56 = arith.constant 0 : i32
      %dma_start3A_57 = tpu.memref_slice %arg5[%mul3A_0, %dma_start3A_56] : memref<100224x16xf32, #tpu.memory_space<hbm>> -> memref<6264x16xf32, #tpu.memory_space<hbm>>
      tpu.enqueue_dma source(%dma_start3A_57 : memref<6264x16xf32, #tpu.memory_space<hbm>>) target(%dma_start3A_55 : memref<6264x16xf32, #tpu.memory_space<vmem_shared>>) target_semaphore(%run_scoped3A : memref<!tpu.dma_semaphore, #tpu.memory_space<semaphore_mem>>)
      %dma_wait3A = arith.constant 0 : i32
      %dma_wait3A_58 = tpu.memref_slice %arg10[%mul3A_2, %dma_wait3A] : memref<100224x16xf32, #tpu.memory_space<vmem_shared>> -> memref<6264x16xf32, #tpu.memory_space<vmem_shared>>
      %dma_wait3A_59 = arith.constant 0 : i32
      %dma_wait3A_60 = tpu.memref_slice %arg5[%mul3A_0, %dma_wait3A_59] : memref<100224x16xf32, #tpu.memory_space<hbm>> -> memref<6264x16xf32, #tpu.memory_space<hbm>>
      tpu.wait_dma2 semaphore(%run_scoped3A : memref<!tpu.dma_semaphore, #tpu.memory_space<semaphore_mem>>) src(%dma_wait3A_60 : memref<6264x16xf32, #tpu.memory_space<hbm>>) dst(%dma_wait3A_58 : memref<6264x16xf32, #tpu.memory_space<vmem_shared>>)
      tpu.yield
    }) : () -> ()
    %barrier3A = arith.constant 0 : index
    tpu.barrier barrier_id(%barrier3A)
    %eq3A = arith.constant 0 : i32
    %eq3A_3 = arith.cmpi eq, %arg0, %eq3A : i32
    %jit3A = arith.constant 320 : i32
    %jit3A_4 = arith.constant 80 : i32
    %select_n3A = arith.select %eq3A_3, %jit3A, %jit3A_4 : i32
    %eq3A_5 = arith.constant 0 : i32
    %eq3A_6 = arith.cmpi eq, %arg0, %eq3A_5 : i32
    %mul3A_7 = arith.constant 320 : i32
    %mul3A_8 = arith.muli %arg1, %mul3A_7 : i32
    %mul3A_9 = arith.constant 80 : i32
    %mul3A_10 = arith.muli %arg1, %mul3A_9 : i32
    %add3A = arith.constant 5120 : i32
    %add3A_11 = arith.addi %add3A, %mul3A_10 : i32
    %select_n3A_12 = arith.select %eq3A_6, %mul3A_8, %add3A_11 : i32
    %dma_start3A = arith.constant 0 : i32
    %dma_start3A_13 = arith.constant 0 : i32
    %dma_start3A_14 = tpu.memref_slice %arg7[%dma_start3A, %dma_start3A_13] : memref<3x512xi32, #tpu.memory_space<vmem>> -> memref<1x512xi32, #tpu.memory_space<vmem>>
    %dma_start3A_15 = tpu.memref_squeeze %dma_start3A_14 : memref<1x512xi32, #tpu.memory_space<vmem>> -> memref<512xi32, #tpu.memory_space<vmem>>
    %dma_start3A_16 = arith.constant 0 : i32
    %dma_start3A_17 = tpu.memref_slice %arg3[%select_n3A_12, %dma_start3A_16] : memref<6400x512xi32, #tpu.memory_space<hbm>> -> memref<1x512xi32, #tpu.memory_space<hbm>>
    %dma_start3A_18 = tpu.memref_squeeze %dma_start3A_17 : memref<1x512xi32, #tpu.memory_space<hbm>> -> memref<512xi32, #tpu.memory_space<hbm>>
    %dma_start3A_19 = arith.constant 0 : i32
    %dma_start3A_20 = tpu.memref_slice %arg7[%dma_start3A, %dma_start3A_19] : memref<3x512xi32, #tpu.memory_space<vmem>> -> memref<1x512xi32, #tpu.memory_space<vmem>>
    %dma_start3A_21 = tpu.memref_squeeze %dma_start3A_20 : memref<1x512xi32, #tpu.memory_space<vmem>> -> memref<512xi32, #tpu.memory_space<vmem>>
    %dma_start3A_22 = arith.constant 0 : i32
    %dma_start3A_23 = tpu.memref_slice %arg3[%select_n3A_12, %dma_start3A_22] : memref<6400x512xi32, #tpu.memory_space<hbm>> -> memref<1x512xi32, #tpu.memory_space<hbm>>
    %dma_start3A_24 = tpu.memref_squeeze %dma_start3A_23 : memref<1x512xi32, #tpu.memory_space<hbm>> -> memref<512xi32, #tpu.memory_space<hbm>>
    tpu.enqueue_dma source(%dma_start3A_24 : memref<512xi32, #tpu.memory_space<hbm>>) target(%dma_start3A_21 : memref<512xi32, #tpu.memory_space<vmem>>) target_semaphore(%arg13 : memref<!tpu.dma_semaphore, #tpu.memory_space<semaphore_mem>>)
    %dma_start3A_25 = arith.constant 0 : i32
    %dma_start3A_26 = arith.constant 0 : i32
    %dma_start3A_27 = tpu.memref_slice %arg8[%dma_start3A_25, %dma_start3A_26] : memref<3x512xi32, #tpu.memory_space<vmem>> -> memref<1x512xi32, #tpu.memory_space<vmem>>
    %dma_start3A_28 = tpu.memref_squeeze %dma_start3A_27 : memref<1x512xi32, #tpu.memory_space<vmem>> -> memref<512xi32, #tpu.memory_space<vmem>>
    %dma_start3A_29 = arith.constant 0 : i32
    %dma_start3A_30 = tpu.memref_slice %arg4[%select_n3A_12, %dma_start3A_29] : memref<6400x512xi32, #tpu.memory_space<hbm>> -> memref<1x512xi32, #tpu.memory_space<hbm>>
    %dma_start3A_31 = tpu.memref_squeeze %dma_start3A_30 : memref<1x512xi32, #tpu.memory_space<hbm>> -> memref<512xi32, #tpu.memory_space<hbm>>
    %dma_start3A_32 = arith.constant 0 : i32
    %dma_start3A_33 = tpu.memref_slice %arg8[%dma_start3A_25, %dma_start3A_32] : memref<3x512xi32, #tpu.memory_space<vmem>> -> memref<1x512xi32, #tpu.memory_space<vmem>>
    %dma_start3A_34 = tpu.memref_squeeze %dma_start3A_33 : memref<1x512xi32, #tpu.memory_space<vmem>> -> memref<512xi32, #tpu.memory_space<vmem>>
    %dma_start3A_35 = arith.constant 0 : i32
    %dma_start3A_36 = tpu.memref_slice %arg4[%select_n3A_12, %dma_start3A_35] : memref<6400x512xi32, #tpu.memory_space<hbm>> -> memref<1x512xi32, #tpu.memory_space<hbm>>
    %dma_start3A_37 = tpu.memref_squeeze %dma_start3A_36 : memref<1x512xi32, #tpu.memory_space<hbm>> -> memref<512xi32, #tpu.memory_space<hbm>>
    tpu.enqueue_dma source(%dma_start3A_37 : memref<512xi32, #tpu.memory_space<hbm>>) target(%dma_start3A_34 : memref<512xi32, #tpu.memory_space<vmem>>) target_semaphore(%arg13 : memref<!tpu.dma_semaphore, #tpu.memory_space<semaphore_mem>>)
    %add3A_38 = arith.constant 2 : i32
    %add3A_39 = arith.addi %select_n3A, %add3A_38 : i32
    %while3A = arith.constant 0 : i32
    %while3A_40 = arith.constant 0 : i32
    %while3A_41 = arith.subi %add3A_39, %while3A_40 : i32
    %while3A_42 = arith.addi %while3A_40, %while3A_41 : i32
    %while3A_43 = arith.constant 1 : i32
    %while3A_44 = arith.divsi %while3A_41, %while3A_43 : i32
    %while3A_45 = arith.muli %while3A_44, %while3A_43 : i32
    %while3A_46 = arith.addi %while3A_40, %while3A_45 : i32
    %while3A_47 = arith.constant 1 : i32
    scf.for %while3A_54 = %while3A_40 to %while3A_46 step %while3A_47  : i32 {
      %jit3A_55 = arith.constant 3 : i32
      %eq3A_56 = arith.constant 0 : i32
      %eq3A_57 = arith.cmpi eq, %jit3A_55, %eq3A_56 : i32
      %jit3A_58 = arith.constant 1 : i32
      %select_n3A_59 = arith.select %eq3A_57, %jit3A_58, %jit3A_55 : i32
      %rem3A = arith.remsi %while3A_54, %select_n3A_59 : i32
      %ne3A = arith.constant 0 : i32
      %ne3A_60 = arith.cmpi ne, %rem3A, %ne3A : i32
      %lt3A = arith.constant 0 : i32
      %lt3A_61 = arith.cmpi slt, %rem3A, %lt3A : i32
      %lt3A_62 = arith.constant 0 : i32
      %lt3A_63 = arith.cmpi slt, %select_n3A_59, %lt3A_62 : i32
      %ne3A_64 = arith.xori %lt3A_61, %lt3A_63 : i1
      %and3A = arith.andi %ne3A_64, %ne3A_60 : i1
      %add3A_65 = arith.addi %rem3A, %select_n3A_59 : i32
      %select_n3A_66 = arith.select %and3A, %add3A_65, %rem3A : i32
      %add3A_67 = arith.constant 1 : i32
      %add3A_68 = arith.addi %while3A_54, %add3A_67 : i32
      %jit3A_69 = arith.constant 3 : i32
      %eq3A_70 = arith.constant 0 : i32
      %eq3A_71 = arith.cmpi eq, %jit3A_69, %eq3A_70 : i32
      %jit3A_72 = arith.constant 1 : i32
      %select_n3A_73 = arith.select %eq3A_71, %jit3A_72, %jit3A_69 : i32
      %rem3A_74 = arith.remsi %add3A_68, %select_n3A_73 : i32
      %ne3A_75 = arith.constant 0 : i32
      %ne3A_76 = arith.cmpi ne, %rem3A_74, %ne3A_75 : i32
      %lt3A_77 = arith.constant 0 : i32
      %lt3A_78 = arith.cmpi slt, %rem3A_74, %lt3A_77 : i32
      %lt3A_79 = arith.constant 0 : i32
      %lt3A_80 = arith.cmpi slt, %select_n3A_73, %lt3A_79 : i32
      %ne3A_81 = arith.xori %lt3A_78, %lt3A_80 : i1
      %and3A_82 = arith.andi %ne3A_81, %ne3A_76 : i1
      %add3A_83 = arith.addi %rem3A_74, %select_n3A_73 : i32
      %select_n3A_84 = arith.select %and3A_82, %add3A_83, %rem3A_74 : i32
      %sub3A = arith.constant 1 : i32
      %sub3A_85 = arith.subi %while3A_54, %sub3A : i32
      %jit3A_86 = arith.constant 3 : i32
      %eq3A_87 = arith.constant 0 : i32
      %eq3A_88 = arith.cmpi eq, %jit3A_86, %eq3A_87 : i32
      %jit3A_89 = arith.constant 1 : i32
      %select_n3A_90 = arith.select %eq3A_88, %jit3A_89, %jit3A_86 : i32
      %rem3A_91 = arith.remsi %sub3A_85, %select_n3A_90 : i32
      %ne3A_92 = arith.constant 0 : i32
      %ne3A_93 = arith.cmpi ne, %rem3A_91, %ne3A_92 : i32
      %lt3A_94 = arith.constant 0 : i32
      %lt3A_95 = arith.cmpi slt, %rem3A_91, %lt3A_94 : i32
      %lt3A_96 = arith.constant 0 : i32
      %lt3A_97 = arith.cmpi slt, %select_n3A_90, %lt3A_96 : i32
      %ne3A_98 = arith.xori %lt3A_95, %lt3A_97 : i1
      %and3A_99 = arith.andi %ne3A_98, %ne3A_93 : i1
      %add3A_100 = arith.addi %rem3A_91, %select_n3A_90 : i32
      %select_n3A_101 = arith.select %and3A_99, %add3A_100, %rem3A_91 : i32
      %jit3A_102 = arith.constant 2 : i32
      %eq3A_103 = arith.constant 0 : i32
      %eq3A_104 = arith.cmpi eq, %jit3A_102, %eq3A_103 : i32
      %jit3A_105 = arith.constant 1 : i32
      %select_n3A_106 = arith.select %eq3A_104, %jit3A_105, %jit3A_102 : i32
      %rem3A_107 = arith.remsi %while3A_54, %select_n3A_106 : i32
      %ne3A_108 = arith.constant 0 : i32
      %ne3A_109 = arith.cmpi ne, %rem3A_107, %ne3A_108 : i32
      %lt3A_110 = arith.constant 0 : i32
      %lt3A_111 = arith.cmpi slt, %rem3A_107, %lt3A_110 : i32
      %lt3A_112 = arith.constant 0 : i32
      %lt3A_113 = arith.cmpi slt, %select_n3A_106, %lt3A_112 : i32
      %ne3A_114 = arith.xori %lt3A_111, %lt3A_113 : i1
      %and3A_115 = arith.andi %ne3A_114, %ne3A_109 : i1
      %add3A_116 = arith.addi %rem3A_107, %select_n3A_106 : i32
      %select_n3A_117 = arith.select %and3A_115, %add3A_116, %rem3A_107 : i32
      %add3A_118 = arith.constant 1 : i32
      %add3A_119 = arith.addi %while3A_54, %add3A_118 : i32
      %jit3A_120 = arith.constant 2 : i32
      %eq3A_121 = arith.constant 0 : i32
      %eq3A_122 = arith.cmpi eq, %jit3A_120, %eq3A_121 : i32
      %jit3A_123 = arith.constant 1 : i32
      %select_n3A_124 = arith.select %eq3A_122, %jit3A_123, %jit3A_120 : i32
      %rem3A_125 = arith.remsi %add3A_119, %select_n3A_124 : i32
      %ne3A_126 = arith.constant 0 : i32
      %ne3A_127 = arith.cmpi ne, %rem3A_125, %ne3A_126 : i32
      %lt3A_128 = arith.constant 0 : i32
      %lt3A_129 = arith.cmpi slt, %rem3A_125, %lt3A_128 : i32
      %lt3A_130 = arith.constant 0 : i32
      %lt3A_131 = arith.cmpi slt, %select_n3A_124, %lt3A_130 : i32
      %ne3A_132 = arith.xori %lt3A_129, %lt3A_131 : i1
      %and3A_133 = arith.andi %ne3A_132, %ne3A_127 : i1
      %add3A_134 = arith.addi %rem3A_125, %select_n3A_124 : i32
      %select_n3A_135 = arith.select %and3A_133, %add3A_134, %rem3A_125 : i32
      %ge3A = arith.constant 2 : i32
      %ge3A_136 = arith.cmpi sge, %while3A_54, %ge3A : i32
      %convert_element_type3A = arith.extui %ge3A_136 : i1 to i32
      %cond3A = arith.constant 0 : i32
      %cond3A_137 = arith.cmpi ne, %convert_element_type3A, %cond3A : i32
      scf.if %cond3A_137 {
        %dma_wait3A = arith.constant 0 : i32
        %dma_wait3A_157 = arith.constant 0 : i32
        %dma_wait3A_158 = tpu.memref_slice %arg9[%select_n3A_117, %dma_wait3A, %dma_wait3A_157] : memref<2x512x16xf32, #tpu.memory_space<vmem>> -> memref<1x512x16xf32, #tpu.memory_space<vmem>>
        %dma_wait3A_159 = tpu.memref_squeeze %dma_wait3A_158 : memref<1x512x16xf32, #tpu.memory_space<vmem>> -> memref<512x16xf32, #tpu.memory_space<vmem>>
        %dma_wait3A_160 = arith.constant 0 : i32
        %dma_wait3A_161 = tpu.memref_slice %arg8[%select_n3A_84, %dma_wait3A_160] : memref<3x512xi32, #tpu.memory_space<vmem>> -> memref<1x512xi32, #tpu.memory_space<vmem>>
        %dma_wait3A_162 = tpu.memref_squeeze %dma_wait3A_161 : memref<1x512xi32, #tpu.memory_space<vmem>> -> memref<512xi32, #tpu.memory_space<vmem>>
        %dma_wait3A_163 = arith.constant 0 : i32
        %dma_wait3A_164 = arith.constant 0 : i32
        %dma_wait3A_165 = tpu.memref_slice %arg10[%dma_wait3A_163, %dma_wait3A_164] : memref<100224x16xf32, #tpu.memory_space<vmem_shared>> -> memref<100224x16xf32, #tpu.memory_space<vmem_shared>>
        tpu.wait_indirect_dma semaphore(%arg12 : memref<!tpu.dma_semaphore, #tpu.memory_space<semaphore_mem>>) src(%dma_wait3A_159 : memref<512x16xf32, #tpu.memory_space<vmem>>) dst(%dma_wait3A_165 : memref<100224x16xf32, #tpu.memory_space<vmem_shared>>)
      } else {
      }
      %lt3A_138 = arith.cmpi slt, %while3A_54, %select_n3A : i32
      %convert_element_type3A_139 = arith.extui %lt3A_138 : i1 to i32
      %cond3A_140 = arith.constant 0 : i32
      %cond3A_141 = arith.cmpi ne, %convert_element_type3A_139, %cond3A_140 : i32
      scf.if %cond3A_141 {
        %add3A_157 = arith.addi %select_n3A_12, %while3A_54 : i32
        %dma_wait3A = arith.constant 0 : i32
        %dma_wait3A_158 = tpu.memref_slice %arg7[%select_n3A_66, %dma_wait3A] : memref<3x512xi32, #tpu.memory_space<vmem>> -> memref<1x512xi32, #tpu.memory_space<vmem>>
        %dma_wait3A_159 = tpu.memref_squeeze %dma_wait3A_158 : memref<1x512xi32, #tpu.memory_space<vmem>> -> memref<512xi32, #tpu.memory_space<vmem>>
        %dma_wait3A_160 = arith.constant 0 : i32
        %dma_wait3A_161 = tpu.memref_slice %arg3[%add3A_157, %dma_wait3A_160] : memref<6400x512xi32, #tpu.memory_space<hbm>> -> memref<1x512xi32, #tpu.memory_space<hbm>>
        %dma_wait3A_162 = tpu.memref_squeeze %dma_wait3A_161 : memref<1x512xi32, #tpu.memory_space<hbm>> -> memref<512xi32, #tpu.memory_space<hbm>>
        %dma_wait3A_163 = arith.constant 0 : i32
        %dma_wait3A_164 = tpu.memref_slice %arg7[%select_n3A_66, %dma_wait3A_163] : memref<3x512xi32, #tpu.memory_space<vmem>> -> memref<1x512xi32, #tpu.memory_space<vmem>>
        %dma_wait3A_165 = tpu.memref_squeeze %dma_wait3A_164 : memref<1x512xi32, #tpu.memory_space<vmem>> -> memref<512xi32, #tpu.memory_space<vmem>>
        %dma_wait3A_166 = arith.constant 0 : i32
        %dma_wait3A_167 = tpu.memref_slice %arg3[%add3A_157, %dma_wait3A_166] : memref<6400x512xi32, #tpu.memory_space<hbm>> -> memref<1x512xi32, #tpu.memory_space<hbm>>
        %dma_wait3A_168 = tpu.memref_squeeze %dma_wait3A_167 : memref<1x512xi32, #tpu.memory_space<hbm>> -> memref<512xi32, #tpu.memory_space<hbm>>
        tpu.wait_dma2 semaphore(%arg13 : memref<!tpu.dma_semaphore, #tpu.memory_space<semaphore_mem>>) src(%dma_wait3A_168 : memref<512xi32, #tpu.memory_space<hbm>>) dst(%dma_wait3A_165 : memref<512xi32, #tpu.memory_space<vmem>>)
        %add3A_169 = arith.addi %select_n3A_12, %while3A_54 : i32
        %dma_wait3A_170 = arith.constant 0 : i32
        %dma_wait3A_171 = tpu.memref_slice %arg8[%select_n3A_66, %dma_wait3A_170] : memref<3x512xi32, #tpu.memory_space<vmem>> -> memref<1x512xi32, #tpu.memory_space<vmem>>
        %dma_wait3A_172 = tpu.memref_squeeze %dma_wait3A_171 : memref<1x512xi32, #tpu.memory_space<vmem>> -> memref<512xi32, #tpu.memory_space<vmem>>
        %dma_wait3A_173 = arith.constant 0 : i32
        %dma_wait3A_174 = tpu.memref_slice %arg4[%add3A_169, %dma_wait3A_173] : memref<6400x512xi32, #tpu.memory_space<hbm>> -> memref<1x512xi32, #tpu.memory_space<hbm>>
        %dma_wait3A_175 = tpu.memref_squeeze %dma_wait3A_174 : memref<1x512xi32, #tpu.memory_space<hbm>> -> memref<512xi32, #tpu.memory_space<hbm>>
        %dma_wait3A_176 = arith.constant 0 : i32
        %dma_wait3A_177 = tpu.memref_slice %arg8[%select_n3A_66, %dma_wait3A_176] : memref<3x512xi32, #tpu.memory_space<vmem>> -> memref<1x512xi32, #tpu.memory_space<vmem>>
        %dma_wait3A_178 = tpu.memref_squeeze %dma_wait3A_177 : memref<1x512xi32, #tpu.memory_space<vmem>> -> memref<512xi32, #tpu.memory_space<vmem>>
        %dma_wait3A_179 = arith.constant 0 : i32
        %dma_wait3A_180 = tpu.memref_slice %arg4[%add3A_169, %dma_wait3A_179] : memref<6400x512xi32, #tpu.memory_space<hbm>> -> memref<1x512xi32, #tpu.memory_space<hbm>>
        %dma_wait3A_181 = tpu.memref_squeeze %dma_wait3A_180 : memref<1x512xi32, #tpu.memory_space<hbm>> -> memref<512xi32, #tpu.memory_space<hbm>>
        tpu.wait_dma2 semaphore(%arg13 : memref<!tpu.dma_semaphore, #tpu.memory_space<semaphore_mem>>) src(%dma_wait3A_181 : memref<512xi32, #tpu.memory_space<hbm>>) dst(%dma_wait3A_178 : memref<512xi32, #tpu.memory_space<vmem>>)
        %dma_start3A_182 = arith.constant 0 : i32
        %dma_start3A_183 = arith.constant 0 : i32
        %dma_start3A_184 = tpu.memref_slice %arg9[%select_n3A_117, %dma_start3A_182, %dma_start3A_183] : memref<2x512x16xf32, #tpu.memory_space<vmem>> -> memref<1x512x16xf32, #tpu.memory_space<vmem>>
        %dma_start3A_185 = tpu.memref_squeeze %dma_start3A_184 : memref<1x512x16xf32, #tpu.memory_space<vmem>> -> memref<512x16xf32, #tpu.memory_space<vmem>>
        %dma_start3A_186 = arith.constant 0 : i32
        %dma_start3A_187 = tpu.memref_slice %arg7[%select_n3A_66, %dma_start3A_186] : memref<3x512xi32, #tpu.memory_space<vmem>> -> memref<1x512xi32, #tpu.memory_space<vmem>>
        %dma_start3A_188 = tpu.memref_squeeze %dma_start3A_187 : memref<1x512xi32, #tpu.memory_space<vmem>> -> memref<512xi32, #tpu.memory_space<vmem>>
        %dma_start3A_189 = arith.constant 0 : i32
        %dma_start3A_190 = arith.constant 0 : i32
        %dma_start3A_191 = tpu.memref_slice %arg2[%dma_start3A_189, %dma_start3A_190] : memref<100224x16xf32, #tpu.memory_space<hbm>> -> memref<100224x16xf32, #tpu.memory_space<hbm>>
        tpu.enqueue_indirect_dma source(%dma_start3A_191 : memref<100224x16xf32, #tpu.memory_space<hbm>>) target(%dma_start3A_185 : memref<512x16xf32, #tpu.memory_space<vmem>>) offsets(%dma_start3A_188 : memref<512xi32, #tpu.memory_space<vmem>>) semaphore(%arg11 : memref<!tpu.dma_semaphore, #tpu.memory_space<semaphore_mem>>)
      } else {
      }
      %add3A_142 = arith.constant 1 : i32
      %add3A_143 = arith.addi %while3A_54, %add3A_142 : i32
      %lt3A_144 = arith.cmpi slt, %add3A_143, %select_n3A : i32
      %convert_element_type3A_145 = arith.extui %lt3A_144 : i1 to i32
      %cond3A_146 = arith.constant 0 : i32
      %cond3A_147 = arith.cmpi ne, %convert_element_type3A_145, %cond3A_146 : i32
      scf.if %cond3A_147 {
        %add3A_157 = arith.addi %select_n3A_12, %while3A_54 : i32
        %add3A_158 = arith.constant 1 : i32
        %add3A_159 = arith.addi %add3A_157, %add3A_158 : i32
        %dma_start3A_160 = arith.constant 0 : i32
        %dma_start3A_161 = tpu.memref_slice %arg7[%select_n3A_84, %dma_start3A_160] : memref<3x512xi32, #tpu.memory_space<vmem>> -> memref<1x512xi32, #tpu.memory_space<vmem>>
        %dma_start3A_162 = tpu.memref_squeeze %dma_start3A_161 : memref<1x512xi32, #tpu.memory_space<vmem>> -> memref<512xi32, #tpu.memory_space<vmem>>
        %dma_start3A_163 = arith.constant 0 : i32
        %dma_start3A_164 = tpu.memref_slice %arg3[%add3A_159, %dma_start3A_163] : memref<6400x512xi32, #tpu.memory_space<hbm>> -> memref<1x512xi32, #tpu.memory_space<hbm>>
        %dma_start3A_165 = tpu.memref_squeeze %dma_start3A_164 : memref<1x512xi32, #tpu.memory_space<hbm>> -> memref<512xi32, #tpu.memory_space<hbm>>
        %dma_start3A_166 = arith.constant 0 : i32
        %dma_start3A_167 = tpu.memref_slice %arg7[%select_n3A_84, %dma_start3A_166] : memref<3x512xi32, #tpu.memory_space<vmem>> -> memref<1x512xi32, #tpu.memory_space<vmem>>
        %dma_start3A_168 = tpu.memref_squeeze %dma_start3A_167 : memref<1x512xi32, #tpu.memory_space<vmem>> -> memref<512xi32, #tpu.memory_space<vmem>>
        %dma_start3A_169 = arith.constant 0 : i32
        %dma_start3A_170 = tpu.memref_slice %arg3[%add3A_159, %dma_start3A_169] : memref<6400x512xi32, #tpu.memory_space<hbm>> -> memref<1x512xi32, #tpu.memory_space<hbm>>
        %dma_start3A_171 = tpu.memref_squeeze %dma_start3A_170 : memref<1x512xi32, #tpu.memory_space<hbm>> -> memref<512xi32, #tpu.memory_space<hbm>>
        tpu.enqueue_dma source(%dma_start3A_171 : memref<512xi32, #tpu.memory_space<hbm>>) target(%dma_start3A_168 : memref<512xi32, #tpu.memory_space<vmem>>) target_semaphore(%arg13 : memref<!tpu.dma_semaphore, #tpu.memory_space<semaphore_mem>>)
        %add3A_172 = arith.addi %select_n3A_12, %while3A_54 : i32
        %add3A_173 = arith.constant 1 : i32
        %add3A_174 = arith.addi %add3A_172, %add3A_173 : i32
        %dma_start3A_175 = arith.constant 0 : i32
        %dma_start3A_176 = tpu.memref_slice %arg8[%select_n3A_84, %dma_start3A_175] : memref<3x512xi32, #tpu.memory_space<vmem>> -> memref<1x512xi32, #tpu.memory_space<vmem>>
        %dma_start3A_177 = tpu.memref_squeeze %dma_start3A_176 : memref<1x512xi32, #tpu.memory_space<vmem>> -> memref<512xi32, #tpu.memory_space<vmem>>
        %dma_start3A_178 = arith.constant 0 : i32
        %dma_start3A_179 = tpu.memref_slice %arg4[%add3A_174, %dma_start3A_178] : memref<6400x512xi32, #tpu.memory_space<hbm>> -> memref<1x512xi32, #tpu.memory_space<hbm>>
        %dma_start3A_180 = tpu.memref_squeeze %dma_start3A_179 : memref<1x512xi32, #tpu.memory_space<hbm>> -> memref<512xi32, #tpu.memory_space<hbm>>
        %dma_start3A_181 = arith.constant 0 : i32
        %dma_start3A_182 = tpu.memref_slice %arg8[%select_n3A_84, %dma_start3A_181] : memref<3x512xi32, #tpu.memory_space<vmem>> -> memref<1x512xi32, #tpu.memory_space<vmem>>
        %dma_start3A_183 = tpu.memref_squeeze %dma_start3A_182 : memref<1x512xi32, #tpu.memory_space<vmem>> -> memref<512xi32, #tpu.memory_space<vmem>>
        %dma_start3A_184 = arith.constant 0 : i32
        %dma_start3A_185 = tpu.memref_slice %arg4[%add3A_174, %dma_start3A_184] : memref<6400x512xi32, #tpu.memory_space<hbm>> -> memref<1x512xi32, #tpu.memory_space<hbm>>
        %dma_start3A_186 = tpu.memref_squeeze %dma_start3A_185 : memref<1x512xi32, #tpu.memory_space<hbm>> -> memref<512xi32, #tpu.memory_space<hbm>>
        tpu.enqueue_dma source(%dma_start3A_186 : memref<512xi32, #tpu.memory_space<hbm>>) target(%dma_start3A_183 : memref<512xi32, #tpu.memory_space<vmem>>) target_semaphore(%arg13 : memref<!tpu.dma_semaphore, #tpu.memory_space<semaphore_mem>>)
      } else {
      }
      %ge3A_148 = arith.constant 1 : i32
      %ge3A_149 = arith.cmpi sge, %while3A_54, %ge3A_148 : i32
      %sub3A_150 = arith.constant 1 : i32
      %sub3A_151 = arith.subi %while3A_54, %sub3A_150 : i32
      %lt3A_152 = arith.cmpi slt, %sub3A_151, %select_n3A : i32
      %and3A_153 = arith.andi %ge3A_149, %lt3A_152 : i1
      %convert_element_type3A_154 = arith.extui %and3A_153 : i1 to i32
      %cond3A_155 = arith.constant 0 : i32
      %cond3A_156 = arith.cmpi ne, %convert_element_type3A_154, %cond3A_155 : i32
      scf.if %cond3A_156 {
        %dma_wait3A = arith.constant 0 : i32
        %dma_wait3A_157 = arith.constant 0 : i32
        %dma_wait3A_158 = tpu.memref_slice %arg9[%select_n3A_135, %dma_wait3A, %dma_wait3A_157] : memref<2x512x16xf32, #tpu.memory_space<vmem>> -> memref<1x512x16xf32, #tpu.memory_space<vmem>>
        %dma_wait3A_159 = tpu.memref_squeeze %dma_wait3A_158 : memref<1x512x16xf32, #tpu.memory_space<vmem>> -> memref<512x16xf32, #tpu.memory_space<vmem>>
        %dma_wait3A_160 = arith.constant 0 : i32
        %dma_wait3A_161 = tpu.memref_slice %arg7[%select_n3A_101, %dma_wait3A_160] : memref<3x512xi32, #tpu.memory_space<vmem>> -> memref<1x512xi32, #tpu.memory_space<vmem>>
        %dma_wait3A_162 = tpu.memref_squeeze %dma_wait3A_161 : memref<1x512xi32, #tpu.memory_space<vmem>> -> memref<512xi32, #tpu.memory_space<vmem>>
        %dma_wait3A_163 = arith.constant 0 : i32
        %dma_wait3A_164 = arith.constant 0 : i32
        %dma_wait3A_165 = tpu.memref_slice %arg2[%dma_wait3A_163, %dma_wait3A_164] : memref<100224x16xf32, #tpu.memory_space<hbm>> -> memref<100224x16xf32, #tpu.memory_space<hbm>>
        tpu.wait_indirect_dma semaphore(%arg11 : memref<!tpu.dma_semaphore, #tpu.memory_space<semaphore_mem>>) src(%dma_wait3A_165 : memref<100224x16xf32, #tpu.memory_space<hbm>>) dst(%dma_wait3A_159 : memref<512x16xf32, #tpu.memory_space<vmem>>)
        %dma_start3A_166 = arith.constant 0 : i32
        %dma_start3A_167 = arith.constant 0 : i32
        %dma_start3A_168 = tpu.memref_slice %arg9[%select_n3A_135, %dma_start3A_166, %dma_start3A_167] : memref<2x512x16xf32, #tpu.memory_space<vmem>> -> memref<1x512x16xf32, #tpu.memory_space<vmem>>
        %dma_start3A_169 = tpu.memref_squeeze %dma_start3A_168 : memref<1x512x16xf32, #tpu.memory_space<vmem>> -> memref<512x16xf32, #tpu.memory_space<vmem>>
        %dma_start3A_170 = arith.constant 0 : i32
        %dma_start3A_171 = tpu.memref_slice %arg8[%select_n3A_101, %dma_start3A_170] : memref<3x512xi32, #tpu.memory_space<vmem>> -> memref<1x512xi32, #tpu.memory_space<vmem>>
        %dma_start3A_172 = tpu.memref_squeeze %dma_start3A_171 : memref<1x512xi32, #tpu.memory_space<vmem>> -> memref<512xi32, #tpu.memory_space<vmem>>
        %dma_start3A_173 = arith.constant 0 : i32
        %dma_start3A_174 = arith.constant 0 : i32
        %dma_start3A_175 = tpu.memref_slice %arg10[%dma_start3A_173, %dma_start3A_174] : memref<100224x16xf32, #tpu.memory_space<vmem_shared>> -> memref<100224x16xf32, #tpu.memory_space<vmem_shared>>
        tpu.enqueue_indirect_dma source(%dma_start3A_169 : memref<512x16xf32, #tpu.memory_space<vmem>>) target(%dma_start3A_175 : memref<100224x16xf32, #tpu.memory_space<vmem_shared>>) offsets(%dma_start3A_172 : memref<512xi32, #tpu.memory_space<vmem>>) semaphore(%arg12 : memref<!tpu.dma_semaphore, #tpu.memory_space<semaphore_mem>>) {add = true}
      } else {
      }
    }
    %while3A_48 = arith.constant 1 : i32
    scf.for %while3A_54 = %while3A_46 to %while3A_42 step %while3A_48  : i32 {
      %jit3A_55 = arith.constant 3 : i32
      %eq3A_56 = arith.constant 0 : i32
      %eq3A_57 = arith.cmpi eq, %jit3A_55, %eq3A_56 : i32
      %jit3A_58 = arith.constant 1 : i32
      %select_n3A_59 = arith.select %eq3A_57, %jit3A_58, %jit3A_55 : i32
      %rem3A = arith.remsi %while3A_54, %select_n3A_59 : i32
      %ne3A = arith.constant 0 : i32
      %ne3A_60 = arith.cmpi ne, %rem3A, %ne3A : i32
      %lt3A = arith.constant 0 : i32
      %lt3A_61 = arith.cmpi slt, %rem3A, %lt3A : i32
      %lt3A_62 = arith.constant 0 : i32
      %lt3A_63 = arith.cmpi slt, %select_n3A_59, %lt3A_62 : i32
      %ne3A_64 = arith.xori %lt3A_61, %lt3A_63 : i1
      %and3A = arith.andi %ne3A_64, %ne3A_60 : i1
      %add3A_65 = arith.addi %rem3A, %select_n3A_59 : i32
      %select_n3A_66 = arith.select %and3A, %add3A_65, %rem3A : i32
      %add3A_67 = arith.constant 1 : i32
      %add3A_68 = arith.addi %while3A_54, %add3A_67 : i32
      %jit3A_69 = arith.constant 3 : i32
      %eq3A_70 = arith.constant 0 : i32
      %eq3A_71 = arith.cmpi eq, %jit3A_69, %eq3A_70 : i32
      %jit3A_72 = arith.constant 1 : i32
      %select_n3A_73 = arith.select %eq3A_71, %jit3A_72, %jit3A_69 : i32
      %rem3A_74 = arith.remsi %add3A_68, %select_n3A_73 : i32
      %ne3A_75 = arith.constant 0 : i32
      %ne3A_76 = arith.cmpi ne, %rem3A_74, %ne3A_75 : i32
      %lt3A_77 = arith.constant 0 : i32
      %lt3A_78 = arith.cmpi slt, %rem3A_74, %lt3A_77 : i32
      %lt3A_79 = arith.constant 0 : i32
      %lt3A_80 = arith.cmpi slt, %select_n3A_73, %lt3A_79 : i32
      %ne3A_81 = arith.xori %lt3A_78, %lt3A_80 : i1
      %and3A_82 = arith.andi %ne3A_81, %ne3A_76 : i1
      %add3A_83 = arith.addi %rem3A_74, %select_n3A_73 : i32
      %select_n3A_84 = arith.select %and3A_82, %add3A_83, %rem3A_74 : i32
      %sub3A = arith.constant 1 : i32
      %sub3A_85 = arith.subi %while3A_54, %sub3A : i32
      %jit3A_86 = arith.constant 3 : i32
      %eq3A_87 = arith.constant 0 : i32
      %eq3A_88 = arith.cmpi eq, %jit3A_86, %eq3A_87 : i32
      %jit3A_89 = arith.constant 1 : i32
      %select_n3A_90 = arith.select %eq3A_88, %jit3A_89, %jit3A_86 : i32
      %rem3A_91 = arith.remsi %sub3A_85, %select_n3A_90 : i32
      %ne3A_92 = arith.constant 0 : i32
      %ne3A_93 = arith.cmpi ne, %rem3A_91, %ne3A_92 : i32
      %lt3A_94 = arith.constant 0 : i32
      %lt3A_95 = arith.cmpi slt, %rem3A_91, %lt3A_94 : i32
      %lt3A_96 = arith.constant 0 : i32
      %lt3A_97 = arith.cmpi slt, %select_n3A_90, %lt3A_96 : i32
      %ne3A_98 = arith.xori %lt3A_95, %lt3A_97 : i1
      %and3A_99 = arith.andi %ne3A_98, %ne3A_93 : i1
      %add3A_100 = arith.addi %rem3A_91, %select_n3A_90 : i32
      %select_n3A_101 = arith.select %and3A_99, %add3A_100, %rem3A_91 : i32
      %jit3A_102 = arith.constant 2 : i32
      %eq3A_103 = arith.constant 0 : i32
      %eq3A_104 = arith.cmpi eq, %jit3A_102, %eq3A_103 : i32
      %jit3A_105 = arith.constant 1 : i32
      %select_n3A_106 = arith.select %eq3A_104, %jit3A_105, %jit3A_102 : i32
      %rem3A_107 = arith.remsi %while3A_54, %select_n3A_106 : i32
      %ne3A_108 = arith.constant 0 : i32
      %ne3A_109 = arith.cmpi ne, %rem3A_107, %ne3A_108 : i32
      %lt3A_110 = arith.constant 0 : i32
      %lt3A_111 = arith.cmpi slt, %rem3A_107, %lt3A_110 : i32
      %lt3A_112 = arith.constant 0 : i32
      %lt3A_113 = arith.cmpi slt, %select_n3A_106, %lt3A_112 : i32
      %ne3A_114 = arith.xori %lt3A_111, %lt3A_113 : i1
      %and3A_115 = arith.andi %ne3A_114, %ne3A_109 : i1
      %add3A_116 = arith.addi %rem3A_107, %select_n3A_106 : i32
      %select_n3A_117 = arith.select %and3A_115, %add3A_116, %rem3A_107 : i32
      %add3A_118 = arith.constant 1 : i32
      %add3A_119 = arith.addi %while3A_54, %add3A_118 : i32
      %jit3A_120 = arith.constant 2 : i32
      %eq3A_121 = arith.constant 0 : i32
      %eq3A_122 = arith.cmpi eq, %jit3A_120, %eq3A_121 : i32
      %jit3A_123 = arith.constant 1 : i32
      %select_n3A_124 = arith.select %eq3A_122, %jit3A_123, %jit3A_120 : i32
      %rem3A_125 = arith.remsi %add3A_119, %select_n3A_124 : i32
      %ne3A_126 = arith.constant 0 : i32
      %ne3A_127 = arith.cmpi ne, %rem3A_125, %ne3A_126 : i32
      %lt3A_128 = arith.constant 0 : i32
      %lt3A_129 = arith.cmpi slt, %rem3A_125, %lt3A_128 : i32
      %lt3A_130 = arith.constant 0 : i32
      %lt3A_131 = arith.cmpi slt, %select_n3A_124, %lt3A_130 : i32
      %ne3A_132 = arith.xori %lt3A_129, %lt3A_131 : i1
      %and3A_133 = arith.andi %ne3A_132, %ne3A_127 : i1
      %add3A_134 = arith.addi %rem3A_125, %select_n3A_124 : i32
      %select_n3A_135 = arith.select %and3A_133, %add3A_134, %rem3A_125 : i32
      %ge3A = arith.constant 2 : i32
      %ge3A_136 = arith.cmpi sge, %while3A_54, %ge3A : i32
      %convert_element_type3A = arith.extui %ge3A_136 : i1 to i32
      %cond3A = arith.constant 0 : i32
      %cond3A_137 = arith.cmpi ne, %convert_element_type3A, %cond3A : i32
      scf.if %cond3A_137 {
        %dma_wait3A = arith.constant 0 : i32
        %dma_wait3A_157 = arith.constant 0 : i32
        %dma_wait3A_158 = tpu.memref_slice %arg9[%select_n3A_117, %dma_wait3A, %dma_wait3A_157] : memref<2x512x16xf32, #tpu.memory_space<vmem>> -> memref<1x512x16xf32, #tpu.memory_space<vmem>>
        %dma_wait3A_159 = tpu.memref_squeeze %dma_wait3A_158 : memref<1x512x16xf32, #tpu.memory_space<vmem>> -> memref<512x16xf32, #tpu.memory_space<vmem>>
        %dma_wait3A_160 = arith.constant 0 : i32
        %dma_wait3A_161 = tpu.memref_slice %arg8[%select_n3A_84, %dma_wait3A_160] : memref<3x512xi32, #tpu.memory_space<vmem>> -> memref<1x512xi32, #tpu.memory_space<vmem>>
        %dma_wait3A_162 = tpu.memref_squeeze %dma_wait3A_161 : memref<1x512xi32, #tpu.memory_space<vmem>> -> memref<512xi32, #tpu.memory_space<vmem>>
        %dma_wait3A_163 = arith.constant 0 : i32
        %dma_wait3A_164 = arith.constant 0 : i32
        %dma_wait3A_165 = tpu.memref_slice %arg10[%dma_wait3A_163, %dma_wait3A_164] : memref<100224x16xf32, #tpu.memory_space<vmem_shared>> -> memref<100224x16xf32, #tpu.memory_space<vmem_shared>>
        tpu.wait_indirect_dma semaphore(%arg12 : memref<!tpu.dma_semaphore, #tpu.memory_space<semaphore_mem>>) src(%dma_wait3A_159 : memref<512x16xf32, #tpu.memory_space<vmem>>) dst(%dma_wait3A_165 : memref<100224x16xf32, #tpu.memory_space<vmem_shared>>)
      } else {
      }
      %lt3A_138 = arith.cmpi slt, %while3A_54, %select_n3A : i32
      %convert_element_type3A_139 = arith.extui %lt3A_138 : i1 to i32
      %cond3A_140 = arith.constant 0 : i32
      %cond3A_141 = arith.cmpi ne, %convert_element_type3A_139, %cond3A_140 : i32
      scf.if %cond3A_141 {
        %add3A_157 = arith.addi %select_n3A_12, %while3A_54 : i32
        %dma_wait3A = arith.constant 0 : i32
        %dma_wait3A_158 = tpu.memref_slice %arg7[%select_n3A_66, %dma_wait3A] : memref<3x512xi32, #tpu.memory_space<vmem>> -> memref<1x512xi32, #tpu.memory_space<vmem>>
        %dma_wait3A_159 = tpu.memref_squeeze %dma_wait3A_158 : memref<1x512xi32, #tpu.memory_space<vmem>> -> memref<512xi32, #tpu.memory_space<vmem>>
        %dma_wait3A_160 = arith.constant 0 : i32
        %dma_wait3A_161 = tpu.memref_slice %arg3[%add3A_157, %dma_wait3A_160] : memref<6400x512xi32, #tpu.memory_space<hbm>> -> memref<1x512xi32, #tpu.memory_space<hbm>>
        %dma_wait3A_162 = tpu.memref_squeeze %dma_wait3A_161 : memref<1x512xi32, #tpu.memory_space<hbm>> -> memref<512xi32, #tpu.memory_space<hbm>>
        %dma_wait3A_163 = arith.constant 0 : i32
        %dma_wait3A_164 = tpu.memref_slice %arg7[%select_n3A_66, %dma_wait3A_163] : memref<3x512xi32, #tpu.memory_space<vmem>> -> memref<1x512xi32, #tpu.memory_space<vmem>>
        %dma_wait3A_165 = tpu.memref_squeeze %dma_wait3A_164 : memref<1x512xi32, #tpu.memory_space<vmem>> -> memref<512xi32, #tpu.memory_space<vmem>>
        %dma_wait3A_166 = arith.constant 0 : i32
        %dma_wait3A_167 = tpu.memref_slice %arg3[%add3A_157, %dma_wait3A_166] : memref<6400x512xi32, #tpu.memory_space<hbm>> -> memref<1x512xi32, #tpu.memory_space<hbm>>
        %dma_wait3A_168 = tpu.memref_squeeze %dma_wait3A_167 : memref<1x512xi32, #tpu.memory_space<hbm>> -> memref<512xi32, #tpu.memory_space<hbm>>
        tpu.wait_dma2 semaphore(%arg13 : memref<!tpu.dma_semaphore, #tpu.memory_space<semaphore_mem>>) src(%dma_wait3A_168 : memref<512xi32, #tpu.memory_space<hbm>>) dst(%dma_wait3A_165 : memref<512xi32, #tpu.memory_space<vmem>>)
        %add3A_169 = arith.addi %select_n3A_12, %while3A_54 : i32
        %dma_wait3A_170 = arith.constant 0 : i32
        %dma_wait3A_171 = tpu.memref_slice %arg8[%select_n3A_66, %dma_wait3A_170] : memref<3x512xi32, #tpu.memory_space<vmem>> -> memref<1x512xi32, #tpu.memory_space<vmem>>
        %dma_wait3A_172 = tpu.memref_squeeze %dma_wait3A_171 : memref<1x512xi32, #tpu.memory_space<vmem>> -> memref<512xi32, #tpu.memory_space<vmem>>
        %dma_wait3A_173 = arith.constant 0 : i32
        %dma_wait3A_174 = tpu.memref_slice %arg4[%add3A_169, %dma_wait3A_173] : memref<6400x512xi32, #tpu.memory_space<hbm>> -> memref<1x512xi32, #tpu.memory_space<hbm>>
        %dma_wait3A_175 = tpu.memref_squeeze %dma_wait3A_174 : memref<1x512xi32, #tpu.memory_space<hbm>> -> memref<512xi32, #tpu.memory_space<hbm>>
        %dma_wait3A_176 = arith.constant 0 : i32
        %dma_wait3A_177 = tpu.memref_slice %arg8[%select_n3A_66, %dma_wait3A_176] : memref<3x512xi32, #tpu.memory_space<vmem>> -> memref<1x512xi32, #tpu.memory_space<vmem>>
        %dma_wait3A_178 = tpu.memref_squeeze %dma_wait3A_177 : memref<1x512xi32, #tpu.memory_space<vmem>> -> memref<512xi32, #tpu.memory_space<vmem>>
        %dma_wait3A_179 = arith.constant 0 : i32
        %dma_wait3A_180 = tpu.memref_slice %arg4[%add3A_169, %dma_wait3A_179] : memref<6400x512xi32, #tpu.memory_space<hbm>> -> memref<1x512xi32, #tpu.memory_space<hbm>>
        %dma_wait3A_181 = tpu.memref_squeeze %dma_wait3A_180 : memref<1x512xi32, #tpu.memory_space<hbm>> -> memref<512xi32, #tpu.memory_space<hbm>>
        tpu.wait_dma2 semaphore(%arg13 : memref<!tpu.dma_semaphore, #tpu.memory_space<semaphore_mem>>) src(%dma_wait3A_181 : memref<512xi32, #tpu.memory_space<hbm>>) dst(%dma_wait3A_178 : memref<512xi32, #tpu.memory_space<vmem>>)
        %dma_start3A_182 = arith.constant 0 : i32
        %dma_start3A_183 = arith.constant 0 : i32
        %dma_start3A_184 = tpu.memref_slice %arg9[%select_n3A_117, %dma_start3A_182, %dma_start3A_183] : memref<2x512x16xf32, #tpu.memory_space<vmem>> -> memref<1x512x16xf32, #tpu.memory_space<vmem>>
        %dma_start3A_185 = tpu.memref_squeeze %dma_start3A_184 : memref<1x512x16xf32, #tpu.memory_space<vmem>> -> memref<512x16xf32, #tpu.memory_space<vmem>>
        %dma_start3A_186 = arith.constant 0 : i32
        %dma_start3A_187 = tpu.memref_slice %arg7[%select_n3A_66, %dma_start3A_186] : memref<3x512xi32, #tpu.memory_space<vmem>> -> memref<1x512xi32, #tpu.memory_space<vmem>>
        %dma_start3A_188 = tpu.memref_squeeze %dma_start3A_187 : memref<1x512xi32, #tpu.memory_space<vmem>> -> memref<512xi32, #tpu.memory_space<vmem>>
        %dma_start3A_189 = arith.constant 0 : i32
        %dma_start3A_190 = arith.constant 0 : i32
        %dma_start3A_191 = tpu.memref_slice %arg2[%dma_start3A_189, %dma_start3A_190] : memref<100224x16xf32, #tpu.memory_space<hbm>> -> memref<100224x16xf32, #tpu.memory_space<hbm>>
        tpu.enqueue_indirect_dma source(%dma_start3A_191 : memref<100224x16xf32, #tpu.memory_space<hbm>>) target(%dma_start3A_185 : memref<512x16xf32, #tpu.memory_space<vmem>>) offsets(%dma_start3A_188 : memref<512xi32, #tpu.memory_space<vmem>>) semaphore(%arg11 : memref<!tpu.dma_semaphore, #tpu.memory_space<semaphore_mem>>)
      } else {
      }
      %add3A_142 = arith.constant 1 : i32
      %add3A_143 = arith.addi %while3A_54, %add3A_142 : i32
      %lt3A_144 = arith.cmpi slt, %add3A_143, %select_n3A : i32
      %convert_element_type3A_145 = arith.extui %lt3A_144 : i1 to i32
      %cond3A_146 = arith.constant 0 : i32
      %cond3A_147 = arith.cmpi ne, %convert_element_type3A_145, %cond3A_146 : i32
      scf.if %cond3A_147 {
        %add3A_157 = arith.addi %select_n3A_12, %while3A_54 : i32
        %add3A_158 = arith.constant 1 : i32
        %add3A_159 = arith.addi %add3A_157, %add3A_158 : i32
        %dma_start3A_160 = arith.constant 0 : i32
        %dma_start3A_161 = tpu.memref_slice %arg7[%select_n3A_84, %dma_start3A_160] : memref<3x512xi32, #tpu.memory_space<vmem>> -> memref<1x512xi32, #tpu.memory_space<vmem>>
        %dma_start3A_162 = tpu.memref_squeeze %dma_start3A_161 : memref<1x512xi32, #tpu.memory_space<vmem>> -> memref<512xi32, #tpu.memory_space<vmem>>
        %dma_start3A_163 = arith.constant 0 : i32
        %dma_start3A_164 = tpu.memref_slice %arg3[%add3A_159, %dma_start3A_163] : memref<6400x512xi32, #tpu.memory_space<hbm>> -> memref<1x512xi32, #tpu.memory_space<hbm>>
        %dma_start3A_165 = tpu.memref_squeeze %dma_start3A_164 : memref<1x512xi32, #tpu.memory_space<hbm>> -> memref<512xi32, #tpu.memory_space<hbm>>
        %dma_start3A_166 = arith.constant 0 : i32
        %dma_start3A_167 = tpu.memref_slice %arg7[%select_n3A_84, %dma_start3A_166] : memref<3x512xi32, #tpu.memory_space<vmem>> -> memref<1x512xi32, #tpu.memory_space<vmem>>
        %dma_start3A_168 = tpu.memref_squeeze %dma_start3A_167 : memref<1x512xi32, #tpu.memory_space<vmem>> -> memref<512xi32, #tpu.memory_space<vmem>>
        %dma_start3A_169 = arith.constant 0 : i32
        %dma_start3A_170 = tpu.memref_slice %arg3[%add3A_159, %dma_start3A_169] : memref<6400x512xi32, #tpu.memory_space<hbm>> -> memref<1x512xi32, #tpu.memory_space<hbm>>
        %dma_start3A_171 = tpu.memref_squeeze %dma_start3A_170 : memref<1x512xi32, #tpu.memory_space<hbm>> -> memref<512xi32, #tpu.memory_space<hbm>>
        tpu.enqueue_dma source(%dma_start3A_171 : memref<512xi32, #tpu.memory_space<hbm>>) target(%dma_start3A_168 : memref<512xi32, #tpu.memory_space<vmem>>) target_semaphore(%arg13 : memref<!tpu.dma_semaphore, #tpu.memory_space<semaphore_mem>>)
        %add3A_172 = arith.addi %select_n3A_12, %while3A_54 : i32
        %add3A_173 = arith.constant 1 : i32
        %add3A_174 = arith.addi %add3A_172, %add3A_173 : i32
        %dma_start3A_175 = arith.constant 0 : i32
        %dma_start3A_176 = tpu.memref_slice %arg8[%select_n3A_84, %dma_start3A_175] : memref<3x512xi32, #tpu.memory_space<vmem>> -> memref<1x512xi32, #tpu.memory_space<vmem>>
        %dma_start3A_177 = tpu.memref_squeeze %dma_start3A_176 : memref<1x512xi32, #tpu.memory_space<vmem>> -> memref<512xi32, #tpu.memory_space<vmem>>
        %dma_start3A_178 = arith.constant 0 : i32
        %dma_start3A_179 = tpu.memref_slice %arg4[%add3A_174, %dma_start3A_178] : memref<6400x512xi32, #tpu.memory_space<hbm>> -> memref<1x512xi32, #tpu.memory_space<hbm>>
        %dma_start3A_180 = tpu.memref_squeeze %dma_start3A_179 : memref<1x512xi32, #tpu.memory_space<hbm>> -> memref<512xi32, #tpu.memory_space<hbm>>
        %dma_start3A_181 = arith.constant 0 : i32
        %dma_start3A_182 = tpu.memref_slice %arg8[%select_n3A_84, %dma_start3A_181] : memref<3x512xi32, #tpu.memory_space<vmem>> -> memref<1x512xi32, #tpu.memory_space<vmem>>
        %dma_start3A_183 = tpu.memref_squeeze %dma_start3A_182 : memref<1x512xi32, #tpu.memory_space<vmem>> -> memref<512xi32, #tpu.memory_space<vmem>>
        %dma_start3A_184 = arith.constant 0 : i32
        %dma_start3A_185 = tpu.memref_slice %arg4[%add3A_174, %dma_start3A_184] : memref<6400x512xi32, #tpu.memory_space<hbm>> -> memref<1x512xi32, #tpu.memory_space<hbm>>
        %dma_start3A_186 = tpu.memref_squeeze %dma_start3A_185 : memref<1x512xi32, #tpu.memory_space<hbm>> -> memref<512xi32, #tpu.memory_space<hbm>>
        tpu.enqueue_dma source(%dma_start3A_186 : memref<512xi32, #tpu.memory_space<hbm>>) target(%dma_start3A_183 : memref<512xi32, #tpu.memory_space<vmem>>) target_semaphore(%arg13 : memref<!tpu.dma_semaphore, #tpu.memory_space<semaphore_mem>>)
      } else {
      }
      %ge3A_148 = arith.constant 1 : i32
      %ge3A_149 = arith.cmpi sge, %while3A_54, %ge3A_148 : i32
      %sub3A_150 = arith.constant 1 : i32
      %sub3A_151 = arith.subi %while3A_54, %sub3A_150 : i32
      %lt3A_152 = arith.cmpi slt, %sub3A_151, %select_n3A : i32
      %and3A_153 = arith.andi %ge3A_149, %lt3A_152 : i1
      %convert_element_type3A_154 = arith.extui %and3A_153 : i1 to i32
      %cond3A_155 = arith.constant 0 : i32
      %cond3A_156 = arith.cmpi ne, %convert_element_type3A_154, %cond3A_155 : i32
      scf.if %cond3A_156 {
        %dma_wait3A = arith.constant 0 : i32
        %dma_wait3A_157 = arith.constant 0 : i32
        %dma_wait3A_158 = tpu.memref_slice %arg9[%select_n3A_135, %dma_wait3A, %dma_wait3A_157] : memref<2x512x16xf32, #tpu.memory_space<vmem>> -> memref<1x512x16xf32, #tpu.memory_space<vmem>>
        %dma_wait3A_159 = tpu.memref_squeeze %dma_wait3A_158 : memref<1x512x16xf32, #tpu.memory_space<vmem>> -> memref<512x16xf32, #tpu.memory_space<vmem>>
        %dma_wait3A_160 = arith.constant 0 : i32
        %dma_wait3A_161 = tpu.memref_slice %arg7[%select_n3A_101, %dma_wait3A_160] : memref<3x512xi32, #tpu.memory_space<vmem>> -> memref<1x512xi32, #tpu.memory_space<vmem>>
        %dma_wait3A_162 = tpu.memref_squeeze %dma_wait3A_161 : memref<1x512xi32, #tpu.memory_space<vmem>> -> memref<512xi32, #tpu.memory_space<vmem>>
        %dma_wait3A_163 = arith.constant 0 : i32
        %dma_wait3A_164 = arith.constant 0 : i32
        %dma_wait3A_165 = tpu.memref_slice %arg2[%dma_wait3A_163, %dma_wait3A_164] : memref<100224x16xf32, #tpu.memory_space<hbm>> -> memref<100224x16xf32, #tpu.memory_space<hbm>>
        tpu.wait_indirect_dma semaphore(%arg11 : memref<!tpu.dma_semaphore, #tpu.memory_space<semaphore_mem>>) src(%dma_wait3A_165 : memref<100224x16xf32, #tpu.memory_space<hbm>>) dst(%dma_wait3A_159 : memref<512x16xf32, #tpu.memory_space<vmem>>)
        %dma_start3A_166 = arith.constant 0 : i32
        %dma_start3A_167 = arith.constant 0 : i32
        %dma_start3A_168 = tpu.memref_slice %arg9[%select_n3A_135, %dma_start3A_166, %dma_start3A_167] : memref<2x512x16xf32, #tpu.memory_space<vmem>> -> memref<1x512x16xf32, #tpu.memory_space<vmem>>
        %dma_start3A_169 = tpu.memref_squeeze %dma_start3A_168 : memref<1x512x16xf32, #tpu.memory_space<vmem>> -> memref<512x16xf32, #tpu.memory_space<vmem>>
        %dma_start3A_170 = arith.constant 0 : i32
        %dma_start3A_171 = tpu.memref_slice %arg8[%select_n3A_101, %dma_start3A_170] : memref<3x512xi32, #tpu.memory_space<vmem>> -> memref<1x512xi32, #tpu.memory_space<vmem>>
        %dma_start3A_172 = tpu.memref_squeeze %dma_start3A_171 : memref<1x512xi32, #tpu.memory_space<vmem>> -> memref<512xi32, #tpu.memory_space<vmem>>
        %dma_start3A_173 = arith.constant 0 : i32
        %dma_start3A_174 = arith.constant 0 : i32
        %dma_start3A_175 = tpu.memref_slice %arg10[%dma_start3A_173, %dma_start3A_174] : memref<100224x16xf32, #tpu.memory_space<vmem_shared>> -> memref<100224x16xf32, #tpu.memory_space<vmem_shared>>
        tpu.enqueue_indirect_dma source(%dma_start3A_169 : memref<512x16xf32, #tpu.memory_space<vmem>>) target(%dma_start3A_175 : memref<100224x16xf32, #tpu.memory_space<vmem_shared>>) offsets(%dma_start3A_172 : memref<512xi32, #tpu.memory_space<vmem>>) semaphore(%arg12 : memref<!tpu.dma_semaphore, #tpu.memory_space<semaphore_mem>>) {add = true}
      } else {
      }
    }
    %barrier3A_49 = arith.constant 0 : index
    tpu.barrier barrier_id(%barrier3A_49)
    %mul3A_50 = arith.constant 6264 : i32
    %mul3A_51 = arith.muli %arg1, %mul3A_50 : i32
    %mul3A_52 = arith.constant 6264 : i32
    %mul3A_53 = arith.muli %arg1, %mul3A_52 : i32
    "tpu.region"() ({
      %run_scoped3A = tpu.sem_alloc : memref<!tpu.dma_semaphore, #tpu.memory_space<semaphore_mem>>
      %dma_start3A_54 = arith.constant 0 : i32
      %dma_start3A_55 = tpu.memref_slice %arg6[%arg0, %mul3A_53, %dma_start3A_54] : memref<2x100224x16xf32, #tpu.memory_space<hbm>> -> memref<1x6264x16xf32, #tpu.memory_space<hbm>>
      %dma_start3A_56 = tpu.memref_squeeze %dma_start3A_55 : memref<1x6264x16xf32, #tpu.memory_space<hbm>> -> memref<6264x16xf32, #tpu.memory_space<hbm>>
      %dma_start3A_57 = arith.constant 0 : i32
      %dma_start3A_58 = tpu.memref_slice %arg10[%mul3A_51, %dma_start3A_57] : memref<100224x16xf32, #tpu.memory_space<vmem_shared>> -> memref<6264x16xf32, #tpu.memory_space<vmem_shared>>
      tpu.enqueue_dma source(%dma_start3A_58 : memref<6264x16xf32, #tpu.memory_space<vmem_shared>>) target(%dma_start3A_56 : memref<6264x16xf32, #tpu.memory_space<hbm>>) target_semaphore(%run_scoped3A : memref<!tpu.dma_semaphore, #tpu.memory_space<semaphore_mem>>)
      %dma_wait3A = arith.constant 0 : i32
      %dma_wait3A_59 = tpu.memref_slice %arg6[%arg0, %mul3A_53, %dma_wait3A] : memref<2x100224x16xf32, #tpu.memory_space<hbm>> -> memref<1x6264x16xf32, #tpu.memory_space<hbm>>
      %dma_wait3A_60 = tpu.memref_squeeze %dma_wait3A_59 : memref<1x6264x16xf32, #tpu.memory_space<hbm>> -> memref<6264x16xf32, #tpu.memory_space<hbm>>
      %dma_wait3A_61 = arith.constant 0 : i32
      %dma_wait3A_62 = tpu.memref_slice %arg10[%mul3A_51, %dma_wait3A_61] : memref<100224x16xf32, #tpu.memory_space<vmem_shared>> -> memref<6264x16xf32, #tpu.memory_space<vmem_shared>>
      tpu.wait_dma2 semaphore(%run_scoped3A : memref<!tpu.dma_semaphore, #tpu.memory_space<semaphore_mem>>) src(%dma_wait3A_62 : memref<6264x16xf32, #tpu.memory_space<vmem_shared>>) dst(%dma_wait3A_60 : memref<6264x16xf32, #tpu.memory_space<hbm>>)
      tpu.yield
    }) : () -> ()
    return
  }
}

module attributes {stable_mosaic.version = 14 : i64} {
  func.func @_tc1_body(%arg0: i32, %arg1: memref<2088x128xf32, #tpu.memory_space<vmem>>, %arg2: memref<128x128xf32, #tpu.memory_space<vmem>>, %arg3: memref<1x128xf32, #tpu.memory_space<vmem>>, %arg4: memref<2088x128xf32, #tpu.memory_space<vmem>>) attributes {dimension_semantics = [#tpu.dimension_semantics<arbitrary>], iteration_bounds = array<i64: 6>, scalar_prefetch = 0 : i64, scratch_operands = 0 : i64, tpu.core_type = #tpu.core_type<tc>, window_params = [{transform_indices = @transform_0, window_bounds = array<i64: 2088, 128>}, {pipeline_mode = #tpu.pipeline_mode<synchronous>, transform_indices = @transform_1, window_bounds = array<i64: 128, 128>}, {pipeline_mode = #tpu.pipeline_mode<synchronous>, transform_indices = @transform_2, window_bounds = array<i64: 1, 128>}, {transform_indices = @transform_3, window_bounds = array<i64: 2088, 128>}]} {
    %get3A = arith.constant 0 : index
    %get3A_0 = arith.constant 0 : index
    %get3A_1 = vector.load %arg1[%get3A, %get3A_0] : memref<2088x128xf32, #tpu.memory_space<vmem>>, vector<2088x128xf32>
    %get3A_2 = arith.constant 0 : index
    %get3A_3 = arith.constant 0 : index
    %get3A_4 = vector.load %arg2[%get3A_2, %get3A_3] : memref<128x128xf32, #tpu.memory_space<vmem>>, vector<128x128xf32>
    %dot_general3A = arith.constant dense<0.000000e+00> : vector<2088x128xf32>
    %dot_general3A_5 = tpu.matmul %get3A_1, %get3A_4, %dot_general3A {dimension_numbers = #tpu.dot_dimension_numbers<[1], [0], [0], [1], [0, 0, 1, 1], [], []>, precision = #tpu.contract_precision<fp32>, transpose_lhs_hint = false} : vector<2088x128xf32>, vector<128x128xf32>, vector<2088x128xf32> -> vector<2088x128xf32>
    %get3A_6 = arith.constant 0 : index
    %get3A_7 = arith.constant 0 : index
    %get3A_8 = vector.load %arg3[%get3A_6, %get3A_7] : memref<1x128xf32, #tpu.memory_space<vmem>>, vector<1x128xf32>
    %add3A = vector.broadcast %get3A_8 : vector<1x128xf32> to vector<2088x128xf32>
    %add3A_9 = arith.addf %dot_general3A_5, %add3A : vector<2088x128xf32>
    %max3A = arith.constant 0.000000e+00 : f32
    %max3A_10 = vector.broadcast %max3A : f32 to vector<2088x128xf32>
    %max3A_11 = arith.maximumf %add3A_9, %max3A_10 : vector<2088x128xf32>
    %swap3A = arith.constant 0 : index
    %swap3A_12 = arith.constant 0 : index
    %swap3A_13 = vector.load %arg4[%swap3A, %swap3A_12] : memref<2088x128xf32, #tpu.memory_space<vmem>>, vector<2088x128xf32>
    tpu.vector_store %arg4[%swap3A, %swap3A_12], %max3A_11 {strides = array<i32>} : memref<2088x128xf32, #tpu.memory_space<vmem>>, vector<2088x128xf32>,
    return
  }
  func.func @transform_0(%arg0: i32) -> (i32, i32) {
    %c0_i32 = arith.constant 0 : i32
    %c0_i32_0 = arith.constant 0 : i32
    return %arg0, %c0_i32 : i32, i32
  }
  func.func @transform_1(%arg0: i32) -> (i32, i32) {
    %c0_i32 = arith.constant 0 : i32
    %c0_i32_0 = arith.constant 0 : i32
    %c0_i32_1 = arith.constant 0 : i32
    return %c0_i32, %c0_i32_0 : i32, i32
  }
  func.func @transform_2(%arg0: i32) -> (i32, i32) {
    %c0_i32 = arith.constant 0 : i32
    %c0_i32_0 = arith.constant 0 : i32
    %c0_i32_1 = arith.constant 0 : i32
    return %c0_i32, %c0_i32_0 : i32, i32
  }
  func.func @transform_3(%arg0: i32) -> (i32, i32) {
    %c0_i32 = arith.constant 0 : i32
    %c0_i32_0 = arith.constant 0 : i32
    return %arg0, %c0_i32 : i32, i32
  }
}

module attributes {stable_mosaic.version = 14 : i64} {
  func.func @_tc2_body(%arg0: i32, %arg1: memref<2088x128xf32, #tpu.memory_space<vmem>>, %arg2: memref<2088x128xf32, #tpu.memory_space<vmem>>, %arg3: memref<2088x128xf32, #tpu.memory_space<vmem>>, %arg4: memref<128x128xf32, #tpu.memory_space<vmem>>, %arg5: memref<1x128xf32, #tpu.memory_space<vmem>>, %arg6: memref<128x128xf32, #tpu.memory_space<vmem>>, %arg7: memref<128x128xf32, #tpu.memory_space<vmem>>, %arg8: memref<1x128xf32, #tpu.memory_space<vmem>>, %arg9: memref<2088x128xf32, #tpu.memory_space<vmem>>, %arg10: memref<2088x128xf32, #tpu.memory_space<vmem>>) attributes {dimension_semantics = [#tpu.dimension_semantics<arbitrary>], iteration_bounds = array<i64: 6>, scalar_prefetch = 0 : i64, scratch_operands = 0 : i64, tpu.core_type = #tpu.core_type<tc>, window_params = [{transform_indices = @transform_0, window_bounds = array<i64: 2088, 128>}, {transform_indices = @transform_1, window_bounds = array<i64: 2088, 128>}, {transform_indices = @transform_2, window_bounds = array<i64: 2088, 128>}, {pipeline_mode = #tpu.pipeline_mode<synchronous>, transform_indices = @transform_3, window_bounds = array<i64: 128, 128>}, {pipeline_mode = #tpu.pipeline_mode<synchronous>, transform_indices = @transform_4, window_bounds = array<i64: 1, 128>}, {pipeline_mode = #tpu.pipeline_mode<synchronous>, transform_indices = @transform_5, window_bounds = array<i64: 128, 128>}, {pipeline_mode = #tpu.pipeline_mode<synchronous>, transform_indices = @transform_6, window_bounds = array<i64: 128, 128>}, {pipeline_mode = #tpu.pipeline_mode<synchronous>, transform_indices = @transform_7, window_bounds = array<i64: 1, 128>}, {transform_indices = @transform_8, window_bounds = array<i64: 2088, 128>}, {transform_indices = @transform_9, window_bounds = array<i64: 2088, 128>}]} {
    %get3A = arith.constant 0 : index
    %get3A_0 = arith.constant 0 : index
    %get3A_1 = vector.load %arg1[%get3A, %get3A_0] : memref<2088x128xf32, #tpu.memory_space<vmem>>, vector<2088x128xf32>
    %get3A_2 = arith.constant 0 : index
    %get3A_3 = arith.constant 0 : index
    %get3A_4 = vector.load %arg2[%get3A_2, %get3A_3] : memref<2088x128xf32, #tpu.memory_space<vmem>>, vector<2088x128xf32>
    %add3A = arith.addf %get3A_1, %get3A_4 : vector<2088x128xf32>
    %get3A_5 = arith.constant 0 : index
    %get3A_6 = arith.constant 0 : index
    %get3A_7 = vector.load %arg4[%get3A_5, %get3A_6] : memref<128x128xf32, #tpu.memory_space<vmem>>, vector<128x128xf32>
    %dot_general3A = arith.constant dense<0.000000e+00> : vector<2088x128xf32>
    %dot_general3A_8 = tpu.matmul %add3A, %get3A_7, %dot_general3A {dimension_numbers = #tpu.dot_dimension_numbers<[1], [0], [0], [1], [0, 0, 1, 1], [], []>, precision = #tpu.contract_precision<fp32>, transpose_lhs_hint = false} : vector<2088x128xf32>, vector<128x128xf32>, vector<2088x128xf32> -> vector<2088x128xf32>
    %get3A_9 = arith.constant 0 : index
    %get3A_10 = arith.constant 0 : index
    %get3A_11 = vector.load %arg5[%get3A_9, %get3A_10] : memref<1x128xf32, #tpu.memory_space<vmem>>, vector<1x128xf32>
    %add3A_12 = vector.broadcast %get3A_11 : vector<1x128xf32> to vector<2088x128xf32>
    %add3A_13 = arith.addf %dot_general3A_8, %add3A_12 : vector<2088x128xf32>
    %get3A_14 = arith.constant 0 : index
    %get3A_15 = arith.constant 0 : index
    %get3A_16 = vector.load %arg3[%get3A_14, %get3A_15] : memref<2088x128xf32, #tpu.memory_space<vmem>>, vector<2088x128xf32>
    %get3A_17 = arith.constant 0 : index
    %get3A_18 = arith.constant 0 : index
    %get3A_19 = vector.load %arg6[%get3A_17, %get3A_18] : memref<128x128xf32, #tpu.memory_space<vmem>>, vector<128x128xf32>
    %dot_general3A_20 = arith.constant dense<0.000000e+00> : vector<2088x128xf32>
    %dot_general3A_21 = tpu.matmul %get3A_16, %get3A_19, %dot_general3A_20 {dimension_numbers = #tpu.dot_dimension_numbers<[1], [0], [0], [1], [0, 0, 1, 1], [], []>, precision = #tpu.contract_precision<fp32>, transpose_lhs_hint = false} : vector<2088x128xf32>, vector<128x128xf32>, vector<2088x128xf32> -> vector<2088x128xf32>
    %add3A_22 = arith.addf %add3A_13, %dot_general3A_21 : vector<2088x128xf32>
    %max3A = arith.constant 0.000000e+00 : f32
    %max3A_23 = vector.broadcast %max3A : f32 to vector<2088x128xf32>
    %max3A_24 = arith.maximumf %add3A_22, %max3A_23 : vector<2088x128xf32>
    %swap3A = arith.constant 0 : index
    %swap3A_25 = arith.constant 0 : index
    %swap3A_26 = vector.load %arg9[%swap3A, %swap3A_25] : memref<2088x128xf32, #tpu.memory_space<vmem>>, vector<2088x128xf32>
    tpu.vector_store %arg9[%swap3A, %swap3A_25], %max3A_24 {strides = array<i32>} : memref<2088x128xf32, #tpu.memory_space<vmem>>, vector<2088x128xf32>,
    %get3A_27 = arith.constant 0 : index
    %get3A_28 = arith.constant 0 : index
    %get3A_29 = vector.load %arg7[%get3A_27, %get3A_28] : memref<128x128xf32, #tpu.memory_space<vmem>>, vector<128x128xf32>
    %dot_general3A_30 = arith.constant dense<0.000000e+00> : vector<2088x128xf32>
    %dot_general3A_31 = tpu.matmul %max3A_24, %get3A_29, %dot_general3A_30 {dimension_numbers = #tpu.dot_dimension_numbers<[1], [0], [0], [1], [0, 0, 1, 1], [], []>, precision = #tpu.contract_precision<fp32>, transpose_lhs_hint = false} : vector<2088x128xf32>, vector<128x128xf32>, vector<2088x128xf32> -> vector<2088x128xf32>
    %get3A_32 = arith.constant 0 : index
    %get3A_33 = arith.constant 0 : index
    %get3A_34 = vector.load %arg8[%get3A_32, %get3A_33] : memref<1x128xf32, #tpu.memory_space<vmem>>, vector<1x128xf32>
    %add3A_35 = vector.broadcast %get3A_34 : vector<1x128xf32> to vector<2088x128xf32>
    %add3A_36 = arith.addf %dot_general3A_31, %add3A_35 : vector<2088x128xf32>
    %max3A_37 = arith.constant 0.000000e+00 : f32
    %max3A_38 = vector.broadcast %max3A_37 : f32 to vector<2088x128xf32>
    %max3A_39 = arith.maximumf %add3A_36, %max3A_38 : vector<2088x128xf32>
    %swap3A_40 = arith.constant 0 : index
    %swap3A_41 = arith.constant 0 : index
    %swap3A_42 = vector.load %arg10[%swap3A_40, %swap3A_41] : memref<2088x128xf32, #tpu.memory_space<vmem>>, vector<2088x128xf32>
    tpu.vector_store %arg10[%swap3A_40, %swap3A_41], %max3A_39 {strides = array<i32>} : memref<2088x128xf32, #tpu.memory_space<vmem>>, vector<2088x128xf32>,
    return
  }
  func.func @transform_0(%arg0: i32) -> (i32, i32) {
    %c0_i32 = arith.constant 0 : i32
    %c0_i32_0 = arith.constant 0 : i32
    return %arg0, %c0_i32 : i32, i32
  }
  func.func @transform_1(%arg0: i32) -> (i32, i32) {
    %c0_i32 = arith.constant 0 : i32
    %c0_i32_0 = arith.constant 0 : i32
    return %arg0, %c0_i32 : i32, i32
  }
  func.func @transform_2(%arg0: i32) -> (i32, i32) {
    %c0_i32 = arith.constant 0 : i32
    %c0_i32_0 = arith.constant 0 : i32
    return %arg0, %c0_i32 : i32, i32
  }
  func.func @transform_3(%arg0: i32) -> (i32, i32) {
    %c0_i32 = arith.constant 0 : i32
    %c0_i32_0 = arith.constant 0 : i32
    %c0_i32_1 = arith.constant 0 : i32
    return %c0_i32, %c0_i32_0 : i32, i32
  }
  func.func @transform_4(%arg0: i32) -> (i32, i32) {
    %c0_i32 = arith.constant 0 : i32
    %c0_i32_0 = arith.constant 0 : i32
    %c0_i32_1 = arith.constant 0 : i32
    return %c0_i32, %c0_i32_0 : i32, i32
  }
  func.func @transform_5(%arg0: i32) -> (i32, i32) {
    %c0_i32 = arith.constant 0 : i32
    %c0_i32_0 = arith.constant 0 : i32
    %c0_i32_1 = arith.constant 0 : i32
    return %c0_i32, %c0_i32_0 : i32, i32
  }
  func.func @transform_6(%arg0: i32) -> (i32, i32) {
    %c0_i32 = arith.constant 0 : i32
    %c0_i32_0 = arith.constant 0 : i32
    %c0_i32_1 = arith.constant 0 : i32
    return %c0_i32, %c0_i32_0 : i32, i32
  }
  func.func @transform_7(%arg0: i32) -> (i32, i32) {
    %c0_i32 = arith.constant 0 : i32
    %c0_i32_0 = arith.constant 0 : i32
    %c0_i32_1 = arith.constant 0 : i32
    return %c0_i32, %c0_i32_0 : i32, i32
  }
  func.func @transform_8(%arg0: i32) -> (i32, i32) {
    %c0_i32 = arith.constant 0 : i32
    %c0_i32_0 = arith.constant 0 : i32
    return %arg0, %c0_i32 : i32, i32
  }
  func.func @transform_9(%arg0: i32) -> (i32, i32) {
    %c0_i32 = arith.constant 0 : i32
    %c0_i32_0 = arith.constant 0 : i32
    return %arg0, %c0_i32 : i32, i32
  }
}

module attributes {stable_mosaic.version = 14 : i64} {
  func.func @_tc4_body(%arg0: i32, %arg1: memref<2088x128xf32, #tpu.memory_space<vmem>>, %arg2: memref<2088x128xf32, #tpu.memory_space<vmem>>, %arg3: memref<2088x128xf32, #tpu.memory_space<vmem>>, %arg4: memref<128x8xf32, #tpu.memory_space<vmem>>, %arg5: memref<1x8xf32, #tpu.memory_space<vmem>>, %arg6: memref<128x8xf32, #tpu.memory_space<vmem>>, %arg7: memref<2088x8xf32, #tpu.memory_space<vmem>>) attributes {dimension_semantics = [#tpu.dimension_semantics<arbitrary>], iteration_bounds = array<i64: 6>, scalar_prefetch = 0 : i64, scratch_operands = 0 : i64, tpu.core_type = #tpu.core_type<tc>, window_params = [{transform_indices = @transform_0, window_bounds = array<i64: 2088, 128>}, {transform_indices = @transform_1, window_bounds = array<i64: 2088, 128>}, {transform_indices = @transform_2, window_bounds = array<i64: 2088, 128>}, {pipeline_mode = #tpu.pipeline_mode<synchronous>, transform_indices = @transform_3, window_bounds = array<i64: 128, 8>}, {pipeline_mode = #tpu.pipeline_mode<synchronous>, transform_indices = @transform_4, window_bounds = array<i64: 1, 8>}, {pipeline_mode = #tpu.pipeline_mode<synchronous>, transform_indices = @transform_5, window_bounds = array<i64: 128, 8>}, {transform_indices = @transform_6, window_bounds = array<i64: 2088, 8>}]} {
    %get3A = arith.constant 0 : index
    %get3A_0 = arith.constant 0 : index
    %get3A_1 = vector.load %arg1[%get3A, %get3A_0] : memref<2088x128xf32, #tpu.memory_space<vmem>>, vector<2088x128xf32>
    %get3A_2 = arith.constant 0 : index
    %get3A_3 = arith.constant 0 : index
    %get3A_4 = vector.load %arg2[%get3A_2, %get3A_3] : memref<2088x128xf32, #tpu.memory_space<vmem>>, vector<2088x128xf32>
    %add3A = arith.addf %get3A_1, %get3A_4 : vector<2088x128xf32>
    %get3A_5 = arith.constant 0 : index
    %get3A_6 = arith.constant 0 : index
    %get3A_7 = vector.load %arg4[%get3A_5, %get3A_6] : memref<128x8xf32, #tpu.memory_space<vmem>>, vector<128x8xf32>
    %dot_general3A = arith.constant dense<0.000000e+00> : vector<2088x8xf32>
    %dot_general3A_8 = tpu.matmul %add3A, %get3A_7, %dot_general3A {dimension_numbers = #tpu.dot_dimension_numbers<[1], [0], [0], [1], [0, 0, 1, 1], [], []>, precision = #tpu.contract_precision<fp32>, transpose_lhs_hint = false} : vector<2088x128xf32>, vector<128x8xf32>, vector<2088x8xf32> -> vector<2088x8xf32>
    %get3A_9 = arith.constant 0 : index
    %get3A_10 = arith.constant 0 : index
    %get3A_11 = vector.load %arg5[%get3A_9, %get3A_10] : memref<1x8xf32, #tpu.memory_space<vmem>>, vector<1x8xf32>
    %add3A_12 = vector.broadcast %get3A_11 : vector<1x8xf32> to vector<2088x8xf32>
    %add3A_13 = arith.addf %dot_general3A_8, %add3A_12 : vector<2088x8xf32>
    %get3A_14 = arith.constant 0 : index
    %get3A_15 = arith.constant 0 : index
    %get3A_16 = vector.load %arg3[%get3A_14, %get3A_15] : memref<2088x128xf32, #tpu.memory_space<vmem>>, vector<2088x128xf32>
    %get3A_17 = arith.constant 0 : index
    %get3A_18 = arith.constant 0 : index
    %get3A_19 = vector.load %arg6[%get3A_17, %get3A_18] : memref<128x8xf32, #tpu.memory_space<vmem>>, vector<128x8xf32>
    %dot_general3A_20 = arith.constant dense<0.000000e+00> : vector<2088x8xf32>
    %dot_general3A_21 = tpu.matmul %get3A_16, %get3A_19, %dot_general3A_20 {dimension_numbers = #tpu.dot_dimension_numbers<[1], [0], [0], [1], [0, 0, 1, 1], [], []>, precision = #tpu.contract_precision<fp32>, transpose_lhs_hint = false} : vector<2088x128xf32>, vector<128x8xf32>, vector<2088x8xf32> -> vector<2088x8xf32>
    %add3A_22 = arith.addf %add3A_13, %dot_general3A_21 : vector<2088x8xf32>
    %logistic3A = arith.negf %add3A_22 : vector<2088x8xf32>
    %logistic3A_23 = math.exp %logistic3A : vector<2088x8xf32>
    %logistic3A_24 = arith.constant 1.000000e+00 : f32
    %logistic3A_25 = vector.broadcast %logistic3A_24 : f32 to vector<2088x8xf32>
    %logistic3A_26 = arith.addf %logistic3A_25, %logistic3A_23 : vector<2088x8xf32>
    %logistic3A_27 = arith.divf %logistic3A_25, %logistic3A_26 : vector<2088x8xf32>
    %swap3A = arith.constant 0 : index
    %swap3A_28 = arith.constant 0 : index
    %swap3A_29 = vector.load %arg7[%swap3A, %swap3A_28] : memref<2088x8xf32, #tpu.memory_space<vmem>>, vector<2088x8xf32>
    tpu.vector_store %arg7[%swap3A, %swap3A_28], %logistic3A_27 {strides = array<i32>} : memref<2088x8xf32, #tpu.memory_space<vmem>>, vector<2088x8xf32>,
    return
  }
  func.func @transform_0(%arg0: i32) -> (i32, i32) {
    %c0_i32 = arith.constant 0 : i32
    %c0_i32_0 = arith.constant 0 : i32
    return %arg0, %c0_i32 : i32, i32
  }
  func.func @transform_1(%arg0: i32) -> (i32, i32) {
    %c0_i32 = arith.constant 0 : i32
    %c0_i32_0 = arith.constant 0 : i32
    return %arg0, %c0_i32 : i32, i32
  }
  func.func @transform_2(%arg0: i32) -> (i32, i32) {
    %c0_i32 = arith.constant 0 : i32
    %c0_i32_0 = arith.constant 0 : i32
    return %arg0, %c0_i32 : i32, i32
  }
  func.func @transform_3(%arg0: i32) -> (i32, i32) {
    %c0_i32 = arith.constant 0 : i32
    %c0_i32_0 = arith.constant 0 : i32
    %c0_i32_1 = arith.constant 0 : i32
    return %c0_i32, %c0_i32_0 : i32, i32
  }
  func.func @transform_4(%arg0: i32) -> (i32, i32) {
    %c0_i32 = arith.constant 0 : i32
    %c0_i32_0 = arith.constant 0 : i32
    %c0_i32_1 = arith.constant 0 : i32
    return %c0_i32, %c0_i32_0 : i32, i32
  }
  func.func @transform_5(%arg0: i32) -> (i32, i32) {
    %c0_i32 = arith.constant 0 : i32
    %c0_i32_0 = arith.constant 0 : i32
    %c0_i32_1 = arith.constant 0 : i32
    return %c0_i32, %c0_i32_0 : i32, i32
  }
  func.func @transform_6(%arg0: i32) -> (i32, i32) {
    %c0_i32 = arith.constant 0 : i32
    %c0_i32_0 = arith.constant 0 : i32
    return %arg0, %c0_i32 : i32, i32
  }
}

</mosaic_0001>

<sc_bundles>
// kernel: kernel.12.cloned.1.call-start
scs
__scs_entry_jumppad:
0x0: {  	(pc) =	sbr.rel $0x88, $3  }
0x1: {  	(tag) =	ssettag $0x0;
	lr =	simm.s32 $0x1  }
0x2: {  	[smem:$0x3F90] =	sst lr;
	_ =	strace $0xD0000000  }
0x3: {  	_ = 	snop  }
0x4: {  	_ = 	snop  }
0x5: {  	_ = 	snop  }
0x6: {  	_ = 	snop  }
0x7: {  	_ = 	snop  }
__scs_overlays_trampoline_lowered:
0x8: {  	[smem:$0x3F9F] =	sst s0  }
0x9: {  	[smem:$0x3FA0] =	sst s1  }
0xa: {  	[smem:$0x3FA1] =	sst s2  }
0xb: {  	[smem:$0x3FA2] =	sst s3  }
0xc: {  	[smem:$0x3FA3] =	sst s4  }
0xd: {  	[smem:$0x3FA4] =	sst s5  }
0xe: {  	[smem:$0x3FA5] =	sst s6  }
0xf: {  	[smem:$0x3FA6] =	sst s7  }
0x10: {  	[smem:$0x3FA7] =	sst s8  }
0x11: {  	[smem:$0x3FA8] =	sst s9;
	s0 =	simm.s32 @!p0 $0x0  }
0x12: {  	s1 =	sld [smem:$0x3F8E];
	s0 =	simm.s32 @p0 $0x1  }
0x13: {  	[smem:$0x3FA9] =	sst s0;
	s0 =	simm.s32 @!p1 $0x0  }
0x14: {  	s2 =	sld [smem:$0x3F8D];
	s0 =	simm.s32 @p1 $0x1  }
0x15: {  	[smem:$0x3FAA] =	sst s0;
	s0 =	simm.s32 @!p2 $0x0  }
0x16: {  	s3 =	sld [smem:$0x3FDB];
	s0 =	simm.s32 @p2 $0x1  }
0x17: {  	s4 =	simm.s32 $0x1BF5;
	[smem:$0x3FAC] =	sst s0  }
0x18: {  	s0 =	sld [smem:$0x3F8F];
	_ =	swait.ge [sflag:s4], $0x0  }
0x19: {  	s7 =	sld [smem:$0x3F90]  }
0x1a: {  	s8 =	sadd.s32 $0xFFFFE003, lr  }
0x1b: {  	s9 =	sadd.s32 $0xFFFFFEF7, lr;
	s5 =	simm.s32 $0xFFFFFFFF;
	p2 =	slt.u32 s8, $0xFFFFF086  }
0x1c: {  	p1 =	slt.u32 s9, $0xF7A;
	s5 =	simm.s32 @!p2 $0x0  }
0x1d: {  	s5 =	simm.s32 @p1 $0x1;
	p0 =	seq.s32 s7, s2  }
0x1e: {  	s7 =	smul.u32 @!p0 $0xF7A, s2;
	p2 =	seq.s32 @!p0 s5, $0x0  }
0x1f: {  	s9 =	smul.u32 $0xF7A, s1;
	s8 =	simm.s32 @!p0 $0x1BF5;
	p2 =	por !p2, p0  }
0x20: {  	[sflag:s8] =	ssyncset.s32 @!p0 $0xFFFFF086;
	s6 =	sadd.s32 @!p0 s3, s7;
	s7 =	simm.s32 @!p0 $0x108  }
0x21: {  	s3 =	sadd.s32 s3, s9;
	s6 =	sadd.s32 @!p0 $0x88, s6;
	s7 =	simm.s32 @p2 $0x1082  }
0x22: {  	[simem:s7], [sflag:s8] =	dma.local @!p0 [hbm:s6], $0xF7A  }
0x23: {  	s9 =	sor.u32 $0xD0000000, s2;
	s6 =	simm.s32 $0x108;
	_ =	swait.ge @!p0 [sflag:s8], $0x0  }
0x24: {  	s3 =	sadd.s32 $0x88, s3;
	s6 =	simm.s32 @!p1 $0x1082;
	[sflag:s4] =	ssyncset.s32 $0xFFFFF086  }
0x25: {  	[simem:s6], [sflag:s4] =	dma.local [hbm:s3], $0xF7A  }
0x26: {  	[smem:$0x3F90] =	sst s1;
	(tag) =	ssettag s2;
	_ =	strace s9  }
0x27: {  	s1 =	sld [smem:$0x3FA0]  }
0x28: {  	s2 =	sld [smem:$0x3FA1]  }
0x29: {  	s4 =	sld [smem:$0x3FA3]  }
0x2a: {  	p0 =	seq.s32 s5, $0x0;
	s5 =	sld [smem:$0x3FA4]  }
0x2b: {  	s6 =	sld [smem:$0x3FA5]  }
0x2c: {  	s7 =	sld [smem:$0x3FA6]  }
0x2d: {  	s3 =	simm.s32 $0x108;
	s8 =	sld [smem:$0x3FA7]  }
0x2e: {  	s3 =	simm.s32 @!p0 $0x1082;
	s9 =	sld [smem:$0x3FA8]  }
0x2f: {  	lr =	sadd.s32 s0, s3;
	s0 =	sld [smem:$0x3F9F]  }
0x30: {  	s3 =	sld [smem:$0x3FA2]  }
0x31: {  	[smem:$0x3FAB] =	sst s10  }
0x32: {  	s10 =	sld [smem:$0x3FA9];
	_ =	sdelay $0x3  }
0x33: {  	p0 =	seq.s32 s10, $0x1;
	s10 =	sld [smem:$0x3FAB];
	_ =	sdelay $0x3  }
0x34: {  	[smem:$0x3FAB] =	sst s10  }
0x35: {  	s10 =	sld [smem:$0x3FAA];
	_ =	sdelay $0x3  }
0x36: {  	p1 =	seq.s32 s10, $0x1;
	s10 =	sld [smem:$0x3FAB];
	_ =	sdelay $0x3  }
0x37: {  	[smem:$0x3FAB] =	sst s10  }
0x38: {  	s10 =	sld [smem:$0x3FAC]  }
0x39: {  	_ = 	snop;
	(pc) =	sbr.ind lr, $3  }
0x3a: {  	_ = 	snop  }
0x3b: {  	_ = 	snop  }
0x3c: {  	p2 =	seq.s32 s10, $0x1;
	s10 =	sld [smem:$0x3FAB]  }
0x3d: {  	_ =	shalt  }
0x3e: {  	_ =	shalt  }
0x3f: {  	_ =	shalt  }
0x40: {  	_ =	shalt  }
0x41: {  	_ =	shalt  }
0x42: {  	_ =	shalt  }
0x43: {  	_ =	shalt  }
0x44: {  	_ =	shalt  }
0x45: {  	_ =	shalt  }
0x46: {  	_ =	shalt  }
0x47: {  	_ =	shalt  }
0x48: {  	_ =	shalt  }
0x49: {  	_ =	shalt  }
0x4a: {  	_ =	shalt  }
0x4b: {  	_ =	shalt  }
0x4c: {  	_ =	shalt  }
0x4d: {  	_ =	shalt  }
0x4e: {  	_ =	shalt  }
0x4f: {  	_ =	shalt  }
0x50: {  	_ =	shalt  }
0x51: {  	_ =	shalt  }
0x52: {  	_ =	shalt  }
0x53: {  	_ =	shalt  }
0x54: {  	_ =	shalt  }
0x55: {  	_ =	shalt  }
0x56: {  	_ =	shalt  }
0x57: {  	_ =	shalt  }
0x58: {  	_ =	shalt  }
0x59: {  	_ =	shalt  }
0x5a: {  	_ =	shalt  }
0x5b: {  	_ =	shalt  }
0x5c: {  	_ =	shalt  }
0x5d: {  	_ =	shalt  }
0x5e: {  	_ =	shalt  }
0x5f: {  	_ =	shalt  }
0x60: {  	_ =	shalt  }
0x61: {  	_ =	shalt  }
0x62: {  	_ =	shalt  }
0x63: {  	_ =	shalt  }
0x64: {  	_ =	shalt  }
0x65: {  	_ =	shalt  }
0x66: {  	_ =	shalt  }
0x67: {  	_ =	shalt  }
0x68: {  	_ =	shalt  }
0x69: {  	_ =	shalt  }
0x6a: {  	_ =	shalt  }
0x6b: {  	_ =	shalt  }
0x6c: {  	_ =	shalt  }
0x6d: {  	_ =	shalt  }
0x6e: {  	_ =	shalt  }
0x6f: {  	_ =	shalt  }
0x70: {  	_ =	shalt  }
0x71: {  	_ =	shalt  }
0x72: {  	_ =	shalt  }
0x73: {  	_ =	shalt  }
0x74: {  	_ =	shalt  }
0x75: {  	_ =	shalt  }
0x76: {  	_ =	shalt  }
0x77: {  	_ =	shalt  }
0x78: {  	_ =	shalt  }
0x79: {  	_ =	shalt  }
0x7a: {  	_ =	shalt  }
0x7b: {  	_ =	shalt  }
0x7c: {  	_ =	shalt  }
0x7d: {  	_ =	shalt  }
0x7e: {  	_ =	shalt  }
0x7f: {  	_ =	shalt  }
0x80: {  	_ =	shalt  }
0x81: {  	_ =	shalt  }
0x82: {  	_ =	shalt  }
0x83: {  	_ =	shalt  }
0x84: {  	_ =	shalt  }
0x85: {  	_ =	shalt  }
0x86: {  	_ =	shalt  }
0x87: {  	_ =	shalt  }
.Lfunc_end0:
.L_simem_size_0:
called_computation.1_lowered:
.L_overlay_start_0:
0x88: {  	s2 =	sld [smem:$0x3FD9]  }
0x89: {  	s3 =	sld [smem:$0x3FFE];
	_ =	sdelay $0x1  }
0x8a: {  	s1 =	srdreg.scid  }
0x8b: {  	s0 =	sand.u32 $0x1, s1  }
0x8c: {  	s16 =	sshll.u32 s0, $0xA;
	s2 =	sadd.s32 s3, s2  }
0x8d: {  	s2 =	sadd.s32 s2, s16  }
0x8e: {  	[smem:$0x3FB7] =	sst s2  }
0x8f: {  	_ = 	snop  }
0x90: {  	(tm) =	ssettm $0x1  }
0x91: {  	s17 =	sld [smem:$0x3FFB];
	_ =	sdelay $0x3  }
0x92: {  	_ =	strace s17  }
0x93: {  	s2 =	sld [smem:$0x3FFC];
	_ =	sdelay $0x3  }
0x94: {  	_ =	strace s2  }
0x95: {  	s2 =	sld [smem:$0x3FFD];
	_ =	sdelay $0x3  }
0x96: {  	_ =	strace s2  }
0x97: {  	_ =	strace $0x8FFFFFFF  }
0x98: {  	s18 =	sld [smem:$0x3FDB];
	_ =	sdelay $0x1  }
0x99: {  	s19 =	simm.s32 $_scs_section_size  }
0x9a: {  	s4 =	simm.s32 $_size__tile_overlayer_lowered;
	s5 =	simm.s32 $_tile_overlayer_lowered  }
0x9b: {  	s22 =	simm.s32 $0x1BFF;
	s21 =	sshll.u32 s5, $0x1;
	s2 =	sadd.s32 s19, s18  }
0x9c: {  	s6 =	simm.s32 $0x0;
	s20 =	sshll.u32 s4, $0x1;
	s4 =	sadd.s32 s21, s2  }
0x9d: {  	[timem:s6], [sflag:s22] =	dma.local [hbm:s4], s20  }
0x9e: {  	_ =	swait.ge [sflag:s22], s20  }
0x9f: {  	s3 =	ssub.s32 $0x0, s20;
	[sflag:s22] =	ssyncset.done $0x0  }
0xa0: {  	[sflag:s22] =	ssyncadd.s32 s3;
	_ =	sdelay $0x1  }
0xa1: {  	s23 =	simm.s32 $0x1B8B  }
0xa2: {  	_ =	swait.ge [sflag:s23], $0x1  }
0xa3: {  	[sflag:s23] =	ssyncset.done $0x0  }
0xa4: {  	s25 =	simm.s32 $0x1B8E;
	s24 =	sld [smem:$0x3FFE];
	[sflag:s23] =	ssyncadd.s32 $0xFFFFFFFF  }
0xa5: {  	s26 =	simm.s32 $execute0_lowered;
	[smem:$0x3FD2] =	sst s25  }
0xa6: {  	s4 =	sshll.u32 s26, $0x1;
	_ =	strace $0x80000049;
	[dreg:$0x1] =	wrdreg $0xFFFFFFFF  }
0xa7: {  	s28 =	simm.s32 $_size_execute0_lowered;
	s2 =	sadd.s32 s2, s4;
	[dreg:$0x0] =	wrdreg $0x0  }
0xa8: {  	s4 =	sshll.u32 s28, $0x1;
	[dreg:$0x2] =	wrdreg s2  }
0xa9: {  	[dreg:$0x3] =	wrdreg s4  }
0xaa: {  	[dreg:$0x4] =	wrdreg $0xC0  }
0xab: {  	_ =	task [dreg:s6], $0x5FFFF  }
0xac: {  	[dreg:$0x1] =	wrdreg $0xFFFFFFFF  }
0xad: {  	[dreg:$0x0] =	wrdreg $0x60  }
0xae: {  	[dreg:$0x2] =	wrdreg s24  }
0xaf: {  	[dreg:$0x3] =	wrdreg $0x4C000  }
0xb0: {  	[dreg:$0x4] =	wrdreg $0x9  }
0xb1: {  	_ =	task.clear_ibuf [dreg:s6], $0x5FFFF;
	_ =	strace $0x90000049  }
0xb2: {  	s29 =	simm.s32 $0x9;
	_ =	strace $0x8000004B  }
0xb3: {  	_ =	swait.ge [sflag:s29], $0x1  }
0xb4: {  	[sflag:s29] =	ssyncadd.s32 $0xFFFFFFFF  }
0xb5: {  	_ =	strace $0x9000004B  }
0xb6: {  	_ =	sfence  }
0xb7: {  	s30 =	sld [smem:$0x0];
	_ =	sdelay $0x2  }
0xb8: {  	s31 =	sshll.u32 s1, $0xD;
	s1 =	sshrl.u32 s1, $0x2  }
0xb9: {  	s3 =	sand.u32 $0x4000, s31;
	s1 =	sadd.s32 s1, s30  }
0xba: {  	s0 =	sor.u32 s3, s0;
	s1 =	sshll.u32 s1, $0x11  }
0xbb: {  	s0 =	sor.u32 s1, s0  }
0xbc: {  	s0 =	sadd.s32 $0x8F2B, s0  }
0xbd: {  	[sflag:s0] =	ssyncadd.remote.s32 $0x1  }
0xbe: {  	_ =	sfence.sel $0xFFFF  }
0xbf: {  	[dreg:$0x0] =	wrdreg $0xFFFFFFFF;
	(pc) =	sbr.abs _section_cstart, $3  }
0xc0: {  	[dreg:$0x1] =	wrdreg $0xFFFFFFFF  }
0xc1: {  	_ =	task.clear_ibuf [dreg:s6], $0x2FFFF;
	_ =	strace $0x9FFFFFFF  }
0xc2: {  	(tm) =	ssettm $0x7FFFFFFF  }
0xc3: {  	_ =	shalt  }
tec
execute0_lowered:
.L_overlay_start_1:
0x0: {  	(tag) =	ssettag $0x1  }
0x1: {  	s4 =	rddreg [dreg:$0x0]  }
0x2: {  	s2 =	rddreg [dreg:$0x1]  }
0x3: {  	s0 =	rddreg [dreg:$0x2];
	s1 =	stileid.u32  }
0x4: {  	s3 =	simm.s32 $0x0;
	s5 =	srdreg.scid;
	s6 =	smul.u32 $0x50, s1  }
0x5: {  	s15 =	simm.s32 $0x600;
	s16 =	simm.s32 $0x0;
	s7 =	smul.u32 $0x140, s1  }
0x6: {  	[smem:$0x7FF] =	sst s3;
	s5 =	sand.u32 $0x1, s5;
	s8 =	smul.u32 $0x18780, s1  }
0x7: {  	s9 =	sadd.s32 $0x14200, s4;
	s31 =	sshll.u32 s1, $0x6;
	_ =	strace $0x8000004A  }
0x8: {  	p0 =	seq.s32 s5, $0x0;
	s26 =	smul.u32 $0x187800, s5;
	[dreg:$0x3] =	wrdreg s9  }
0x9: {  	s5 =	ssub.s32 $0x2, s5;
	s6 =	sadd.s32 $0x1400, s6;
	s29 =	sshrl.u32 s8, $0x3  }
0xa: {  	s30 =	sshrl.u32 s5, $0x1;
	s13 =	sadd.s32 s8, s2;
	s6 =	smov.u32 @p0 s7  }
0xb: {  	s28 =	sadd.s32 s8, s26;
	s7 =	sadd.s32 s29, s4;
	s6 =	sshll.u32 s6, $0x6  }
0xc: {  	s11 =	ssub.s32 s5, s30;
	s12 =	sadd.s32 s6, s4;
	s6 =	sshrl.u32 s28, $0x3  }
0xd: {  	s13 =	sshrl.u32 s13, $0x3;
	s5 =	sadd.s32 $0x13E200, s7;
	s10 =	sadd.s32 s6, s4  }
0xe: {  	s4 =	simm.s32 $0x140;
	s6 =	sor.u32 $0x1C04, s31;
	s7 =	sadd.s32 $0x45200, s12  }
0xf: {  	s8 =	sadd.s32 $0xA9200, s12;
	s4 =	simm.s32 @!p0 $0x50;
	s9 =	sadd.s32 $0x16F200, s10  }
0x10: {  	s10 =	smax.u32 s11, $0x1;
	s11 =	sadd.s32 $0xA9240, s12;
	s14 =	sor.u32 $0x2, s4  }
0x11: {  	s12 =	sadd.s32 $0x45240, s12;
	[dreg:$0x4] =	wrdreg s14;
	s14 =	simm.s32 $0x4  }
.LBB2_1:
0x12: {  	[spmem:s13], [sflag:s6] =	dma.local [hbm:s5], $0x30F0  }
0x13: {  	_ =	swait.ge [sflag:s14], $0x30F0  }
0x14: {  	[sflag:s14] =	ssyncset.done $0x0  }
0x15: {  	s17 =	simm.s32 $0x1;
	[sflag:s14] =	ssyncadd.s32 $0xFFFFCF10  }
0x16: {  	s18 =	simm.s32 $0x0;
	s19 =	smov.u32 s12;
	[bflag:$0x0] =	sbarrier.arrive $0xFFFF  }
0x17: {  	[tilespmem:s3], [sflag:$0x3] =	stream.linear.gather [hbm4b:s7+s3], $0x200, $0x38;
	[tilespmem:$0x1D380] =	vst v63  }
0x18: {  	s20 =	smov.u32 s11;
	s21 =	simm.s32 $0x0;
	s22 =	simm.s32 $0x0  }
0x19: {  	[tilespmem:s15], [sflag:$0x3] =	stream.linear.gather [hbm4b:s8+s3], $0x200, $0x38;
	[tilespmem:$0x1D380] =	vst v63  }
.LBB2_2:
0x1a: {  	s23 =	smulhi.u32 $0xAAAAAAAB, s17;
	p1 =	slt.u32 s22, $0x2  }
0x1b: {  	s24 =	smulhi.u32 $0xAAAAAAAB, s22;
	p0 =	sge.u32 s22, s4;
	s25 =	simm.s32 @!p1 $0x2  }
0x1c: {  	s26 =	sadd.s32 $0x1, s22;
	s22 =	sadd.s32 $0xFFFFFFFF, s22;
	_ =	swait.ge @!p1 [sflag:s25], $0x2000  }
0x1d: {  	s28 =	smulhi.u32 $0x55555556, s22;
	s29 =	sshra.s32 s22, $0x1F;
	[sflag:s25] =	ssyncset.done @!p1 $0x0  }
0x1e: {  	s24 =	sshrl.u32 s24, $0x1;
	[sflag:s25] =	ssyncadd.s32 @!p1 $0xFFFFE000;
	s25 =	simm.s32 @!p0 $0x3  }
0x1f: {  	s23 =	sshrl.u32 s23, $0x1;
	s24 =	smul.u32 $0xFFFFE800, s24;
	_ =	swait.ge @!p0 [sflag:s25], $0x200  }
0x20: {  	s30 =	sshra.s32 @!p0 s18, $0x2;
	s23 =	smul.u32 $0xFFFFE800, s23;
	[sflag:s25] =	ssyncset.done @!p0 $0x0  }
0x21: {  	s29 =	smul.u32 $0x55555556, s29;
	s24 =	sshra.s32 s24, $0x2;
	[sflag:s25] =	ssyncadd.s32 @!p0 $0xFFFFFE00  }
0x22: {  	s23 =	sshra.s32 s23, $0x2;
	s24 =	sadd.s32 @!p0 s30, s24;
	_ =	swait.ge @!p0 [sflag:s25], $0x200  }
0x23: {  	s30 =	sand.u32 @!p0 $0x2000, s21;
	s31 =	rddreg [dreg:$0x3];
	[sflag:s25] =	ssyncset.done @!p0 $0x0  }
0x24: {  	[sflag:s25] =	ssyncadd.s32 @!p0 $0xFFFFFE00;
	s25 =	sor.u32 @!p0 $0xC00, s30;
	s30 =	simm.s32 @!p0 $0x200  }
0x25: {  	[tilespmem:s25], [sflag:$0x1] =	stream.indirect.gather @!p0 [hbm4b:s31+s30], $0x10, s24, s30, $0xb8;
	[tilespmem:$0x1D380] =	vst v63  }
0x26: {  	s24 =	sadd.s32 $0x200, s23;
	s31 =	sadd.s32 s29, s28;
	p0 =	sge.u32 s26, s4  }
0x27: {  	s23 =	sadd.s32 $0x800, s23;
	s28 =	sshrl.u32 s31, $0x1F;
	s29 =	sshra.s32 @!p0 s18, $0x2  }
0x28: {  	s25 =	sadd.s32 s28, s31;
	s24 =	sadd.s32 @!p0 s29, s24;
	s28 =	simm.s32 @!p0 $0x0  }
0x29: {  	[tilespmem:s24], [sflag:$0x3] =	stream.linear.gather @!p0 [hbm4b:s19+s28], $0x200, $0x38;
	[tilespmem:$0x1D380] =	vst v63  }
0x2a: {  	s23 =	sadd.s32 @!p0 s29, s23;
	s30 =	smul.u32 $0x3, s25  }
0x2b: {  	[tilespmem:s23], [sflag:$0x3] =	stream.linear.gather @!p0 [hbm4b:s20+s28], $0x200, $0x38;
	[tilespmem:$0x1D380] =	vst v63  }
0x2c: {  	p0 =	sge.u32 s22, s4;
	s22 =	ssub.s32 s22, s30  }
0x2d: {  	s23 =	sxor.u32 @!p0 $0xFFFFFFFF, s21;
	p1 =	slt.s32 @!p0 s22, $0x0;
	s24 =	simm.s32 @!p0 $0x1  }
0x2e: {  	s22 =	sshll.u32 @!p0 s22, $0x9;
	s23 =	sand.u32 @!p0 $0x2000, s23;
	_ =	swait.ge @!p0 [sflag:s24], $0x2000  }
0x2f: {  	s25 =	sadd.s32 @!p0 $0x600, s22;
	p1 =	por !p1, p0;
	s23 =	sor.u32 @!p0 $0xC00, s23  }
0x30: {  	[sflag:s24] =	ssyncset.done @!p0 $0x0;
	s25 =	smov.u32 @p1 s22;
	s31 =	rddreg [dreg:$0x4]  }
0x31: {  	[sflag:s24] =	ssyncadd.s32 @!p0 $0xFFFFE000;
	s24 =	sadd.s32 @!p0 $0x600, s25;
	s25 =	simm.s32 @!p0 $0x200  }
0x32: {  	[spmem:s2] =	stream.indirect.scatter.add.f32 @!p0 [tilespmem:s23], [sflag:$0x2], $0x10, s24, s25, $0xb8;
	[tilespmem:$0x1D380] =	vst v63  }
0x33: {  	p0 =	sne.s32 s31, s26  }
.Ltmp0:
0x34: {  	_ = 	snop;
	(pc) =	sbr.rel @p0 .LBB2_2-.Ltmp0, $3  }
0x35: {  	_ =	sdelay $0x1  }
0x36: {  	s17 =	sadd.s32 $0x1, s17;
	s18 =	sadd.s32 $0x800, s18;
	s19 =	sadd.s32 $0x40, s19  }
0x37: {  	s20 =	sadd.s32 $0x40, s20;
	s21 =	sadd.s32 $0x2000, s21;
	s22 =	smov.u32 s26  }
0x38: {  	s16 =	sadd.s32 $0x1, s16  }
0x39: {  	p0 =	sne.s32 s16, s10  }
.Ltmp1:
0x3a: {  	[bflag:$0x0] =	sbarrier.arrive $0xFFFF;
	(pc) =	sbr.rel @p0 .LBB2_1-.Ltmp1, $4  }
0x3b: {  	[hbm:s9], [sflag:s6] =	dma.local [spmem:s13], $0x30F0  }
0x3c: {  	_ =	swait.ge [sflag:s14], $0x30F0  }
0x3d: {  	[sflag:s14] =	ssyncset.done $0x0  }
0x3e: {  	[sflag:s14] =	ssyncadd.s32 $0xFFFFCF10  }
0x3f: {  	_ =	sfence.sel $0x180000  }
0x40: {  	[bflag:$0x0] =	sbarrier.arrive $0xFFFF  }
0x41: {  	p0 =	sne.s32 s1, $0x0;
	_ =	strace $0x9000004A  }
0x42: {  	s0 =	sadd.s32 @!p0 $0x100000, s0;
	[bflag:$0x2] =	sbarrier.arrive $0xFFFF  }
0x43: {  	[sflag:s0] =	ssyncadd.tile.s32 @!p0 $0x1;
	_ =	shalt  }
.Lfunc_end2:
_tile_overlayer_lowered:
.L_overlay_start_2:
0x44: {  	(tag) =	ssettag $0x2  }
0x45: {  	s0 =	rddreg [dreg:$0x0];
	s2 =	stileid.u32  }
0x46: {  	s1 =	rddreg [dreg:$0x1];
	p0 =	sne.s32 s2, $0x0  }
0x47: {  	s3 =	rddreg [dreg:$0x2];
	[bflag:$0x3] =	sbarrier.arrive $0xFFFF;
	s2 =	simm.s32 @!p0 $0x1C04  }
0x48: {  	[timem:s3], [sflag:s2] =	dma.local @!p0 [hbm:s0], s1  }
0x49: {  	s0 =	simm.s32 @!p0 $0x4  }
0x4a: {  	_ =	swait.ge @!p0 [sflag:s0], s1  }
0x4b: {  	s1 =	ssub.s32 @!p0 $0x0, s1;
	[sflag:s0] =	ssyncset.done @!p0 $0x0  }
0x4c: {  	[sflag:s0] =	ssyncadd.s32 @!p0 s1  }
0x4d: {  	[bflag:$0x3] =	sbarrier.arrive $0xFFFF  }
0x4e: {  	_ =	shalt  }

// kernel: kernel.15.cloned.1.call-start
scs
__scs_entry_jumppad:
0x0: {  	(pc) =	sbr.rel $0x88, $3  }
0x1: {  	(tag) =	ssettag $0x0;
	lr =	simm.s32 $0x1  }
0x2: {  	[smem:$0x3F90] =	sst lr;
	_ =	strace $0xD0000000  }
0x3: {  	_ = 	snop  }
0x4: {  	_ = 	snop  }
0x5: {  	_ = 	snop  }
0x6: {  	_ = 	snop  }
0x7: {  	_ = 	snop  }
__scs_overlays_trampoline_lowered:
0x8: {  	[smem:$0x3F9F] =	sst s0  }
0x9: {  	[smem:$0x3FA0] =	sst s1  }
0xa: {  	[smem:$0x3FA1] =	sst s2  }
0xb: {  	[smem:$0x3FA2] =	sst s3  }
0xc: {  	[smem:$0x3FA3] =	sst s4  }
0xd: {  	[smem:$0x3FA4] =	sst s5  }
0xe: {  	[smem:$0x3FA5] =	sst s6  }
0xf: {  	[smem:$0x3FA6] =	sst s7  }
0x10: {  	[smem:$0x3FA7] =	sst s8  }
0x11: {  	[smem:$0x3FA8] =	sst s9;
	s0 =	simm.s32 @!p0 $0x0  }
0x12: {  	s1 =	sld [smem:$0x3F8E];
	s0 =	simm.s32 @p0 $0x1  }
0x13: {  	[smem:$0x3FA9] =	sst s0;
	s0 =	simm.s32 @!p1 $0x0  }
0x14: {  	s2 =	sld [smem:$0x3F8D];
	s0 =	simm.s32 @p1 $0x1  }
0x15: {  	[smem:$0x3FAA] =	sst s0;
	s0 =	simm.s32 @!p2 $0x0  }
0x16: {  	s3 =	sld [smem:$0x3FDB];
	s0 =	simm.s32 @p2 $0x1  }
0x17: {  	s4 =	simm.s32 $0x1BF5;
	[smem:$0x3FAC] =	sst s0  }
0x18: {  	s0 =	sld [smem:$0x3F8F];
	_ =	swait.ge [sflag:s4], $0x0  }
0x19: {  	s7 =	sld [smem:$0x3F90]  }
0x1a: {  	s8 =	sadd.s32 $0xFFFFE003, lr  }
0x1b: {  	s9 =	sadd.s32 $0xFFFFFEF7, lr;
	s5 =	simm.s32 $0xFFFFFFFF;
	p2 =	slt.u32 s8, $0xFFFFF086  }
0x1c: {  	p1 =	slt.u32 s9, $0xF7A;
	s5 =	simm.s32 @!p2 $0x0  }
0x1d: {  	s5 =	simm.s32 @p1 $0x1;
	p0 =	seq.s32 s7, s2  }
0x1e: {  	s7 =	smul.u32 @!p0 $0xF7A, s2;
	p2 =	seq.s32 @!p0 s5, $0x0  }
0x1f: {  	s9 =	smul.u32 $0xF7A, s1;
	s8 =	simm.s32 @!p0 $0x1BF5;
	p2 =	por !p2, p0  }
0x20: {  	[sflag:s8] =	ssyncset.s32 @!p0 $0xFFFFF086;
	s6 =	sadd.s32 @!p0 s3, s7;
	s7 =	simm.s32 @!p0 $0x108  }
0x21: {  	s3 =	sadd.s32 s3, s9;
	s6 =	sadd.s32 @!p0 $0x88, s6;
	s7 =	simm.s32 @p2 $0x1082  }
0x22: {  	[simem:s7], [sflag:s8] =	dma.local @!p0 [hbm:s6], $0xF7A  }
0x23: {  	s9 =	sor.u32 $0xD0000000, s2;
	s6 =	simm.s32 $0x108;
	_ =	swait.ge @!p0 [sflag:s8], $0x0  }
0x24: {  	s3 =	sadd.s32 $0x88, s3;
	s6 =	simm.s32 @!p1 $0x1082;
	[sflag:s4] =	ssyncset.s32 $0xFFFFF086  }
0x25: {  	[simem:s6], [sflag:s4] =	dma.local [hbm:s3], $0xF7A  }
0x26: {  	[smem:$0x3F90] =	sst s1;
	(tag) =	ssettag s2;
	_ =	strace s9  }
0x27: {  	s1 =	sld [smem:$0x3FA0]  }
0x28: {  	s2 =	sld [smem:$0x3FA1]  }
0x29: {  	s4 =	sld [smem:$0x3FA3]  }
0x2a: {  	p0 =	seq.s32 s5, $0x0;
	s5 =	sld [smem:$0x3FA4]  }
0x2b: {  	s6 =	sld [smem:$0x3FA5]  }
0x2c: {  	s7 =	sld [smem:$0x3FA6]  }
0x2d: {  	s3 =	simm.s32 $0x108;
	s8 =	sld [smem:$0x3FA7]  }
0x2e: {  	s3 =	simm.s32 @!p0 $0x1082;
	s9 =	sld [smem:$0x3FA8]  }
0x2f: {  	lr =	sadd.s32 s0, s3;
	s0 =	sld [smem:$0x3F9F]  }
0x30: {  	s3 =	sld [smem:$0x3FA2]  }
0x31: {  	[smem:$0x3FAB] =	sst s10  }
0x32: {  	s10 =	sld [smem:$0x3FA9];
	_ =	sdelay $0x3  }
0x33: {  	p0 =	seq.s32 s10, $0x1;
	s10 =	sld [smem:$0x3FAB];
	_ =	sdelay $0x3  }
0x34: {  	[smem:$0x3FAB] =	sst s10  }
0x35: {  	s10 =	sld [smem:$0x3FAA];
	_ =	sdelay $0x3  }
0x36: {  	p1 =	seq.s32 s10, $0x1;
	s10 =	sld [smem:$0x3FAB];
	_ =	sdelay $0x3  }
0x37: {  	[smem:$0x3FAB] =	sst s10  }
0x38: {  	s10 =	sld [smem:$0x3FAC]  }
0x39: {  	_ = 	snop;
	(pc) =	sbr.ind lr, $3  }
0x3a: {  	_ = 	snop  }
0x3b: {  	_ = 	snop  }
0x3c: {  	p2 =	seq.s32 s10, $0x1;
	s10 =	sld [smem:$0x3FAB]  }
0x3d: {  	_ =	shalt  }
0x3e: {  	_ =	shalt  }
0x3f: {  	_ =	shalt  }
0x40: {  	_ =	shalt  }
0x41: {  	_ =	shalt  }
0x42: {  	_ =	shalt  }
0x43: {  	_ =	shalt  }
0x44: {  	_ =	shalt  }
0x45: {  	_ =	shalt  }
0x46: {  	_ =	shalt  }
0x47: {  	_ =	shalt  }
0x48: {  	_ =	shalt  }
0x49: {  	_ =	shalt  }
0x4a: {  	_ =	shalt  }
0x4b: {  	_ =	shalt  }
0x4c: {  	_ =	shalt  }
0x4d: {  	_ =	shalt  }
0x4e: {  	_ =	shalt  }
0x4f: {  	_ =	shalt  }
0x50: {  	_ =	shalt  }
0x51: {  	_ =	shalt  }
0x52: {  	_ =	shalt  }
0x53: {  	_ =	shalt  }
0x54: {  	_ =	shalt  }
0x55: {  	_ =	shalt  }
0x56: {  	_ =	shalt  }
0x57: {  	_ =	shalt  }
0x58: {  	_ =	shalt  }
0x59: {  	_ =	shalt  }
0x5a: {  	_ =	shalt  }
0x5b: {  	_ =	shalt  }
0x5c: {  	_ =	shalt  }
0x5d: {  	_ =	shalt  }
0x5e: {  	_ =	shalt  }
0x5f: {  	_ =	shalt  }
0x60: {  	_ =	shalt  }
0x61: {  	_ =	shalt  }
0x62: {  	_ =	shalt  }
0x63: {  	_ =	shalt  }
0x64: {  	_ =	shalt  }
0x65: {  	_ =	shalt  }
0x66: {  	_ =	shalt  }
0x67: {  	_ =	shalt  }
0x68: {  	_ =	shalt  }
0x69: {  	_ =	shalt  }
0x6a: {  	_ =	shalt  }
0x6b: {  	_ =	shalt  }
0x6c: {  	_ =	shalt  }
0x6d: {  	_ =	shalt  }
0x6e: {  	_ =	shalt  }
0x6f: {  	_ =	shalt  }
0x70: {  	_ =	shalt  }
0x71: {  	_ =	shalt  }
0x72: {  	_ =	shalt  }
0x73: {  	_ =	shalt  }
0x74: {  	_ =	shalt  }
0x75: {  	_ =	shalt  }
0x76: {  	_ =	shalt  }
0x77: {  	_ =	shalt  }
0x78: {  	_ =	shalt  }
0x79: {  	_ =	shalt  }
0x7a: {  	_ =	shalt  }
0x7b: {  	_ =	shalt  }
0x7c: {  	_ =	shalt  }
0x7d: {  	_ =	shalt  }
0x7e: {  	_ =	shalt  }
0x7f: {  	_ =	shalt  }
0x80: {  	_ =	shalt  }
0x81: {  	_ =	shalt  }
0x82: {  	_ =	shalt  }
0x83: {  	_ =	shalt  }
0x84: {  	_ =	shalt  }
0x85: {  	_ =	shalt  }
0x86: {  	_ =	shalt  }
0x87: {  	_ =	shalt  }
.Lfunc_end0:
.L_simem_size_0:
called_computation.2_lowered:
.L_overlay_start_0:
0x88: {  	s2 =	sld [smem:$0x3FD9]  }
0x89: {  	s3 =	sld [smem:$0x3FFE];
	_ =	sdelay $0x1  }
0x8a: {  	s1 =	srdreg.scid  }
0x8b: {  	s0 =	sand.u32 $0x1, s1  }
0x8c: {  	s16 =	sshll.u32 s0, $0xA;
	s2 =	sadd.s32 s3, s2  }
0x8d: {  	s2 =	sadd.s32 s2, s16  }
0x8e: {  	[smem:$0x3FB7] =	sst s2  }
0x8f: {  	_ = 	snop  }
0x90: {  	(tm) =	ssettm $0x1  }
0x91: {  	s17 =	sld [smem:$0x3FFB];
	_ =	sdelay $0x3  }
0x92: {  	_ =	strace s17  }
0x93: {  	s2 =	sld [smem:$0x3FFC];
	_ =	sdelay $0x3  }
0x94: {  	_ =	strace s2  }
0x95: {  	s2 =	sld [smem:$0x3FFD];
	_ =	sdelay $0x3  }
0x96: {  	_ =	strace s2  }
0x97: {  	_ =	strace $0x8FFFFFFF  }
0x98: {  	s18 =	sld [smem:$0x3FDB];
	_ =	sdelay $0x1  }
0x99: {  	s19 =	simm.s32 $_scs_section_size  }
0x9a: {  	s4 =	simm.s32 $_size__tile_overlayer_lowered;
	s5 =	simm.s32 $_tile_overlayer_lowered  }
0x9b: {  	s22 =	simm.s32 $0x1BFF;
	s21 =	sshll.u32 s5, $0x1;
	s2 =	sadd.s32 s19, s18  }
0x9c: {  	s6 =	simm.s32 $0x0;
	s20 =	sshll.u32 s4, $0x1;
	s4 =	sadd.s32 s21, s2  }
0x9d: {  	[timem:s6], [sflag:s22] =	dma.local [hbm:s4], s20  }
0x9e: {  	_ =	swait.ge [sflag:s22], s20  }
0x9f: {  	s3 =	ssub.s32 $0x0, s20;
	[sflag:s22] =	ssyncset.done $0x0  }
0xa0: {  	[sflag:s22] =	ssyncadd.s32 s3;
	_ =	sdelay $0x1  }
0xa1: {  	s23 =	simm.s32 $0x1B8B  }
0xa2: {  	_ =	swait.ge [sflag:s23], $0x1  }
0xa3: {  	[sflag:s23] =	ssyncset.done $0x0  }
0xa4: {  	s25 =	simm.s32 $0x1B8E;
	s24 =	sld [smem:$0x3FFE];
	[sflag:s23] =	ssyncadd.s32 $0xFFFFFFFF  }
0xa5: {  	s26 =	simm.s32 $execute0_lowered;
	[smem:$0x3FD2] =	sst s25  }
0xa6: {  	s4 =	sshll.u32 s26, $0x1;
	_ =	strace $0x8000004C;
	[dreg:$0x1] =	wrdreg $0xFFFFFFFF  }
0xa7: {  	s28 =	simm.s32 $_size_execute0_lowered;
	s2 =	sadd.s32 s2, s4;
	[dreg:$0x0] =	wrdreg $0x0  }
0xa8: {  	s4 =	sshll.u32 s28, $0x1;
	[dreg:$0x2] =	wrdreg s2  }
0xa9: {  	[dreg:$0x3] =	wrdreg s4  }
0xaa: {  	[dreg:$0x4] =	wrdreg $0xC0  }
0xab: {  	_ =	task [dreg:s6], $0x5FFFF  }
0xac: {  	[dreg:$0x1] =	wrdreg $0xFFFFFFFF  }
0xad: {  	[dreg:$0x0] =	wrdreg $0x60  }
0xae: {  	[dreg:$0x2] =	wrdreg s24  }
0xaf: {  	[dreg:$0x3] =	wrdreg $0x4C000  }
0xb0: {  	[dreg:$0x4] =	wrdreg $0x9  }
0xb1: {  	_ =	task.clear_ibuf [dreg:s6], $0x5FFFF;
	_ =	strace $0x9000004C  }
0xb2: {  	s29 =	simm.s32 $0x9;
	_ =	strace $0x8000004E  }
0xb3: {  	_ =	swait.ge [sflag:s29], $0x1  }
0xb4: {  	[sflag:s29] =	ssyncadd.s32 $0xFFFFFFFF  }
0xb5: {  	_ =	strace $0x9000004E  }
0xb6: {  	_ =	sfence  }
0xb7: {  	s30 =	sld [smem:$0x0];
	_ =	sdelay $0x2  }
0xb8: {  	s31 =	sshll.u32 s1, $0xD;
	s1 =	sshrl.u32 s1, $0x2  }
0xb9: {  	s3 =	sand.u32 $0x4000, s31;
	s1 =	sadd.s32 s1, s30  }
0xba: {  	s0 =	sor.u32 s3, s0;
	s1 =	sshll.u32 s1, $0x11  }
0xbb: {  	s0 =	sor.u32 s1, s0  }
0xbc: {  	s0 =	sadd.s32 $0x8F2B, s0  }
0xbd: {  	[sflag:s0] =	ssyncadd.remote.s32 $0x1  }
0xbe: {  	_ =	sfence.sel $0xFFFF  }
0xbf: {  	[dreg:$0x0] =	wrdreg $0xFFFFFFFF;
	(pc) =	sbr.abs _section_cstart, $3  }
0xc0: {  	[dreg:$0x1] =	wrdreg $0xFFFFFFFF  }
0xc1: {  	_ =	task.clear_ibuf [dreg:s6], $0x2FFFF;
	_ =	strace $0x9FFFFFFF  }
0xc2: {  	(tm) =	ssettm $0x7FFFFFFF  }
0xc3: {  	_ =	shalt  }
tec
execute0_lowered:
.L_overlay_start_1:
0x0: {  	(tag) =	ssettag $0x1  }
0x1: {  	s4 =	rddreg [dreg:$0x0]  }
0x2: {  	s2 =	rddreg [dreg:$0x1]  }
0x3: {  	s0 =	rddreg [dreg:$0x2];
	s1 =	stileid.u32  }
0x4: {  	s3 =	simm.s32 $0x0;
	s5 =	srdreg.scid;
	s6 =	smul.u32 $0x50, s1  }
0x5: {  	s15 =	simm.s32 $0x600;
	s16 =	simm.s32 $0x0;
	s7 =	smul.u32 $0x140, s1  }
0x6: {  	[smem:$0x7FF] =	sst s3;
	s5 =	sand.u32 $0x1, s5;
	s8 =	smul.u32 $0x18780, s1  }
0x7: {  	s9 =	sadd.s32 $0x10D200, s4;
	s31 =	sshll.u32 s1, $0x6;
	_ =	strace $0x8000004D  }
0x8: {  	p0 =	seq.s32 s5, $0x0;
	s26 =	smul.u32 $0x187800, s5;
	[dreg:$0x3] =	wrdreg s9  }
0x9: {  	s5 =	ssub.s32 $0x2, s5;
	s6 =	sadd.s32 $0x1400, s6;
	s29 =	sshrl.u32 s8, $0x3  }
0xa: {  	s30 =	sshrl.u32 s5, $0x1;
	s13 =	sadd.s32 s8, s2;
	s6 =	smov.u32 @p0 s7  }
0xb: {  	s28 =	sadd.s32 s8, s26;
	s7 =	sadd.s32 s29, s4;
	s6 =	sshll.u32 s6, $0x6  }
0xc: {  	s11 =	ssub.s32 s5, s30;
	s12 =	sadd.s32 s6, s4;
	s6 =	sshrl.u32 s28, $0x3  }
0xd: {  	s13 =	sshrl.u32 s13, $0x3;
	s5 =	sadd.s32 $0x13E200, s7;
	s10 =	sadd.s32 s6, s4  }
0xe: {  	s4 =	simm.s32 $0x140;
	s6 =	sor.u32 $0x1C04, s31;
	s7 =	sadd.s32 $0x45200, s12  }
0xf: {  	s8 =	sadd.s32 $0xA9200, s12;
	s4 =	simm.s32 @!p0 $0x50;
	s9 =	sadd.s32 $0x16F200, s10  }
0x10: {  	s10 =	smax.u32 s11, $0x1;
	s11 =	sadd.s32 $0xA9240, s12;
	s14 =	sor.u32 $0x2, s4  }
0x11: {  	s12 =	sadd.s32 $0x45240, s12;
	[dreg:$0x4] =	wrdreg s14;
	s14 =	simm.s32 $0x4  }
.LBB2_1:
0x12: {  	[spmem:s13], [sflag:s6] =	dma.local [hbm:s5], $0x30F0  }
0x13: {  	_ =	swait.ge [sflag:s14], $0x30F0  }
0x14: {  	[sflag:s14] =	ssyncset.done $0x0  }
0x15: {  	s17 =	simm.s32 $0x1;
	[sflag:s14] =	ssyncadd.s32 $0xFFFFCF10  }
0x16: {  	s18 =	simm.s32 $0x0;
	s19 =	smov.u32 s12;
	[bflag:$0x0] =	sbarrier.arrive $0xFFFF  }
0x17: {  	[tilespmem:s3], [sflag:$0x3] =	stream.linear.gather [hbm4b:s7+s3], $0x200, $0x38;
	[tilespmem:$0x1D380] =	vst v63  }
0x18: {  	s20 =	smov.u32 s11;
	s21 =	simm.s32 $0x0;
	s22 =	simm.s32 $0x0  }
0x19: {  	[tilespmem:s15], [sflag:$0x3] =	stream.linear.gather [hbm4b:s8+s3], $0x200, $0x38;
	[tilespmem:$0x1D380] =	vst v63  }
.LBB2_2:
0x1a: {  	s23 =	smulhi.u32 $0xAAAAAAAB, s17;
	p1 =	slt.u32 s22, $0x2  }
0x1b: {  	s24 =	smulhi.u32 $0xAAAAAAAB, s22;
	p0 =	sge.u32 s22, s4;
	s25 =	simm.s32 @!p1 $0x2  }
0x1c: {  	s26 =	sadd.s32 $0x1, s22;
	s22 =	sadd.s32 $0xFFFFFFFF, s22;
	_ =	swait.ge @!p1 [sflag:s25], $0x2000  }
0x1d: {  	s28 =	smulhi.u32 $0x55555556, s22;
	s29 =	sshra.s32 s22, $0x1F;
	[sflag:s25] =	ssyncset.done @!p1 $0x0  }
0x1e: {  	s24 =	sshrl.u32 s24, $0x1;
	[sflag:s25] =	ssyncadd.s32 @!p1 $0xFFFFE000;
	s25 =	simm.s32 @!p0 $0x3  }
0x1f: {  	s23 =	sshrl.u32 s23, $0x1;
	s24 =	smul.u32 $0xFFFFE800, s24;
	_ =	swait.ge @!p0 [sflag:s25], $0x200  }
0x20: {  	s30 =	sshra.s32 @!p0 s18, $0x2;
	s23 =	smul.u32 $0xFFFFE800, s23;
	[sflag:s25] =	ssyncset.done @!p0 $0x0  }
0x21: {  	s29 =	smul.u32 $0x55555556, s29;
	s24 =	sshra.s32 s24, $0x2;
	[sflag:s25] =	ssyncadd.s32 @!p0 $0xFFFFFE00  }
0x22: {  	s23 =	sshra.s32 s23, $0x2;
	s24 =	sadd.s32 @!p0 s30, s24;
	_ =	swait.ge @!p0 [sflag:s25], $0x200  }
0x23: {  	s30 =	sand.u32 @!p0 $0x2000, s21;
	s31 =	rddreg [dreg:$0x3];
	[sflag:s25] =	ssyncset.done @!p0 $0x0  }
0x24: {  	[sflag:s25] =	ssyncadd.s32 @!p0 $0xFFFFFE00;
	s25 =	sor.u32 @!p0 $0xC00, s30;
	s30 =	simm.s32 @!p0 $0x200  }
0x25: {  	[tilespmem:s25], [sflag:$0x1] =	stream.indirect.gather @!p0 [hbm4b:s31+s30], $0x10, s24, s30, $0xb8;
	[tilespmem:$0x1D380] =	vst v63  }
0x26: {  	s24 =	sadd.s32 $0x200, s23;
	s31 =	sadd.s32 s29, s28;
	p0 =	sge.u32 s26, s4  }
0x27: {  	s23 =	sadd.s32 $0x800, s23;
	s28 =	sshrl.u32 s31, $0x1F;
	s29 =	sshra.s32 @!p0 s18, $0x2  }
0x28: {  	s25 =	sadd.s32 s28, s31;
	s24 =	sadd.s32 @!p0 s29, s24;
	s28 =	simm.s32 @!p0 $0x0  }
0x29: {  	[tilespmem:s24], [sflag:$0x3] =	stream.linear.gather @!p0 [hbm4b:s19+s28], $0x200, $0x38;
	[tilespmem:$0x1D380] =	vst v63  }
0x2a: {  	s23 =	sadd.s32 @!p0 s29, s23;
	s30 =	smul.u32 $0x3, s25  }
0x2b: {  	[tilespmem:s23], [sflag:$0x3] =	stream.linear.gather @!p0 [hbm4b:s20+s28], $0x200, $0x38;
	[tilespmem:$0x1D380] =	vst v63  }
0x2c: {  	p0 =	sge.u32 s22, s4;
	s22 =	ssub.s32 s22, s30  }
0x2d: {  	s23 =	sxor.u32 @!p0 $0xFFFFFFFF, s21;
	p1 =	slt.s32 @!p0 s22, $0x0;
	s24 =	simm.s32 @!p0 $0x1  }
0x2e: {  	s22 =	sshll.u32 @!p0 s22, $0x9;
	s23 =	sand.u32 @!p0 $0x2000, s23;
	_ =	swait.ge @!p0 [sflag:s24], $0x2000  }
0x2f: {  	s25 =	sadd.s32 @!p0 $0x600, s22;
	p1 =	por !p1, p0;
	s23 =	sor.u32 @!p0 $0xC00, s23  }
0x30: {  	[sflag:s24] =	ssyncset.done @!p0 $0x0;
	s25 =	smov.u32 @p1 s22;
	s31 =	rddreg [dreg:$0x4]  }
0x31: {  	[sflag:s24] =	ssyncadd.s32 @!p0 $0xFFFFE000;
	s24 =	sadd.s32 @!p0 $0x600, s25;
	s25 =	simm.s32 @!p0 $0x200  }
0x32: {  	[spmem:s2] =	stream.indirect.scatter.add.f32 @!p0 [tilespmem:s23], [sflag:$0x2], $0x10, s24, s25, $0xb8;
	[tilespmem:$0x1D380] =	vst v63  }
0x33: {  	p0 =	sne.s32 s31, s26  }
.Ltmp0:
0x34: {  	_ = 	snop;
	(pc) =	sbr.rel @p0 .LBB2_2-.Ltmp0, $3  }
0x35: {  	_ =	sdelay $0x1  }
0x36: {  	s17 =	sadd.s32 $0x1, s17;
	s18 =	sadd.s32 $0x800, s18;
	s19 =	sadd.s32 $0x40, s19  }
0x37: {  	s20 =	sadd.s32 $0x40, s20;
	s21 =	sadd.s32 $0x2000, s21;
	s22 =	smov.u32 s26  }
0x38: {  	s16 =	sadd.s32 $0x1, s16  }
0x39: {  	p0 =	sne.s32 s16, s10  }
.Ltmp1:
0x3a: {  	[bflag:$0x0] =	sbarrier.arrive $0xFFFF;
	(pc) =	sbr.rel @p0 .LBB2_1-.Ltmp1, $4  }
0x3b: {  	[hbm:s9], [sflag:s6] =	dma.local [spmem:s13], $0x30F0  }
0x3c: {  	_ =	swait.ge [sflag:s14], $0x30F0  }
0x3d: {  	[sflag:s14] =	ssyncset.done $0x0  }
0x3e: {  	[sflag:s14] =	ssyncadd.s32 $0xFFFFCF10  }
0x3f: {  	_ =	sfence.sel $0x180000  }
0x40: {  	[bflag:$0x0] =	sbarrier.arrive $0xFFFF  }
0x41: {  	p0 =	sne.s32 s1, $0x0;
	_ =	strace $0x9000004D  }
0x42: {  	s0 =	sadd.s32 @!p0 $0x100000, s0;
	[bflag:$0x2] =	sbarrier.arrive $0xFFFF  }
0x43: {  	[sflag:s0] =	ssyncadd.tile.s32 @!p0 $0x1;
	_ =	shalt  }
.Lfunc_end2:
_tile_overlayer_lowered:
.L_overlay_start_2:
0x44: {  	(tag) =	ssettag $0x2  }
0x45: {  	s0 =	rddreg [dreg:$0x0];
	s2 =	stileid.u32  }
0x46: {  	s1 =	rddreg [dreg:$0x1];
	p0 =	sne.s32 s2, $0x0  }
0x47: {  	s3 =	rddreg [dreg:$0x2];
	[bflag:$0x3] =	sbarrier.arrive $0xFFFF;
	s2 =	simm.s32 @!p0 $0x1C04  }
0x48: {  	[timem:s3], [sflag:s2] =	dma.local @!p0 [hbm:s0], s1  }
0x49: {  	s0 =	simm.s32 @!p0 $0x4  }
0x4a: {  	_ =	swait.ge @!p0 [sflag:s0], s1  }
0x4b: {  	s1 =	ssub.s32 @!p0 $0x0, s1;
	[sflag:s0] =	ssyncset.done @!p0 $0x0  }
0x4c: {  	[sflag:s0] =	ssyncadd.s32 @!p0 s1  }
0x4d: {  	[bflag:$0x3] =	sbarrier.arrive $0xFFFF  }
0x4e: {  	_ =	shalt  }

// kernel: kernel.9.cloned.1.call-start
scs
__scs_entry_jumppad:
0x0: {  	(pc) =	sbr.rel $0x88, $3  }
0x1: {  	(tag) =	ssettag $0x0;
	lr =	simm.s32 $0x1  }
0x2: {  	[smem:$0x3F90] =	sst lr;
	_ =	strace $0xD0000000  }
0x3: {  	_ = 	snop  }
0x4: {  	_ = 	snop  }
0x5: {  	_ = 	snop  }
0x6: {  	_ = 	snop  }
0x7: {  	_ = 	snop  }
__scs_overlays_trampoline_lowered:
0x8: {  	[smem:$0x3F9F] =	sst s0  }
0x9: {  	[smem:$0x3FA0] =	sst s1  }
0xa: {  	[smem:$0x3FA1] =	sst s2  }
0xb: {  	[smem:$0x3FA2] =	sst s3  }
0xc: {  	[smem:$0x3FA3] =	sst s4  }
0xd: {  	[smem:$0x3FA4] =	sst s5  }
0xe: {  	[smem:$0x3FA5] =	sst s6  }
0xf: {  	[smem:$0x3FA6] =	sst s7  }
0x10: {  	[smem:$0x3FA7] =	sst s8  }
0x11: {  	[smem:$0x3FA8] =	sst s9;
	s0 =	simm.s32 @!p0 $0x0  }
0x12: {  	s1 =	sld [smem:$0x3F8E];
	s0 =	simm.s32 @p0 $0x1  }
0x13: {  	[smem:$0x3FA9] =	sst s0;
	s0 =	simm.s32 @!p1 $0x0  }
0x14: {  	s2 =	sld [smem:$0x3F8D];
	s0 =	simm.s32 @p1 $0x1  }
0x15: {  	[smem:$0x3FAA] =	sst s0;
	s0 =	simm.s32 @!p2 $0x0  }
0x16: {  	s3 =	sld [smem:$0x3FDB];
	s0 =	simm.s32 @p2 $0x1  }
0x17: {  	s4 =	simm.s32 $0x1BF5;
	[smem:$0x3FAC] =	sst s0  }
0x18: {  	s0 =	sld [smem:$0x3F8F];
	_ =	swait.ge [sflag:s4], $0x0  }
0x19: {  	s7 =	sld [smem:$0x3F90]  }
0x1a: {  	s8 =	sadd.s32 $0xFFFFE003, lr  }
0x1b: {  	s9 =	sadd.s32 $0xFFFFFEF7, lr;
	s5 =	simm.s32 $0xFFFFFFFF;
	p2 =	slt.u32 s8, $0xFFFFF086  }
0x1c: {  	p1 =	slt.u32 s9, $0xF7A;
	s5 =	simm.s32 @!p2 $0x0  }
0x1d: {  	s5 =	simm.s32 @p1 $0x1;
	p0 =	seq.s32 s7, s2  }
0x1e: {  	s7 =	smul.u32 @!p0 $0xF7A, s2;
	p2 =	seq.s32 @!p0 s5, $0x0  }
0x1f: {  	s9 =	smul.u32 $0xF7A, s1;
	s8 =	simm.s32 @!p0 $0x1BF5;
	p2 =	por !p2, p0  }
0x20: {  	[sflag:s8] =	ssyncset.s32 @!p0 $0xFFFFF086;
	s6 =	sadd.s32 @!p0 s3, s7;
	s7 =	simm.s32 @!p0 $0x108  }
0x21: {  	s3 =	sadd.s32 s3, s9;
	s6 =	sadd.s32 @!p0 $0x88, s6;
	s7 =	simm.s32 @p2 $0x1082  }
0x22: {  	[simem:s7], [sflag:s8] =	dma.local @!p0 [hbm:s6], $0xF7A  }
0x23: {  	s9 =	sor.u32 $0xD0000000, s2;
	s6 =	simm.s32 $0x108;
	_ =	swait.ge @!p0 [sflag:s8], $0x0  }
0x24: {  	s3 =	sadd.s32 $0x88, s3;
	s6 =	simm.s32 @!p1 $0x1082;
	[sflag:s4] =	ssyncset.s32 $0xFFFFF086  }
0x25: {  	[simem:s6], [sflag:s4] =	dma.local [hbm:s3], $0xF7A  }
0x26: {  	[smem:$0x3F90] =	sst s1;
	(tag) =	ssettag s2;
	_ =	strace s9  }
0x27: {  	s1 =	sld [smem:$0x3FA0]  }
0x28: {  	s2 =	sld [smem:$0x3FA1]  }
0x29: {  	s4 =	sld [smem:$0x3FA3]  }
0x2a: {  	p0 =	seq.s32 s5, $0x0;
	s5 =	sld [smem:$0x3FA4]  }
0x2b: {  	s6 =	sld [smem:$0x3FA5]  }
0x2c: {  	s7 =	sld [smem:$0x3FA6]  }
0x2d: {  	s3 =	simm.s32 $0x108;
	s8 =	sld [smem:$0x3FA7]  }
0x2e: {  	s3 =	simm.s32 @!p0 $0x1082;
	s9 =	sld [smem:$0x3FA8]  }
0x2f: {  	lr =	sadd.s32 s0, s3;
	s0 =	sld [smem:$0x3F9F]  }
0x30: {  	s3 =	sld [smem:$0x3FA2]  }
0x31: {  	[smem:$0x3FAB] =	sst s10  }
0x32: {  	s10 =	sld [smem:$0x3FA9];
	_ =	sdelay $0x3  }
0x33: {  	p0 =	seq.s32 s10, $0x1;
	s10 =	sld [smem:$0x3FAB];
	_ =	sdelay $0x3  }
0x34: {  	[smem:$0x3FAB] =	sst s10  }
0x35: {  	s10 =	sld [smem:$0x3FAA];
	_ =	sdelay $0x3  }
0x36: {  	p1 =	seq.s32 s10, $0x1;
	s10 =	sld [smem:$0x3FAB];
	_ =	sdelay $0x3  }
0x37: {  	[smem:$0x3FAB] =	sst s10  }
0x38: {  	s10 =	sld [smem:$0x3FAC]  }
0x39: {  	_ = 	snop;
	(pc) =	sbr.ind lr, $3  }
0x3a: {  	_ = 	snop  }
0x3b: {  	_ = 	snop  }
0x3c: {  	p2 =	seq.s32 s10, $0x1;
	s10 =	sld [smem:$0x3FAB]  }
0x3d: {  	_ =	shalt  }
0x3e: {  	_ =	shalt  }
0x3f: {  	_ =	shalt  }
0x40: {  	_ =	shalt  }
0x41: {  	_ =	shalt  }
0x42: {  	_ =	shalt  }
0x43: {  	_ =	shalt  }
0x44: {  	_ =	shalt  }
0x45: {  	_ =	shalt  }
0x46: {  	_ =	shalt  }
0x47: {  	_ =	shalt  }
0x48: {  	_ =	shalt  }
0x49: {  	_ =	shalt  }
0x4a: {  	_ =	shalt  }
0x4b: {  	_ =	shalt  }
0x4c: {  	_ =	shalt  }
0x4d: {  	_ =	shalt  }
0x4e: {  	_ =	shalt  }
0x4f: {  	_ =	shalt  }
0x50: {  	_ =	shalt  }
0x51: {  	_ =	shalt  }
0x52: {  	_ =	shalt  }
0x53: {  	_ =	shalt  }
0x54: {  	_ =	shalt  }
0x55: {  	_ =	shalt  }
0x56: {  	_ =	shalt  }
0x57: {  	_ =	shalt  }
0x58: {  	_ =	shalt  }
0x59: {  	_ =	shalt  }
0x5a: {  	_ =	shalt  }
0x5b: {  	_ =	shalt  }
0x5c: {  	_ =	shalt  }
0x5d: {  	_ =	shalt  }
0x5e: {  	_ =	shalt  }
0x5f: {  	_ =	shalt  }
0x60: {  	_ =	shalt  }
0x61: {  	_ =	shalt  }
0x62: {  	_ =	shalt  }
0x63: {  	_ =	shalt  }
0x64: {  	_ =	shalt  }
0x65: {  	_ =	shalt  }
0x66: {  	_ =	shalt  }
0x67: {  	_ =	shalt  }
0x68: {  	_ =	shalt  }
0x69: {  	_ =	shalt  }
0x6a: {  	_ =	shalt  }
0x6b: {  	_ =	shalt  }
0x6c: {  	_ =	shalt  }
0x6d: {  	_ =	shalt  }
0x6e: {  	_ =	shalt  }
0x6f: {  	_ =	shalt  }
0x70: {  	_ =	shalt  }
0x71: {  	_ =	shalt  }
0x72: {  	_ =	shalt  }
0x73: {  	_ =	shalt  }
0x74: {  	_ =	shalt  }
0x75: {  	_ =	shalt  }
0x76: {  	_ =	shalt  }
0x77: {  	_ =	shalt  }
0x78: {  	_ =	shalt  }
0x79: {  	_ =	shalt  }
0x7a: {  	_ =	shalt  }
0x7b: {  	_ =	shalt  }
0x7c: {  	_ =	shalt  }
0x7d: {  	_ =	shalt  }
0x7e: {  	_ =	shalt  }
0x7f: {  	_ =	shalt  }
0x80: {  	_ =	shalt  }
0x81: {  	_ =	shalt  }
0x82: {  	_ =	shalt  }
0x83: {  	_ =	shalt  }
0x84: {  	_ =	shalt  }
0x85: {  	_ =	shalt  }
0x86: {  	_ =	shalt  }
0x87: {  	_ =	shalt  }
.Lfunc_end0:
.L_simem_size_0:
called_computation_lowered:
.L_overlay_start_0:
0x88: {  	s2 =	sld [smem:$0x3FD9]  }
0x89: {  	s3 =	sld [smem:$0x3FFE];
	_ =	sdelay $0x1  }
0x8a: {  	s1 =	srdreg.scid  }
0x8b: {  	s0 =	sand.u32 $0x1, s1  }
0x8c: {  	s16 =	sshll.u32 s0, $0xA;
	s2 =	sadd.s32 s3, s2  }
0x8d: {  	s2 =	sadd.s32 s2, s16  }
0x8e: {  	[smem:$0x3FB7] =	sst s2  }
0x8f: {  	_ = 	snop  }
0x90: {  	(tm) =	ssettm $0x1  }
0x91: {  	s17 =	sld [smem:$0x3FFB];
	_ =	sdelay $0x3  }
0x92: {  	_ =	strace s17  }
0x93: {  	s2 =	sld [smem:$0x3FFC];
	_ =	sdelay $0x3  }
0x94: {  	_ =	strace s2  }
0x95: {  	s2 =	sld [smem:$0x3FFD];
	_ =	sdelay $0x3  }
0x96: {  	_ =	strace s2  }
0x97: {  	_ =	strace $0x8FFFFFFF  }
0x98: {  	s18 =	sld [smem:$0x3FDB];
	_ =	sdelay $0x1  }
0x99: {  	s19 =	simm.s32 $_scs_section_size  }
0x9a: {  	s4 =	simm.s32 $_size__tile_overlayer_lowered;
	s5 =	simm.s32 $_tile_overlayer_lowered  }
0x9b: {  	s22 =	simm.s32 $0x1BFF;
	s21 =	sshll.u32 s5, $0x1;
	s2 =	sadd.s32 s19, s18  }
0x9c: {  	s6 =	simm.s32 $0x0;
	s20 =	sshll.u32 s4, $0x1;
	s4 =	sadd.s32 s21, s2  }
0x9d: {  	[timem:s6], [sflag:s22] =	dma.local [hbm:s4], s20  }
0x9e: {  	_ =	swait.ge [sflag:s22], s20  }
0x9f: {  	s3 =	ssub.s32 $0x0, s20;
	[sflag:s22] =	ssyncset.done $0x0  }
0xa0: {  	[sflag:s22] =	ssyncadd.s32 s3;
	_ =	sdelay $0x1  }
0xa1: {  	s23 =	simm.s32 $0x1B8B  }
0xa2: {  	_ =	swait.ge [sflag:s23], $0x1  }
0xa3: {  	[sflag:s23] =	ssyncset.done $0x0  }
0xa4: {  	s25 =	simm.s32 $0x1B8E;
	s24 =	sld [smem:$0x3FFE];
	[sflag:s23] =	ssyncadd.s32 $0xFFFFFFFF  }
0xa5: {  	s26 =	simm.s32 $execute0_lowered;
	[smem:$0x3FD2] =	sst s25  }
0xa6: {  	s4 =	sshll.u32 s26, $0x1;
	_ =	strace $0x80000046;
	[dreg:$0x1] =	wrdreg $0xFFFFFFFF  }
0xa7: {  	s28 =	simm.s32 $_size_execute0_lowered;
	s2 =	sadd.s32 s2, s4;
	[dreg:$0x0] =	wrdreg $0x0  }
0xa8: {  	s4 =	sshll.u32 s28, $0x1;
	[dreg:$0x2] =	wrdreg s2  }
0xa9: {  	[dreg:$0x3] =	wrdreg s4  }
0xaa: {  	[dreg:$0x4] =	wrdreg $0xC0  }
0xab: {  	_ =	task [dreg:s6], $0x5FFFF  }
0xac: {  	[dreg:$0x1] =	wrdreg $0xFFFFFFFF  }
0xad: {  	[dreg:$0x0] =	wrdreg $0x60  }
0xae: {  	[dreg:$0x2] =	wrdreg s24  }
0xaf: {  	[dreg:$0x3] =	wrdreg $0x4C000  }
0xb0: {  	[dreg:$0x4] =	wrdreg $0x9  }
0xb1: {  	_ =	task.clear_ibuf [dreg:s6], $0x5FFFF;
	_ =	strace $0x90000046  }
0xb2: {  	s29 =	simm.s32 $0x9;
	_ =	strace $0x80000048  }
0xb3: {  	_ =	swait.ge [sflag:s29], $0x1  }
0xb4: {  	[sflag:s29] =	ssyncadd.s32 $0xFFFFFFFF  }
0xb5: {  	_ =	strace $0x90000048  }
0xb6: {  	_ =	sfence  }
0xb7: {  	s30 =	sld [smem:$0x0];
	_ =	sdelay $0x2  }
0xb8: {  	s31 =	sshll.u32 s1, $0xD;
	s1 =	sshrl.u32 s1, $0x2  }
0xb9: {  	s3 =	sand.u32 $0x4000, s31;
	s1 =	sadd.s32 s1, s30  }
0xba: {  	s0 =	sor.u32 s3, s0;
	s1 =	sshll.u32 s1, $0x11  }
0xbb: {  	s0 =	sor.u32 s1, s0  }
0xbc: {  	s0 =	sadd.s32 $0x8F2B, s0  }
0xbd: {  	[sflag:s0] =	ssyncadd.remote.s32 $0x1  }
0xbe: {  	_ =	sfence.sel $0xFFFF  }
0xbf: {  	[dreg:$0x0] =	wrdreg $0xFFFFFFFF;
	(pc) =	sbr.abs _section_cstart, $3  }
0xc0: {  	[dreg:$0x1] =	wrdreg $0xFFFFFFFF  }
0xc1: {  	_ =	task.clear_ibuf [dreg:s6], $0x2FFFF;
	_ =	strace $0x9FFFFFFF  }
0xc2: {  	(tm) =	ssettm $0x7FFFFFFF  }
0xc3: {  	_ =	shalt  }
tec
execute0_lowered:
.L_overlay_start_1:
0x0: {  	(tag) =	ssettag $0x1  }
0x1: {  	s4 =	rddreg [dreg:$0x0]  }
0x2: {  	s2 =	rddreg [dreg:$0x1]  }
0x3: {  	s0 =	rddreg [dreg:$0x2];
	s1 =	stileid.u32  }
0x4: {  	s3 =	simm.s32 $0x0;
	s5 =	srdreg.scid;
	s6 =	smul.u32 $0x50, s1  }
0x5: {  	s15 =	simm.s32 $0x600;
	s16 =	simm.s32 $0x0;
	s7 =	smul.u32 $0x140, s1  }
0x6: {  	[smem:$0x7FF] =	sst s3;
	s5 =	sand.u32 $0x1, s5;
	s8 =	smul.u32 $0x18780, s1  }
0x7: {  	s9 =	sadd.s32 $0x10D200, s4;
	s31 =	sshll.u32 s1, $0x6;
	_ =	strace $0x80000047  }
0x8: {  	p0 =	seq.s32 s5, $0x0;
	s26 =	smul.u32 $0x187800, s5;
	[dreg:$0x3] =	wrdreg s9  }
0x9: {  	s5 =	ssub.s32 $0x2, s5;
	s6 =	sadd.s32 $0x1400, s6;
	s29 =	sshrl.u32 s8, $0x3  }
0xa: {  	s30 =	sshrl.u32 s5, $0x1;
	s13 =	sadd.s32 s8, s2;
	s6 =	smov.u32 @p0 s7  }
0xb: {  	s28 =	sadd.s32 s8, s26;
	s7 =	sadd.s32 s29, s4;
	s6 =	sshll.u32 s6, $0x6  }
0xc: {  	s11 =	ssub.s32 s5, s30;
	s12 =	sadd.s32 s6, s4;
	s6 =	sshrl.u32 s28, $0x3  }
0xd: {  	s13 =	sshrl.u32 s13, $0x3;
	s5 =	sadd.s32 $0x13E200, s7;
	s10 =	sadd.s32 s6, s4  }
0xe: {  	s4 =	simm.s32 $0x140;
	s6 =	sor.u32 $0x1C04, s31;
	s7 =	sadd.s32 $0x45200, s12  }
0xf: {  	s8 =	sadd.s32 $0xA9200, s12;
	s4 =	simm.s32 @!p0 $0x50;
	s9 =	sadd.s32 $0x16F200, s10  }
0x10: {  	s10 =	smax.u32 s11, $0x1;
	s11 =	sadd.s32 $0xA9240, s12;
	s14 =	sor.u32 $0x2, s4  }
0x11: {  	s12 =	sadd.s32 $0x45240, s12;
	[dreg:$0x4] =	wrdreg s14;
	s14 =	simm.s32 $0x4  }
.LBB2_1:
0x12: {  	[spmem:s13], [sflag:s6] =	dma.local [hbm:s5], $0x30F0  }
0x13: {  	_ =	swait.ge [sflag:s14], $0x30F0  }
0x14: {  	[sflag:s14] =	ssyncset.done $0x0  }
0x15: {  	s17 =	simm.s32 $0x1;
	[sflag:s14] =	ssyncadd.s32 $0xFFFFCF10  }
0x16: {  	s18 =	simm.s32 $0x0;
	s19 =	smov.u32 s12;
	[bflag:$0x0] =	sbarrier.arrive $0xFFFF  }
0x17: {  	[tilespmem:s3], [sflag:$0x3] =	stream.linear.gather [hbm4b:s7+s3], $0x200, $0x38;
	[tilespmem:$0x1D380] =	vst v63  }
0x18: {  	s20 =	smov.u32 s11;
	s21 =	simm.s32 $0x0;
	s22 =	simm.s32 $0x0  }
0x19: {  	[tilespmem:s15], [sflag:$0x3] =	stream.linear.gather [hbm4b:s8+s3], $0x200, $0x38;
	[tilespmem:$0x1D380] =	vst v63  }
.LBB2_2:
0x1a: {  	s23 =	smulhi.u32 $0xAAAAAAAB, s17;
	p1 =	slt.u32 s22, $0x2  }
0x1b: {  	s24 =	smulhi.u32 $0xAAAAAAAB, s22;
	p0 =	sge.u32 s22, s4;
	s25 =	simm.s32 @!p1 $0x2  }
0x1c: {  	s26 =	sadd.s32 $0x1, s22;
	s22 =	sadd.s32 $0xFFFFFFFF, s22;
	_ =	swait.ge @!p1 [sflag:s25], $0x2000  }
0x1d: {  	s28 =	smulhi.u32 $0x55555556, s22;
	s29 =	sshra.s32 s22, $0x1F;
	[sflag:s25] =	ssyncset.done @!p1 $0x0  }
0x1e: {  	s24 =	sshrl.u32 s24, $0x1;
	[sflag:s25] =	ssyncadd.s32 @!p1 $0xFFFFE000;
	s25 =	simm.s32 @!p0 $0x3  }
0x1f: {  	s23 =	sshrl.u32 s23, $0x1;
	s24 =	smul.u32 $0xFFFFE800, s24;
	_ =	swait.ge @!p0 [sflag:s25], $0x200  }
0x20: {  	s30 =	sshra.s32 @!p0 s18, $0x2;
	s23 =	smul.u32 $0xFFFFE800, s23;
	[sflag:s25] =	ssyncset.done @!p0 $0x0  }
0x21: {  	s29 =	smul.u32 $0x55555556, s29;
	s24 =	sshra.s32 s24, $0x2;
	[sflag:s25] =	ssyncadd.s32 @!p0 $0xFFFFFE00  }
0x22: {  	s23 =	sshra.s32 s23, $0x2;
	s24 =	sadd.s32 @!p0 s30, s24;
	_ =	swait.ge @!p0 [sflag:s25], $0x200  }
0x23: {  	s30 =	sand.u32 @!p0 $0x2000, s21;
	s31 =	rddreg [dreg:$0x3];
	[sflag:s25] =	ssyncset.done @!p0 $0x0  }
0x24: {  	[sflag:s25] =	ssyncadd.s32 @!p0 $0xFFFFFE00;
	s25 =	sor.u32 @!p0 $0xC00, s30;
	s30 =	simm.s32 @!p0 $0x200  }
0x25: {  	[tilespmem:s25], [sflag:$0x1] =	stream.indirect.gather @!p0 [hbm4b:s31+s30], $0x10, s24, s30, $0xb8;
	[tilespmem:$0x1D380] =	vst v63  }
0x26: {  	s24 =	sadd.s32 $0x200, s23;
	s31 =	sadd.s32 s29, s28;
	p0 =	sge.u32 s26, s4  }
0x27: {  	s23 =	sadd.s32 $0x800, s23;
	s28 =	sshrl.u32 s31, $0x1F;
	s29 =	sshra.s32 @!p0 s18, $0x2  }
0x28: {  	s25 =	sadd.s32 s28, s31;
	s24 =	sadd.s32 @!p0 s29, s24;
	s28 =	simm.s32 @!p0 $0x0  }
0x29: {  	[tilespmem:s24], [sflag:$0x3] =	stream.linear.gather @!p0 [hbm4b:s19+s28], $0x200, $0x38;
	[tilespmem:$0x1D380] =	vst v63  }
0x2a: {  	s23 =	sadd.s32 @!p0 s29, s23;
	s30 =	smul.u32 $0x3, s25  }
0x2b: {  	[tilespmem:s23], [sflag:$0x3] =	stream.linear.gather @!p0 [hbm4b:s20+s28], $0x200, $0x38;
	[tilespmem:$0x1D380] =	vst v63  }
0x2c: {  	p0 =	sge.u32 s22, s4;
	s22 =	ssub.s32 s22, s30  }
0x2d: {  	s23 =	sxor.u32 @!p0 $0xFFFFFFFF, s21;
	p1 =	slt.s32 @!p0 s22, $0x0;
	s24 =	simm.s32 @!p0 $0x1  }
0x2e: {  	s22 =	sshll.u32 @!p0 s22, $0x9;
	s23 =	sand.u32 @!p0 $0x2000, s23;
	_ =	swait.ge @!p0 [sflag:s24], $0x2000  }
0x2f: {  	s25 =	sadd.s32 @!p0 $0x600, s22;
	p1 =	por !p1, p0;
	s23 =	sor.u32 @!p0 $0xC00, s23  }
0x30: {  	[sflag:s24] =	ssyncset.done @!p0 $0x0;
	s25 =	smov.u32 @p1 s22;
	s31 =	rddreg [dreg:$0x4]  }
0x31: {  	[sflag:s24] =	ssyncadd.s32 @!p0 $0xFFFFE000;
	s24 =	sadd.s32 @!p0 $0x600, s25;
	s25 =	simm.s32 @!p0 $0x200  }
0x32: {  	[spmem:s2] =	stream.indirect.scatter.add.f32 @!p0 [tilespmem:s23], [sflag:$0x2], $0x10, s24, s25, $0xb8;
	[tilespmem:$0x1D380] =	vst v63  }
0x33: {  	p0 =	sne.s32 s31, s26  }
.Ltmp0:
0x34: {  	_ = 	snop;
	(pc) =	sbr.rel @p0 .LBB2_2-.Ltmp0, $3  }
0x35: {  	_ =	sdelay $0x1  }
0x36: {  	s17 =	sadd.s32 $0x1, s17;
	s18 =	sadd.s32 $0x800, s18;
	s19 =	sadd.s32 $0x40, s19  }
0x37: {  	s20 =	sadd.s32 $0x40, s20;
	s21 =	sadd.s32 $0x2000, s21;
	s22 =	smov.u32 s26  }
0x38: {  	s16 =	sadd.s32 $0x1, s16  }
0x39: {  	p0 =	sne.s32 s16, s10  }
.Ltmp1:
0x3a: {  	[bflag:$0x0] =	sbarrier.arrive $0xFFFF;
	(pc) =	sbr.rel @p0 .LBB2_1-.Ltmp1, $4  }
0x3b: {  	[hbm:s9], [sflag:s6] =	dma.local [spmem:s13], $0x30F0  }
0x3c: {  	_ =	swait.ge [sflag:s14], $0x30F0  }
0x3d: {  	[sflag:s14] =	ssyncset.done $0x0  }
0x3e: {  	[sflag:s14] =	ssyncadd.s32 $0xFFFFCF10  }
0x3f: {  	_ =	sfence.sel $0x180000  }
0x40: {  	[bflag:$0x0] =	sbarrier.arrive $0xFFFF  }
0x41: {  	p0 =	sne.s32 s1, $0x0;
	_ =	strace $0x90000047  }
0x42: {  	s0 =	sadd.s32 @!p0 $0x100000, s0;
	[bflag:$0x2] =	sbarrier.arrive $0xFFFF  }
0x43: {  	[sflag:s0] =	ssyncadd.tile.s32 @!p0 $0x1;
	_ =	shalt  }
.Lfunc_end2:
_tile_overlayer_lowered:
.L_overlay_start_2:
0x44: {  	(tag) =	ssettag $0x2  }
0x45: {  	s0 =	rddreg [dreg:$0x0];
	s2 =	stileid.u32  }
0x46: {  	s1 =	rddreg [dreg:$0x1];
	p0 =	sne.s32 s2, $0x0  }
0x47: {  	s3 =	rddreg [dreg:$0x2];
	[bflag:$0x3] =	sbarrier.arrive $0xFFFF;
	s2 =	simm.s32 @!p0 $0x1C04  }
0x48: {  	[timem:s3], [sflag:s2] =	dma.local @!p0 [hbm:s0], s1  }
0x49: {  	s0 =	simm.s32 @!p0 $0x4  }
0x4a: {  	_ =	swait.ge @!p0 [sflag:s0], s1  }
0x4b: {  	s1 =	ssub.s32 @!p0 $0x0, s1;
	[sflag:s0] =	ssyncset.done @!p0 $0x0  }
0x4c: {  	[sflag:s0] =	ssyncadd.s32 @!p0 s1  }
0x4d: {  	[bflag:$0x3] =	sbarrier.arrive $0xFFFF  }
0x4e: {  	_ =	shalt  }

</sc_bundles>
